<compile_context>
chip_gen: v7x
topology: tpu7x:2x2x1
jax: 0.10.2.dev20260603
libtpu: 0.0.44.dev20260713+nightly
codegen_flags: <defaults>
</compile_context>

<pallas_src>
import jax
import jax.numpy as jnp
from jax import lax
from jax.experimental import pallas as pl
from jax.experimental.pallas import tpu as pltpu
from jax.experimental.pallas import tpu_sc as plsc

_MAX_VAL = 16383
_D = 1024
_S = 32768

_NW = 32
_CHUNK = _S // _NW
_R = 16
_NB = _CHUNK // _R
_W = 4
_GROUPS = _CHUNK // 16


def _windowed_route(table_hbm, out_hbm, src_idx, dst_idx, nb,
                    bufs, gsems, ssems, lin_info=None):

    def _gather(b, k):
        if lin_info is None:
            pltpu.async_copy(table_hbm.at[src_idx.at[b]], bufs[k], gsems[k])
            return
        lin_base, cnt = lin_info
        lin_ok = ((b + 1) * _R <= cnt) & (lin_base + (b + 1) * _R - 1 <= _MAX_VAL)

        @pl.when(lin_ok)
        def _():
            pltpu.async_copy(table_hbm.at[pl.ds(lin_base + b * _R, _R)],
                             bufs[k], gsems[k])

        @pl.when(jnp.logical_not(lin_ok))
        def _():
            pltpu.async_copy(table_hbm.at[src_idx.at[b]], bufs[k], gsems[k])

    def _gather_wait(b, k):
        if lin_info is None:
            pltpu.make_async_copy(table_hbm.at[src_idx.at[b]], bufs[k],
                                  gsems[k]).wait()
            return
        lin_base, cnt = lin_info
        lin_ok = ((b + 1) * _R <= cnt) & (lin_base + (b + 1) * _R - 1 <= _MAX_VAL)

        @pl.when(lin_ok)
        def _():
            pltpu.make_async_copy(table_hbm.at[pl.ds(lin_base + b * _R, _R)],
                                  bufs[k], gsems[k]).wait()

        @pl.when(jnp.logical_not(lin_ok))
        def _():
            pltpu.make_async_copy(table_hbm.at[src_idx.at[b]], bufs[k],
                                  gsems[k]).wait()

    nwin = (nb + _W - 1) >> 2

    @pl.when(nb > 0)
    def _():
        bs = [jnp.minimum(k, nb - 1) for k in range(_W)]
        for k in range(_W):
            _gather(bs[k], k)
        for k in range(_W):
            _gather_wait(bs[k], k)
            pltpu.async_copy(bufs[k], out_hbm.at[dst_idx.at[bs[k]]],
                             ssems[k])

    def _win(w, _):
        bs = [jnp.minimum(w * _W + k, nb - 1) for k in range(_W)]
        prev = [jnp.minimum((w - 1) * _W + k, nb - 1) for k in range(_W)]
        for k in range(_W):
            pltpu.make_async_copy(bufs[k], out_hbm.at[dst_idx.at[prev[k]]],
                                  ssems[k]).wait()
            _gather(bs[k], k)
        for k in range(_W):
            _gather_wait(bs[k], k)
            pltpu.async_copy(bufs[k], out_hbm.at[dst_idx.at[bs[k]]],
                             ssems[k])
        return 0

    lax.fori_loop(1, nwin, _win, 0)

    @pl.when(nb > 0)
    def _():
        for k in range(_W):
            bk = jnp.minimum((nwin - 1) * _W + k, nb - 1)
            pltpu.make_async_copy(bufs[k], out_hbm.at[dst_idx.at[bk]],
                                  ssems[k]).wait()


def _body(mask_hbm, inputs_hbm, source_hbm, out_hbm,
          mask_v, sidx, didx, qsrc, qdst,
          buf0, buf1, buf2, buf3, g0, g1, g2, g3,
          s0sem, s1sem, s2sem, s3sem):
    bufs = (buf0, buf1, buf2, buf3)
    gsems = (g0, g1, g2, g3)
    ssems = (s0sem, s1sem, s2sem, s3sem)
    cid = lax.axis_index("c")
    sid = lax.axis_index("s")
    wid = sid * 2 + cid
    row0 = wid * _CHUNK

    pltpu.sync_copy(mask_hbm, mask_v)

    lanes = lax.iota(jnp.int32, 16)

    def _base_step(i, acc):
        for k in range(8):
            acc = acc + mask_v[pl.ds(i * 128 + k * 16, 16)]
        return acc

    acc = lax.fori_loop(0, wid * (_CHUNK // 128), _base_step,
                        jnp.zeros((16,), jnp.int32))
    base = plsc.cumsum(acc)[15]

    def _compact_step(g, carry):
        c, u = carry
        v = mask_v[pl.ds(row0 + g * 16, 16)]
        pos = row0 + g * 16 + lanes
        t16 = g * 16 + lanes
        plsc.store_scatter(sidx, [t16 >> 4, t16 & 15],
                           jnp.minimum(base + t16, _MAX_VAL))
        mbits = v > 0
        cs = plsc.cumsum(v)
        t = jnp.maximum(c + cs - 1, 0)
        plsc.store_scatter(didx, [t >> 4, t & 15], pos, mask=mbits)
        t2 = jnp.maximum(u + lanes - cs, 0)
        zbits = jnp.logical_not(mbits)
        plsc.store_scatter(qsrc, [t2 >> 4, t2 & 15], pos, mask=zbits)
        plsc.store_scatter(qdst, [t2 >> 4, t2 & 15], pos, mask=zbits)
        nset = cs[15]
        return (c + nset, u + (16 - nset))

    m_cnt, u_cnt = lax.fori_loop(0, _GROUPS, _compact_step,
                                 (jnp.int32(0), jnp.int32(0)))

    p0 = didx.at[0][pl.ds(0, 16)][0]
    q0 = qsrc.at[0][pl.ds(0, 16)][0]

    nb_m = (m_cnt + (_R - 1)) >> 4
    nb_u = (u_cnt + (_R - 1)) >> 4

    s0 = jnp.minimum(base, _MAX_VAL)

    def _pad_m_step(g, _):
        t = g * 16 + lanes
        padm = t >= m_cnt
        plsc.store_scatter(sidx, [t >> 4, t & 15],
                           jnp.full((16,), s0, jnp.int32), mask=padm)
        plsc.store_scatter(didx, [t >> 4, t & 15],
                           jnp.full((16,), p0, jnp.int32), mask=padm)
        return 0

    lax.fori_loop(m_cnt >> 4, nb_m, _pad_m_step, 0)

    def _pad_u_step(g, _):
        t = g * 16 + lanes
        padu = t >= u_cnt
        plsc.store_scatter(qsrc, [t >> 4, t & 15],
                           jnp.full((16,), q0, jnp.int32), mask=padu)
        plsc.store_scatter(qdst, [t >> 4, t & 15],
                           jnp.full((16,), q0, jnp.int32), mask=padu)
        return 0

    lax.fori_loop(u_cnt >> 4, nb_u, _pad_u_step, 0)

    _windowed_route(source_hbm, out_hbm, sidx, didx, nb_m,
                    bufs, gsems, ssems)

    _windowed_route(inputs_hbm, out_hbm, qsrc, qdst, nb_u,
                    bufs, gsems, ssems)


_sc_route = pl.kernel(
    _body,
    out_type=jax.ShapeDtypeStruct((_S, _D), jnp.float32),
    mesh=plsc.VectorSubcoreMesh(core_axis_name="c", subcore_axis_name="s"),
    scratch_types=[
        pltpu.VMEM((_S,), jnp.int32),
        pltpu.VMEM((_NB, _R), jnp.int32),
        pltpu.VMEM((_NB, _R), jnp.int32),
        pltpu.VMEM((_NB, _R), jnp.int32),
        pltpu.VMEM((_NB, _R), jnp.int32),
        *[pltpu.VMEM((_R, _D), jnp.float32) for _ in range(_W)],
        *[pltpu.SemaphoreType.DMA for _ in range(2 * _W)],
    ],
    compiler_params=pltpu.CompilerParams(needs_layout_passes=False),
)


@jax.jit
def kernel(inputs_embeds_row, mask_1d, source):
    return _sc_route(mask_1d.astype(jnp.int32), inputs_embeds_row, source)

# --- scband reference (transcript-rebuilt; emitter-appended) ---
"""Pipeline reference for scband-full-new-decomp-v2-12678743457882 (READ-ONLY COPY).

The authoritative reference and input builder live on the scoring server;
editing this copy changes nothing except your own understanding.
"""

import jax, jax.numpy as jnp
import numpy as np

MAX_VAL = 16383
D = 1024
S = 32768


def setup_inputs(seed: int = 0) -> dict:
    key = jax.random.key(seed)
    k1, k2, k3 = jax.random.split(key, 3)
    inputs_embeds_row = jax.random.normal(k1, (S, D), dtype=jnp.float32)
    mask_1d = jax.random.randint(k2, (S,), 0, 2).astype(jnp.bool_)
    source = jax.random.normal(k3, (MAX_VAL + 1, D), dtype=jnp.float32)
    return {"inputs_embeds_row": inputs_embeds_row, "mask_1d": mask_1d, "source": source}


def reference(inputs_embeds_row, mask_1d, source):
    s = inputs_embeds_row.shape[0]
    mask_i = mask_1d.astype(jnp.int32)
    source_idx = jnp.cumsum(mask_i, axis=0) - 1
    source_idx = jnp.clip(source_idx, 0, MAX_VAL)
    flat_source = source.reshape(-1)
    col_idx = jnp.arange(D, dtype=source_idx.dtype)
    flat_idx = source_idx[:, None] * D + col_idx[None, :]
    gathered_rows = flat_source[flat_idx.reshape(-1)].reshape(s, D)
    return jnp.where(mask_1d[:, None], gathered_rows, inputs_embeds_row)

if __name__ == "__main__":
    import jax
    _d = setup_inputs()
    print(jax.jit(kernel)(*tuple(_d.values())))

</pallas_src>

<mosaic_0001>
#map = affine_map<(d0, d1) -> (0)>
#map1 = affine_map<(d0, d1) -> (0, 0)>
module attributes {stable_mosaic.version = 14 : i64} {
  func.func @_body(%arg0: i32, %arg1: i32, %arg2: memref<32768xi32, #tpu.memory_space<hbm>>, %arg3: memref<32768x1024xf32, #tpu.memory_space<hbm>>, %arg4: memref<16384x1024xf32, #tpu.memory_space<hbm>>, %arg5: memref<32768x1024xf32, #tpu.memory_space<hbm>>, %arg6: memref<32768xi32, #tpu.memory_space<vmem>>, %arg7: memref<64x16xi32, #tpu.memory_space<vmem>>, %arg8: memref<64x16xi32, #tpu.memory_space<vmem>>, %arg9: memref<64x16xi32, #tpu.memory_space<vmem>>, %arg10: memref<64x16xi32, #tpu.memory_space<vmem>>, %arg11: memref<16x1024xf32, #tpu.memory_space<vmem>>, %arg12: memref<16x1024xf32, #tpu.memory_space<vmem>>, %arg13: memref<16x1024xf32, #tpu.memory_space<vmem>>, %arg14: memref<16x1024xf32, #tpu.memory_space<vmem>>, %arg15: memref<!tpu.dma_semaphore, #tpu.memory_space<semaphore_mem>>, %arg16: memref<!tpu.dma_semaphore, #tpu.memory_space<semaphore_mem>>, %arg17: memref<!tpu.dma_semaphore, #tpu.memory_space<semaphore_mem>>, %arg18: memref<!tpu.dma_semaphore, #tpu.memory_space<semaphore_mem>>, %arg19: memref<!tpu.dma_semaphore, #tpu.memory_space<semaphore_mem>>, %arg20: memref<!tpu.dma_semaphore, #tpu.memory_space<semaphore_mem>>, %arg21: memref<!tpu.dma_semaphore, #tpu.memory_space<semaphore_mem>>, %arg22: memref<!tpu.dma_semaphore, #tpu.memory_space<semaphore_mem>>) attributes {dimension_semantics = [#tpu.dimension_semantics<core_parallel>, #tpu.dimension_semantics<subcore_parallel>], iteration_bounds = array<i64: 2, 16>, scalar_prefetch = 0 : i64, scratch_operands = 17 : i64, tpu.core_type = #tpu.core_type<sc_vector_subcore>, window_params = [{transform_indices = #map}, {transform_indices = #map1}, {transform_indices = #map1}, {transform_indices = #map1}]} {
    %mul3A = arith.constant 2 : i32
    %mul3A_0 = arith.muli %arg1, %mul3A : i32
    %add3A = arith.addi %mul3A_0, %arg0 : i32
    %mul3A_1 = arith.constant 1024 : i32
    %mul3A_2 = arith.muli %add3A, %mul3A_1 : i32
    "tpu.region"() ({
      %run_scoped3A = tpu.sem_alloc : memref<!tpu.dma_semaphore, #tpu.memory_space<semaphore_mem>>
      tpu.enqueue_dma source(%arg2 : memref<32768xi32, #tpu.memory_space<hbm>>) target(%arg6 : memref<32768xi32, #tpu.memory_space<vmem>>) target_semaphore(%run_scoped3A : memref<!tpu.dma_semaphore, #tpu.memory_space<semaphore_mem>>)
      tpu.wait_dma2 semaphore(%run_scoped3A : memref<!tpu.dma_semaphore, #tpu.memory_space<semaphore_mem>>) src(%arg2 : memref<32768xi32, #tpu.memory_space<hbm>>) dst(%arg6 : memref<32768xi32, #tpu.memory_space<vmem>>)
      tpu.yield
    }) : () -> ()
    %iota3A = tpu.iota {dimensions = array<i32: 0>} : vector<16xi32>
    %mul3A_3 = arith.constant 8 : i32
    %mul3A_4 = arith.muli %add3A, %mul3A_3 : i32
    %broadcast_in_dim3A = arith.constant 0 : i32
    %broadcast_in_dim3A_5 = vector.broadcast %broadcast_in_dim3A : i32 to vector<16xi32>
    %while3A = arith.constant 0 : i32
    %while3A_6 = arith.subi %mul3A_4, %while3A : i32
    %while3A_7 = arith.addi %while3A, %while3A_6 : i32
    %while3A_8 = arith.constant 1 : i32
    %while3A_9 = arith.divsi %while3A_6, %while3A_8 : i32
    %while3A_10 = arith.muli %while3A_9, %while3A_8 : i32
    %while3A_11 = arith.addi %while3A, %while3A_10 : i32
    %while3A_12 = arith.constant 1 : i32
    %while3A_13 = scf.for %while3A_126 = %while3A to %while3A_11 step %while3A_12 iter_args(%while3A_127 = %broadcast_in_dim3A_5) -> (vector<16xi32>)  : i32 {
      %mul3A_128 = arith.constant 128 : i32
      %mul3A_129 = arith.muli %while3A_126, %mul3A_128 : i32
      %add3A_130 = arith.constant 0 : i32
      %add3A_131 = arith.addi %mul3A_129, %add3A_130 : i32
      %get3A_132 = arith.index_cast %add3A_131 : i32 to index
      %get3A_133 = tpu.vector_load %arg6[%get3A_132] {strides = array<i32>} : memref<32768xi32, #tpu.memory_space<vmem>>, vector<16xi32>,
      %add3A_134 = arith.addi %while3A_127, %get3A_133 : vector<16xi32>
      %mul3A_135 = arith.constant 128 : i32
      %mul3A_136 = arith.muli %while3A_126, %mul3A_135 : i32
      %add3A_137 = arith.constant 16 : i32
      %add3A_138 = arith.addi %mul3A_136, %add3A_137 : i32
      %get3A_139 = arith.index_cast %add3A_138 : i32 to index
      %get3A_140 = tpu.vector_load %arg6[%get3A_139] {strides = array<i32>} : memref<32768xi32, #tpu.memory_space<vmem>>, vector<16xi32>,
      %add3A_141 = arith.addi %add3A_134, %get3A_140 : vector<16xi32>
      %mul3A_142 = arith.constant 128 : i32
      %mul3A_143 = arith.muli %while3A_126, %mul3A_142 : i32
      %add3A_144 = arith.constant 32 : i32
      %add3A_145 = arith.addi %mul3A_143, %add3A_144 : i32
      %get3A_146 = arith.index_cast %add3A_145 : i32 to index
      %get3A_147 = tpu.vector_load %arg6[%get3A_146] {strides = array<i32>} : memref<32768xi32, #tpu.memory_space<vmem>>, vector<16xi32>,
      %add3A_148 = arith.addi %add3A_141, %get3A_147 : vector<16xi32>
      %mul3A_149 = arith.constant 128 : i32
      %mul3A_150 = arith.muli %while3A_126, %mul3A_149 : i32
      %add3A_151 = arith.constant 48 : i32
      %add3A_152 = arith.addi %mul3A_150, %add3A_151 : i32
      %get3A_153 = arith.index_cast %add3A_152 : i32 to index
      %get3A_154 = tpu.vector_load %arg6[%get3A_153] {strides = array<i32>} : memref<32768xi32, #tpu.memory_space<vmem>>, vector<16xi32>,
      %add3A_155 = arith.addi %add3A_148, %get3A_154 : vector<16xi32>
      %mul3A_156 = arith.constant 128 : i32
      %mul3A_157 = arith.muli %while3A_126, %mul3A_156 : i32
      %add3A_158 = arith.constant 64 : i32
      %add3A_159 = arith.addi %mul3A_157, %add3A_158 : i32
      %get3A_160 = arith.index_cast %add3A_159 : i32 to index
      %get3A_161 = tpu.vector_load %arg6[%get3A_160] {strides = array<i32>} : memref<32768xi32, #tpu.memory_space<vmem>>, vector<16xi32>,
      %add3A_162 = arith.addi %add3A_155, %get3A_161 : vector<16xi32>
      %mul3A_163 = arith.constant 128 : i32
      %mul3A_164 = arith.muli %while3A_126, %mul3A_163 : i32
      %add3A_165 = arith.constant 80 : i32
      %add3A_166 = arith.addi %mul3A_164, %add3A_165 : i32
      %get3A_167 = arith.index_cast %add3A_166 : i32 to index
      %get3A_168 = tpu.vector_load %arg6[%get3A_167] {strides = array<i32>} : memref<32768xi32, #tpu.memory_space<vmem>>, vector<16xi32>,
      %add3A_169 = arith.addi %add3A_162, %get3A_168 : vector<16xi32>
      %mul3A_170 = arith.constant 128 : i32
      %mul3A_171 = arith.muli %while3A_126, %mul3A_170 : i32
      %add3A_172 = arith.constant 96 : i32
      %add3A_173 = arith.addi %mul3A_171, %add3A_172 : i32
      %get3A_174 = arith.index_cast %add3A_173 : i32 to index
      %get3A_175 = tpu.vector_load %arg6[%get3A_174] {strides = array<i32>} : memref<32768xi32, #tpu.memory_space<vmem>>, vector<16xi32>,
      %add3A_176 = arith.addi %add3A_169, %get3A_175 : vector<16xi32>
      %mul3A_177 = arith.constant 128 : i32
      %mul3A_178 = arith.muli %while3A_126, %mul3A_177 : i32
      %add3A_179 = arith.constant 112 : i32
      %add3A_180 = arith.addi %mul3A_178, %add3A_179 : i32
      %get3A_181 = arith.index_cast %add3A_180 : i32 to index
      %get3A_182 = tpu.vector_load %arg6[%get3A_181] {strides = array<i32>} : memref<32768xi32, #tpu.memory_space<vmem>>, vector<16xi32>,
      %add3A_183 = arith.addi %add3A_176, %get3A_182 : vector<16xi32>
      scf.yield %add3A_183 : vector<16xi32>
    }
    %while3A_14 = arith.constant 1 : i32
    %while3A_15 = scf.for %while3A_126 = %while3A_11 to %while3A_7 step %while3A_14 iter_args(%while3A_127 = %while3A_13) -> (vector<16xi32>)  : i32 {
      %mul3A_128 = arith.constant 128 : i32
      %mul3A_129 = arith.muli %while3A_126, %mul3A_128 : i32
      %add3A_130 = arith.constant 0 : i32
      %add3A_131 = arith.addi %mul3A_129, %add3A_130 : i32
      %get3A_132 = arith.index_cast %add3A_131 : i32 to index
      %get3A_133 = tpu.vector_load %arg6[%get3A_132] {strides = array<i32>} : memref<32768xi32, #tpu.memory_space<vmem>>, vector<16xi32>,
      %add3A_134 = arith.addi %while3A_127, %get3A_133 : vector<16xi32>
      %mul3A_135 = arith.constant 128 : i32
      %mul3A_136 = arith.muli %while3A_126, %mul3A_135 : i32
      %add3A_137 = arith.constant 16 : i32
      %add3A_138 = arith.addi %mul3A_136, %add3A_137 : i32
      %get3A_139 = arith.index_cast %add3A_138 : i32 to index
      %get3A_140 = tpu.vector_load %arg6[%get3A_139] {strides = array<i32>} : memref<32768xi32, #tpu.memory_space<vmem>>, vector<16xi32>,
      %add3A_141 = arith.addi %add3A_134, %get3A_140 : vector<16xi32>
      %mul3A_142 = arith.constant 128 : i32
      %mul3A_143 = arith.muli %while3A_126, %mul3A_142 : i32
      %add3A_144 = arith.constant 32 : i32
      %add3A_145 = arith.addi %mul3A_143, %add3A_144 : i32
      %get3A_146 = arith.index_cast %add3A_145 : i32 to index
      %get3A_147 = tpu.vector_load %arg6[%get3A_146] {strides = array<i32>} : memref<32768xi32, #tpu.memory_space<vmem>>, vector<16xi32>,
      %add3A_148 = arith.addi %add3A_141, %get3A_147 : vector<16xi32>
      %mul3A_149 = arith.constant 128 : i32
      %mul3A_150 = arith.muli %while3A_126, %mul3A_149 : i32
      %add3A_151 = arith.constant 48 : i32
      %add3A_152 = arith.addi %mul3A_150, %add3A_151 : i32
      %get3A_153 = arith.index_cast %add3A_152 : i32 to index
      %get3A_154 = tpu.vector_load %arg6[%get3A_153] {strides = array<i32>} : memref<32768xi32, #tpu.memory_space<vmem>>, vector<16xi32>,
      %add3A_155 = arith.addi %add3A_148, %get3A_154 : vector<16xi32>
      %mul3A_156 = arith.constant 128 : i32
      %mul3A_157 = arith.muli %while3A_126, %mul3A_156 : i32
      %add3A_158 = arith.constant 64 : i32
      %add3A_159 = arith.addi %mul3A_157, %add3A_158 : i32
      %get3A_160 = arith.index_cast %add3A_159 : i32 to index
      %get3A_161 = tpu.vector_load %arg6[%get3A_160] {strides = array<i32>} : memref<32768xi32, #tpu.memory_space<vmem>>, vector<16xi32>,
      %add3A_162 = arith.addi %add3A_155, %get3A_161 : vector<16xi32>
      %mul3A_163 = arith.constant 128 : i32
      %mul3A_164 = arith.muli %while3A_126, %mul3A_163 : i32
      %add3A_165 = arith.constant 80 : i32
      %add3A_166 = arith.addi %mul3A_164, %add3A_165 : i32
      %get3A_167 = arith.index_cast %add3A_166 : i32 to index
      %get3A_168 = tpu.vector_load %arg6[%get3A_167] {strides = array<i32>} : memref<32768xi32, #tpu.memory_space<vmem>>, vector<16xi32>,
      %add3A_169 = arith.addi %add3A_162, %get3A_168 : vector<16xi32>
      %mul3A_170 = arith.constant 128 : i32
      %mul3A_171 = arith.muli %while3A_126, %mul3A_170 : i32
      %add3A_172 = arith.constant 96 : i32
      %add3A_173 = arith.addi %mul3A_171, %add3A_172 : i32
      %get3A_174 = arith.index_cast %add3A_173 : i32 to index
      %get3A_175 = tpu.vector_load %arg6[%get3A_174] {strides = array<i32>} : memref<32768xi32, #tpu.memory_space<vmem>>, vector<16xi32>,
      %add3A_176 = arith.addi %add3A_169, %get3A_175 : vector<16xi32>
      %mul3A_177 = arith.constant 128 : i32
      %mul3A_178 = arith.muli %while3A_126, %mul3A_177 : i32
      %add3A_179 = arith.constant 112 : i32
      %add3A_180 = arith.addi %mul3A_178, %add3A_179 : i32
      %get3A_181 = arith.index_cast %add3A_180 : i32 to index
      %get3A_182 = tpu.vector_load %arg6[%get3A_181] {strides = array<i32>} : memref<32768xi32, #tpu.memory_space<vmem>>, vector<16xi32>,
      %add3A_183 = arith.addi %add3A_176, %get3A_182 : vector<16xi32>
      scf.yield %add3A_183 : vector<16xi32>
    }
    %broadcast_in_dim3A_16 = arith.constant true
    %broadcast_in_dim3A_17 = vector.broadcast %broadcast_in_dim3A_16 : i1 to vector<16xi1>
    %masked_cumsum3A = tpu.scan <sum>, %while3A_15 masked %broadcast_in_dim3A_17 : vector<16xi32>, vector<16xi1> -> vector<16xi32>
    %slice3A = vector.extract_strided_slice %masked_cumsum3A {offsets = [15], sizes = [1], strides = [1]} : vector<16xi32> to vector<1xi32>
    %squeeze3A = vector.extract %slice3A[0] : i32 from vector<1xi32>
    %scan3A = arith.constant 0 : i32
    %scan3A_18 = arith.constant 0 : i32
    %scan3A_19 = arith.constant 0 : i32
    %scan3A_20 = arith.constant 64 : i32
    %scan3A_21 = arith.addi %scan3A_19, %scan3A_20 : i32
    %scan3A_22 = arith.constant 1 : i32
    %scan3A_23:2 = scf.for %scan3A_126 = %scan3A_19 to %scan3A_21 step %scan3A_22 iter_args(%scan3A_127 = %scan3A, %scan3A_128 = %scan3A_18) -> (i32, i32)  : i32 {
      %mul3A_129 = arith.constant 16 : i32
      %mul3A_130 = arith.muli %scan3A_126, %mul3A_129 : i32
      %add3A_131 = arith.addi %mul3A_2, %mul3A_130 : i32
      %get3A_132 = arith.index_cast %add3A_131 : i32 to index
      %get3A_133 = tpu.vector_load %arg6[%get3A_132] {strides = array<i32>} : memref<32768xi32, #tpu.memory_space<vmem>>, vector<16xi32>,
      %mul3A_134 = arith.constant 16 : i32
      %mul3A_135 = arith.muli %scan3A_126, %mul3A_134 : i32
      %add3A_136 = arith.addi %mul3A_2, %mul3A_135 : i32
      %add3A_137 = vector.broadcast %add3A_136 : i32 to vector<16xi32>
      %add3A_138 = arith.addi %add3A_137, %iota3A : vector<16xi32>
      %mul3A_139 = arith.constant 16 : i32
      %mul3A_140 = arith.muli %scan3A_126, %mul3A_139 : i32
      %add3A_141 = vector.broadcast %mul3A_140 : i32 to vector<16xi32>
      %add3A_142 = arith.addi %add3A_141, %iota3A : vector<16xi32>
      %shift_right_arithmetic3A_143 = arith.constant 4 : i32
      %shift_right_arithmetic3A_144 = vector.broadcast %shift_right_arithmetic3A_143 : i32 to vector<16xi32>
      %shift_right_arithmetic3A_145 = arith.shrsi %add3A_142, %shift_right_arithmetic3A_144 : vector<16xi32>
      %and3A = arith.constant 15 : i32
      %and3A_146 = vector.broadcast %and3A : i32 to vector<16xi32>
      %and3A_147 = arith.andi %add3A_142, %and3A_146 : vector<16xi32>
      %add3A_148 = vector.broadcast %squeeze3A : i32 to vector<16xi32>
      %add3A_149 = arith.addi %add3A_148, %add3A_142 : vector<16xi32>
      %min3A_150 = arith.constant 16383 : i32
      %min3A_151 = vector.broadcast %min3A_150 : i32 to vector<16xi32>
      %min3A_152 = arith.minsi %add3A_149, %min3A_151 : vector<16xi32>
      tpu.vector_store_idx %arg7[%shift_right_arithmetic3A_145, %and3A_147], %min3A_152 : memref<64x16xi32, #tpu.memory_space<vmem>>[vector<16xi32>, vector<16xi32>], vector<16xi32>,
      %gt3A_153 = arith.constant 0 : i32
      %gt3A_154 = vector.broadcast %gt3A_153 : i32 to vector<16xi32>
      %gt3A_155 = arith.cmpi sgt, %get3A_133, %gt3A_154 : vector<16xi32>
      %broadcast_in_dim3A_156 = arith.constant true
      %broadcast_in_dim3A_157 = vector.broadcast %broadcast_in_dim3A_156 : i1 to vector<16xi1>
      %masked_cumsum3A_158 = tpu.scan <sum>, %get3A_133 masked %broadcast_in_dim3A_157 : vector<16xi32>, vector<16xi1> -> vector<16xi32>
      %add3A_159 = vector.broadcast %scan3A_127 : i32 to vector<16xi32>
      %add3A_160 = arith.addi %add3A_159, %masked_cumsum3A_158 : vector<16xi32>
      %sub3A_161 = arith.constant 1 : i32
      %sub3A_162 = vector.broadcast %sub3A_161 : i32 to vector<16xi32>
      %sub3A_163 = arith.subi %add3A_160, %sub3A_162 : vector<16xi32>
      %max3A = arith.constant 0 : i32
      %max3A_164 = vector.broadcast %max3A : i32 to vector<16xi32>
      %max3A_165 = arith.maxsi %sub3A_163, %max3A_164 : vector<16xi32>
      %shift_right_arithmetic3A_166 = arith.constant 4 : i32
      %shift_right_arithmetic3A_167 = vector.broadcast %shift_right_arithmetic3A_166 : i32 to vector<16xi32>
      %shift_right_arithmetic3A_168 = arith.shrsi %max3A_165, %shift_right_arithmetic3A_167 : vector<16xi32>
      %and3A_169 = arith.constant 15 : i32
      %and3A_170 = vector.broadcast %and3A_169 : i32 to vector<16xi32>
      %and3A_171 = arith.andi %max3A_165, %and3A_170 : vector<16xi32>
      tpu.vector_store_idx %arg8[%shift_right_arithmetic3A_168, %and3A_171], %add3A_138 masked %gt3A_155 : memref<64x16xi32, #tpu.memory_space<vmem>>[vector<16xi32>, vector<16xi32>], vector<16xi32>, vector<16xi1>
      %add3A_172 = vector.broadcast %scan3A_128 : i32 to vector<16xi32>
      %add3A_173 = arith.addi %add3A_172, %iota3A : vector<16xi32>
      %sub3A_174 = arith.subi %add3A_173, %masked_cumsum3A_158 : vector<16xi32>
      %max3A_175 = arith.constant 0 : i32
      %max3A_176 = vector.broadcast %max3A_175 : i32 to vector<16xi32>
      %max3A_177 = arith.maxsi %sub3A_174, %max3A_176 : vector<16xi32>
      %not3A = arith.constant dense<true> : vector<16xi1>
      %not3A_178 = arith.xori %gt3A_155, %not3A : vector<16xi1>
      %shift_right_arithmetic3A_179 = arith.constant 4 : i32
      %shift_right_arithmetic3A_180 = vector.broadcast %shift_right_arithmetic3A_179 : i32 to vector<16xi32>
      %shift_right_arithmetic3A_181 = arith.shrsi %max3A_177, %shift_right_arithmetic3A_180 : vector<16xi32>
      %and3A_182 = arith.constant 15 : i32
      %and3A_183 = vector.broadcast %and3A_182 : i32 to vector<16xi32>
      %and3A_184 = arith.andi %max3A_177, %and3A_183 : vector<16xi32>
      tpu.vector_store_idx %arg9[%shift_right_arithmetic3A_181, %and3A_184], %add3A_138 masked %not3A_178 : memref<64x16xi32, #tpu.memory_space<vmem>>[vector<16xi32>, vector<16xi32>], vector<16xi32>, vector<16xi1>
      %shift_right_arithmetic3A_185 = arith.constant 4 : i32
      %shift_right_arithmetic3A_186 = vector.broadcast %shift_right_arithmetic3A_185 : i32 to vector<16xi32>
      %shift_right_arithmetic3A_187 = arith.shrsi %max3A_177, %shift_right_arithmetic3A_186 : vector<16xi32>
      %and3A_188 = arith.constant 15 : i32
      %and3A_189 = vector.broadcast %and3A_188 : i32 to vector<16xi32>
      %and3A_190 = arith.andi %max3A_177, %and3A_189 : vector<16xi32>
      tpu.vector_store_idx %arg10[%shift_right_arithmetic3A_187, %and3A_190], %add3A_138 masked %not3A_178 : memref<64x16xi32, #tpu.memory_space<vmem>>[vector<16xi32>, vector<16xi32>], vector<16xi32>, vector<16xi1>
      %slice3A_191 = vector.extract_strided_slice %masked_cumsum3A_158 {offsets = [15], sizes = [1], strides = [1]} : vector<16xi32> to vector<1xi32>
      %squeeze3A_192 = vector.extract %slice3A_191[0] : i32 from vector<1xi32>
      %add3A_193 = arith.addi %scan3A_127, %squeeze3A_192 : i32
      %sub3A_194 = arith.constant 16 : i32
      %sub3A_195 = arith.subi %sub3A_194, %squeeze3A_192 : i32
      %add3A_196 = arith.addi %scan3A_128, %sub3A_195 : i32
      scf.yield %add3A_193, %add3A_196 : i32, i32
    }
    %scan3A_24 = arith.constant 64 : i32
    %get3A = arith.constant 0 : i32
    %get3A_25 = arith.constant 0 : i32
    %get3A_26 = tpu.memref_slice %arg8[%get3A, %get3A_25] : memref<64x16xi32, #tpu.memory_space<vmem>> -> memref<1x16xi32, #tpu.memory_space<vmem>>
    %get3A_27 = tpu.memref_squeeze %get3A_26 : memref<1x16xi32, #tpu.memory_space<vmem>> -> memref<16xi32, #tpu.memory_space<vmem>>
    %get3A_28 = arith.constant 0 : index
    %get3A_29 = tpu.vector_load %get3A_27[%get3A_28] {strides = array<i32>} : memref<16xi32, #tpu.memory_space<vmem>>, vector<16xi32>,
    %slice3A_30 = vector.extract_strided_slice %get3A_29 {offsets = [0], sizes = [1], strides = [1]} : vector<16xi32> to vector<1xi32>
    %squeeze3A_31 = vector.extract %slice3A_30[0] : i32 from vector<1xi32>
    %get3A_32 = arith.constant 0 : i32
    %get3A_33 = arith.constant 0 : i32
    %get3A_34 = tpu.memref_slice %arg9[%get3A_32, %get3A_33] : memref<64x16xi32, #tpu.memory_space<vmem>> -> memref<1x16xi32, #tpu.memory_space<vmem>>
    %get3A_35 = tpu.memref_squeeze %get3A_34 : memref<1x16xi32, #tpu.memory_space<vmem>> -> memref<16xi32, #tpu.memory_space<vmem>>
    %get3A_36 = arith.constant 0 : index
    %get3A_37 = tpu.vector_load %get3A_35[%get3A_36] {strides = array<i32>} : memref<16xi32, #tpu.memory_space<vmem>>, vector<16xi32>,
    %slice3A_38 = vector.extract_strided_slice %get3A_37 {offsets = [0], sizes = [1], strides = [1]} : vector<16xi32> to vector<1xi32>
    %squeeze3A_39 = vector.extract %slice3A_38[0] : i32 from vector<1xi32>
    %add3A_40 = arith.constant 15 : i32
    %add3A_41 = arith.addi %scan3A_23#0, %add3A_40 : i32
    %shift_right_arithmetic3A = arith.constant 4 : i32
    %shift_right_arithmetic3A_42 = arith.shrsi %add3A_41, %shift_right_arithmetic3A : i32
    %add3A_43 = arith.constant 15 : i32
    %add3A_44 = arith.addi %scan3A_23#1, %add3A_43 : i32
    %shift_right_arithmetic3A_45 = arith.constant 4 : i32
    %shift_right_arithmetic3A_46 = arith.shrsi %add3A_44, %shift_right_arithmetic3A_45 : i32
    %min3A = arith.constant 16383 : i32
    %min3A_47 = arith.minsi %squeeze3A, %min3A : i32
    %shift_right_arithmetic3A_48 = arith.constant 4 : i32
    %shift_right_arithmetic3A_49 = arith.shrsi %scan3A_23#0, %shift_right_arithmetic3A_48 : i32
    %while3A_50 = arith.constant 0 : i32
    %while3A_51 = arith.subi %shift_right_arithmetic3A_42, %shift_right_arithmetic3A_49 : i32
    %while3A_52 = arith.addi %shift_right_arithmetic3A_49, %while3A_51 : i32
    %while3A_53 = arith.constant 1 : i32
    %while3A_54 = arith.divsi %while3A_51, %while3A_53 : i32
    %while3A_55 = arith.muli %while3A_54, %while3A_53 : i32
    %while3A_56 = arith.addi %shift_right_arithmetic3A_49, %while3A_55 : i32
    %while3A_57 = arith.constant 1 : i32
    %while3A_58 = scf.for %while3A_126 = %shift_right_arithmetic3A_49 to %while3A_56 step %while3A_57 iter_args(%while3A_127 = %while3A_50) -> (i32)  : i32 {
      %mul3A_128 = arith.constant 16 : i32
      %mul3A_129 = arith.muli %while3A_126, %mul3A_128 : i32
      %add3A_130 = vector.broadcast %mul3A_129 : i32 to vector<16xi32>
      %add3A_131 = arith.addi %add3A_130, %iota3A : vector<16xi32>
      %ge3A = vector.broadcast %scan3A_23#0 : i32 to vector<16xi32>
      %ge3A_132 = arith.cmpi sge, %add3A_131, %ge3A : vector<16xi32>
      %shift_right_arithmetic3A_133 = arith.constant 4 : i32
      %shift_right_arithmetic3A_134 = vector.broadcast %shift_right_arithmetic3A_133 : i32 to vector<16xi32>
      %shift_right_arithmetic3A_135 = arith.shrsi %add3A_131, %shift_right_arithmetic3A_134 : vector<16xi32>
      %and3A = arith.constant 15 : i32
      %and3A_136 = vector.broadcast %and3A : i32 to vector<16xi32>
      %and3A_137 = arith.andi %add3A_131, %and3A_136 : vector<16xi32>
      %broadcast_in_dim3A_138 = vector.broadcast %min3A_47 : i32 to vector<16xi32>
      tpu.vector_store_idx %arg7[%shift_right_arithmetic3A_135, %and3A_137], %broadcast_in_dim3A_138 masked %ge3A_132 : memref<64x16xi32, #tpu.memory_space<vmem>>[vector<16xi32>, vector<16xi32>], vector<16xi32>, vector<16xi1>
      %shift_right_arithmetic3A_139 = arith.constant 4 : i32
      %shift_right_arithmetic3A_140 = vector.broadcast %shift_right_arithmetic3A_139 : i32 to vector<16xi32>
      %shift_right_arithmetic3A_141 = arith.shrsi %add3A_131, %shift_right_arithmetic3A_140 : vector<16xi32>
      %and3A_142 = arith.constant 15 : i32
      %and3A_143 = vector.broadcast %and3A_142 : i32 to vector<16xi32>
      %and3A_144 = arith.andi %add3A_131, %and3A_143 : vector<16xi32>
      %broadcast_in_dim3A_145 = vector.broadcast %squeeze3A_31 : i32 to vector<16xi32>
      tpu.vector_store_idx %arg8[%shift_right_arithmetic3A_141, %and3A_144], %broadcast_in_dim3A_145 masked %ge3A_132 : memref<64x16xi32, #tpu.memory_space<vmem>>[vector<16xi32>, vector<16xi32>], vector<16xi32>, vector<16xi1>
      %while3A_146 = arith.constant 0 : i32
      scf.yield %while3A_146 : i32
    }
    %while3A_59 = arith.constant 1 : i32
    %while3A_60 = scf.for %while3A_126 = %while3A_56 to %while3A_52 step %while3A_59 iter_args(%while3A_127 = %while3A_58) -> (i32)  : i32 {
      %mul3A_128 = arith.constant 16 : i32
      %mul3A_129 = arith.muli %while3A_126, %mul3A_128 : i32
      %add3A_130 = vector.broadcast %mul3A_129 : i32 to vector<16xi32>
      %add3A_131 = arith.addi %add3A_130, %iota3A : vector<16xi32>
      %ge3A = vector.broadcast %scan3A_23#0 : i32 to vector<16xi32>
      %ge3A_132 = arith.cmpi sge, %add3A_131, %ge3A : vector<16xi32>
      %shift_right_arithmetic3A_133 = arith.constant 4 : i32
      %shift_right_arithmetic3A_134 = vector.broadcast %shift_right_arithmetic3A_133 : i32 to vector<16xi32>
      %shift_right_arithmetic3A_135 = arith.shrsi %add3A_131, %shift_right_arithmetic3A_134 : vector<16xi32>
      %and3A = arith.constant 15 : i32
      %and3A_136 = vector.broadcast %and3A : i32 to vector<16xi32>
      %and3A_137 = arith.andi %add3A_131, %and3A_136 : vector<16xi32>
      %broadcast_in_dim3A_138 = vector.broadcast %min3A_47 : i32 to vector<16xi32>
      tpu.vector_store_idx %arg7[%shift_right_arithmetic3A_135, %and3A_137], %broadcast_in_dim3A_138 masked %ge3A_132 : memref<64x16xi32, #tpu.memory_space<vmem>>[vector<16xi32>, vector<16xi32>], vector<16xi32>, vector<16xi1>
      %shift_right_arithmetic3A_139 = arith.constant 4 : i32
      %shift_right_arithmetic3A_140 = vector.broadcast %shift_right_arithmetic3A_139 : i32 to vector<16xi32>
      %shift_right_arithmetic3A_141 = arith.shrsi %add3A_131, %shift_right_arithmetic3A_140 : vector<16xi32>
      %and3A_142 = arith.constant 15 : i32
      %and3A_143 = vector.broadcast %and3A_142 : i32 to vector<16xi32>
      %and3A_144 = arith.andi %add3A_131, %and3A_143 : vector<16xi32>
      %broadcast_in_dim3A_145 = vector.broadcast %squeeze3A_31 : i32 to vector<16xi32>
      tpu.vector_store_idx %arg8[%shift_right_arithmetic3A_141, %and3A_144], %broadcast_in_dim3A_145 masked %ge3A_132 : memref<64x16xi32, #tpu.memory_space<vmem>>[vector<16xi32>, vector<16xi32>], vector<16xi32>, vector<16xi1>
      %while3A_146 = arith.constant 0 : i32
      scf.yield %while3A_146 : i32
    }
    %shift_right_arithmetic3A_61 = arith.constant 4 : i32
    %shift_right_arithmetic3A_62 = arith.shrsi %scan3A_23#1, %shift_right_arithmetic3A_61 : i32
    %while3A_63 = arith.constant 0 : i32
    %while3A_64 = arith.subi %shift_right_arithmetic3A_46, %shift_right_arithmetic3A_62 : i32
    %while3A_65 = arith.addi %shift_right_arithmetic3A_62, %while3A_64 : i32
    %while3A_66 = arith.constant 1 : i32
    %while3A_67 = arith.divsi %while3A_64, %while3A_66 : i32
    %while3A_68 = arith.muli %while3A_67, %while3A_66 : i32
    %while3A_69 = arith.addi %shift_right_arithmetic3A_62, %while3A_68 : i32
    %while3A_70 = arith.constant 1 : i32
    %while3A_71 = scf.for %while3A_126 = %shift_right_arithmetic3A_62 to %while3A_69 step %while3A_70 iter_args(%while3A_127 = %while3A_63) -> (i32)  : i32 {
      %mul3A_128 = arith.constant 16 : i32
      %mul3A_129 = arith.muli %while3A_126, %mul3A_128 : i32
      %add3A_130 = vector.broadcast %mul3A_129 : i32 to vector<16xi32>
      %add3A_131 = arith.addi %add3A_130, %iota3A : vector<16xi32>
      %ge3A = vector.broadcast %scan3A_23#1 : i32 to vector<16xi32>
      %ge3A_132 = arith.cmpi sge, %add3A_131, %ge3A : vector<16xi32>
      %shift_right_arithmetic3A_133 = arith.constant 4 : i32
      %shift_right_arithmetic3A_134 = vector.broadcast %shift_right_arithmetic3A_133 : i32 to vector<16xi32>
      %shift_right_arithmetic3A_135 = arith.shrsi %add3A_131, %shift_right_arithmetic3A_134 : vector<16xi32>
      %and3A = arith.constant 15 : i32
      %and3A_136 = vector.broadcast %and3A : i32 to vector<16xi32>
      %and3A_137 = arith.andi %add3A_131, %and3A_136 : vector<16xi32>
      %broadcast_in_dim3A_138 = vector.broadcast %squeeze3A_39 : i32 to vector<16xi32>
      tpu.vector_store_idx %arg9[%shift_right_arithmetic3A_135, %and3A_137], %broadcast_in_dim3A_138 masked %ge3A_132 : memref<64x16xi32, #tpu.memory_space<vmem>>[vector<16xi32>, vector<16xi32>], vector<16xi32>, vector<16xi1>
      %shift_right_arithmetic3A_139 = arith.constant 4 : i32
      %shift_right_arithmetic3A_140 = vector.broadcast %shift_right_arithmetic3A_139 : i32 to vector<16xi32>
      %shift_right_arithmetic3A_141 = arith.shrsi %add3A_131, %shift_right_arithmetic3A_140 : vector<16xi32>
      %and3A_142 = arith.constant 15 : i32
      %and3A_143 = vector.broadcast %and3A_142 : i32 to vector<16xi32>
      %and3A_144 = arith.andi %add3A_131, %and3A_143 : vector<16xi32>
      %broadcast_in_dim3A_145 = vector.broadcast %squeeze3A_39 : i32 to vector<16xi32>
      tpu.vector_store_idx %arg10[%shift_right_arithmetic3A_141, %and3A_144], %broadcast_in_dim3A_145 masked %ge3A_132 : memref<64x16xi32, #tpu.memory_space<vmem>>[vector<16xi32>, vector<16xi32>], vector<16xi32>, vector<16xi1>
      %while3A_146 = arith.constant 0 : i32
      scf.yield %while3A_146 : i32
    }
    %while3A_72 = arith.constant 1 : i32
    %while3A_73 = scf.for %while3A_126 = %while3A_69 to %while3A_65 step %while3A_72 iter_args(%while3A_127 = %while3A_71) -> (i32)  : i32 {
      %mul3A_128 = arith.constant 16 : i32
      %mul3A_129 = arith.muli %while3A_126, %mul3A_128 : i32
      %add3A_130 = vector.broadcast %mul3A_129 : i32 to vector<16xi32>
      %add3A_131 = arith.addi %add3A_130, %iota3A : vector<16xi32>
      %ge3A = vector.broadcast %scan3A_23#1 : i32 to vector<16xi32>
      %ge3A_132 = arith.cmpi sge, %add3A_131, %ge3A : vector<16xi32>
      %shift_right_arithmetic3A_133 = arith.constant 4 : i32
      %shift_right_arithmetic3A_134 = vector.broadcast %shift_right_arithmetic3A_133 : i32 to vector<16xi32>
      %shift_right_arithmetic3A_135 = arith.shrsi %add3A_131, %shift_right_arithmetic3A_134 : vector<16xi32>
      %and3A = arith.constant 15 : i32
      %and3A_136 = vector.broadcast %and3A : i32 to vector<16xi32>
      %and3A_137 = arith.andi %add3A_131, %and3A_136 : vector<16xi32>
      %broadcast_in_dim3A_138 = vector.broadcast %squeeze3A_39 : i32 to vector<16xi32>
      tpu.vector_store_idx %arg9[%shift_right_arithmetic3A_135, %and3A_137], %broadcast_in_dim3A_138 masked %ge3A_132 : memref<64x16xi32, #tpu.memory_space<vmem>>[vector<16xi32>, vector<16xi32>], vector<16xi32>, vector<16xi1>
      %shift_right_arithmetic3A_139 = arith.constant 4 : i32
      %shift_right_arithmetic3A_140 = vector.broadcast %shift_right_arithmetic3A_139 : i32 to vector<16xi32>
      %shift_right_arithmetic3A_141 = arith.shrsi %add3A_131, %shift_right_arithmetic3A_140 : vector<16xi32>
      %and3A_142 = arith.constant 15 : i32
      %and3A_143 = vector.broadcast %and3A_142 : i32 to vector<16xi32>
      %and3A_144 = arith.andi %add3A_131, %and3A_143 : vector<16xi32>
      %broadcast_in_dim3A_145 = vector.broadcast %squeeze3A_39 : i32 to vector<16xi32>
      tpu.vector_store_idx %arg10[%shift_right_arithmetic3A_141, %and3A_144], %broadcast_in_dim3A_145 masked %ge3A_132 : memref<64x16xi32, #tpu.memory_space<vmem>>[vector<16xi32>, vector<16xi32>], vector<16xi32>, vector<16xi1>
      %while3A_146 = arith.constant 0 : i32
      scf.yield %while3A_146 : i32
    }
    %add3A_74 = arith.constant 4 : i32
    %add3A_75 = arith.addi %shift_right_arithmetic3A_42, %add3A_74 : i32
    %sub3A = arith.constant 1 : i32
    %sub3A_76 = arith.subi %add3A_75, %sub3A : i32
    %shift_right_arithmetic3A_77 = arith.constant 2 : i32
    %shift_right_arithmetic3A_78 = arith.shrsi %sub3A_76, %shift_right_arithmetic3A_77 : i32
    %gt3A = arith.constant 0 : i32
    %gt3A_79 = arith.cmpi sgt, %shift_right_arithmetic3A_42, %gt3A : i32
    %convert_element_type3A = arith.extui %gt3A_79 : i1 to i32
    %cond3A = arith.constant 0 : i32
    %cond3A_80 = arith.cmpi ne, %convert_element_type3A, %cond3A : i32
    scf.if %cond3A_80 {
      %sub3A_126 = arith.constant 1 : i32
      %sub3A_127 = arith.subi %shift_right_arithmetic3A_42, %sub3A_126 : i32
      %min3A_128 = arith.constant 0 : i32
      %min3A_129 = arith.minsi %min3A_128, %sub3A_127 : i32
      %sub3A_130 = arith.constant 1 : i32
      %sub3A_131 = arith.subi %shift_right_arithmetic3A_42, %sub3A_130 : i32
      %min3A_132 = arith.constant 1 : i32
      %min3A_133 = arith.minsi %min3A_132, %sub3A_131 : i32
      %sub3A_134 = arith.constant 1 : i32
      %sub3A_135 = arith.subi %shift_right_arithmetic3A_42, %sub3A_134 : i32
      %min3A_136 = arith.constant 2 : i32
      %min3A_137 = arith.minsi %min3A_136, %sub3A_135 : i32
      %sub3A_138 = arith.constant 1 : i32
      %sub3A_139 = arith.subi %shift_right_arithmetic3A_42, %sub3A_138 : i32
      %min3A_140 = arith.constant 3 : i32
      %min3A_141 = arith.minsi %min3A_140, %sub3A_139 : i32
      %dma_start3A = arith.constant 0 : i32
      %dma_start3A_142 = tpu.memref_slice %arg7[%min3A_129, %dma_start3A] : memref<64x16xi32, #tpu.memory_space<vmem>> -> memref<1x16xi32, #tpu.memory_space<vmem>>
      %dma_start3A_143 = tpu.memref_squeeze %dma_start3A_142 : memref<1x16xi32, #tpu.memory_space<vmem>> -> memref<16xi32, #tpu.memory_space<vmem>>
      %dma_start3A_144 = arith.constant 0 : i32
      %dma_start3A_145 = arith.constant 0 : i32
      %dma_start3A_146 = tpu.memref_slice %arg4[%dma_start3A_144, %dma_start3A_145] : memref<16384x1024xf32, #tpu.memory_space<hbm>> -> memref<16384x1024xf32, #tpu.memory_space<hbm>>
      tpu.enqueue_indirect_dma source(%dma_start3A_146 : memref<16384x1024xf32, #tpu.memory_space<hbm>>) target(%arg11 : memref<16x1024xf32, #tpu.memory_space<vmem>>) offsets(%dma_start3A_143 : memref<16xi32, #tpu.memory_space<vmem>>) semaphore(%arg15 : memref<!tpu.dma_semaphore, #tpu.memory_space<semaphore_mem>>)
      %dma_start3A_147 = arith.constant 0 : i32
      %dma_start3A_148 = tpu.memref_slice %arg7[%min3A_133, %dma_start3A_147] : memref<64x16xi32, #tpu.memory_space<vmem>> -> memref<1x16xi32, #tpu.memory_space<vmem>>
      %dma_start3A_149 = tpu.memref_squeeze %dma_start3A_148 : memref<1x16xi32, #tpu.memory_space<vmem>> -> memref<16xi32, #tpu.memory_space<vmem>>
      %dma_start3A_150 = arith.constant 0 : i32
      %dma_start3A_151 = arith.constant 0 : i32
      %dma_start3A_152 = tpu.memref_slice %arg4[%dma_start3A_150, %dma_start3A_151] : memref<16384x1024xf32, #tpu.memory_space<hbm>> -> memref<16384x1024xf32, #tpu.memory_space<hbm>>
      tpu.enqueue_indirect_dma source(%dma_start3A_152 : memref<16384x1024xf32, #tpu.memory_space<hbm>>) target(%arg12 : memref<16x1024xf32, #tpu.memory_space<vmem>>) offsets(%dma_start3A_149 : memref<16xi32, #tpu.memory_space<vmem>>) semaphore(%arg16 : memref<!tpu.dma_semaphore, #tpu.memory_space<semaphore_mem>>)
      %dma_start3A_153 = arith.constant 0 : i32
      %dma_start3A_154 = tpu.memref_slice %arg7[%min3A_137, %dma_start3A_153] : memref<64x16xi32, #tpu.memory_space<vmem>> -> memref<1x16xi32, #tpu.memory_space<vmem>>
      %dma_start3A_155 = tpu.memref_squeeze %dma_start3A_154 : memref<1x16xi32, #tpu.memory_space<vmem>> -> memref<16xi32, #tpu.memory_space<vmem>>
      %dma_start3A_156 = arith.constant 0 : i32
      %dma_start3A_157 = arith.constant 0 : i32
      %dma_start3A_158 = tpu.memref_slice %arg4[%dma_start3A_156, %dma_start3A_157] : memref<16384x1024xf32, #tpu.memory_space<hbm>> -> memref<16384x1024xf32, #tpu.memory_space<hbm>>
      tpu.enqueue_indirect_dma source(%dma_start3A_158 : memref<16384x1024xf32, #tpu.memory_space<hbm>>) target(%arg13 : memref<16x1024xf32, #tpu.memory_space<vmem>>) offsets(%dma_start3A_155 : memref<16xi32, #tpu.memory_space<vmem>>) semaphore(%arg17 : memref<!tpu.dma_semaphore, #tpu.memory_space<semaphore_mem>>)
      %dma_start3A_159 = arith.constant 0 : i32
      %dma_start3A_160 = tpu.memref_slice %arg7[%min3A_141, %dma_start3A_159] : memref<64x16xi32, #tpu.memory_space<vmem>> -> memref<1x16xi32, #tpu.memory_space<vmem>>
      %dma_start3A_161 = tpu.memref_squeeze %dma_start3A_160 : memref<1x16xi32, #tpu.memory_space<vmem>> -> memref<16xi32, #tpu.memory_space<vmem>>
      %dma_start3A_162 = arith.constant 0 : i32
      %dma_start3A_163 = arith.constant 0 : i32
      %dma_start3A_164 = tpu.memref_slice %arg4[%dma_start3A_162, %dma_start3A_163] : memref<16384x1024xf32, #tpu.memory_space<hbm>> -> memref<16384x1024xf32, #tpu.memory_space<hbm>>
      tpu.enqueue_indirect_dma source(%dma_start3A_164 : memref<16384x1024xf32, #tpu.memory_space<hbm>>) target(%arg14 : memref<16x1024xf32, #tpu.memory_space<vmem>>) offsets(%dma_start3A_161 : memref<16xi32, #tpu.memory_space<vmem>>) semaphore(%arg18 : memref<!tpu.dma_semaphore, #tpu.memory_space<semaphore_mem>>)
      %dma_wait3A = arith.constant 0 : i32
      %dma_wait3A_165 = tpu.memref_slice %arg7[%min3A_129, %dma_wait3A] : memref<64x16xi32, #tpu.memory_space<vmem>> -> memref<1x16xi32, #tpu.memory_space<vmem>>
      %dma_wait3A_166 = tpu.memref_squeeze %dma_wait3A_165 : memref<1x16xi32, #tpu.memory_space<vmem>> -> memref<16xi32, #tpu.memory_space<vmem>>
      %dma_wait3A_167 = arith.constant 0 : i32
      %dma_wait3A_168 = arith.constant 0 : i32
      %dma_wait3A_169 = tpu.memref_slice %arg4[%dma_wait3A_167, %dma_wait3A_168] : memref<16384x1024xf32, #tpu.memory_space<hbm>> -> memref<16384x1024xf32, #tpu.memory_space<hbm>>
      tpu.wait_indirect_dma semaphore(%arg15 : memref<!tpu.dma_semaphore, #tpu.memory_space<semaphore_mem>>) src(%dma_wait3A_169 : memref<16384x1024xf32, #tpu.memory_space<hbm>>) dst(%arg11 : memref<16x1024xf32, #tpu.memory_space<vmem>>)
      %dma_start3A_170 = arith.constant 0 : i32
      %dma_start3A_171 = tpu.memref_slice %arg8[%min3A_129, %dma_start3A_170] : memref<64x16xi32, #tpu.memory_space<vmem>> -> memref<1x16xi32, #tpu.memory_space<vmem>>
      %dma_start3A_172 = tpu.memref_squeeze %dma_start3A_171 : memref<1x16xi32, #tpu.memory_space<vmem>> -> memref<16xi32, #tpu.memory_space<vmem>>
      %dma_start3A_173 = arith.constant 0 : i32
      %dma_start3A_174 = arith.constant 0 : i32
      %dma_start3A_175 = tpu.memref_slice %arg5[%dma_start3A_173, %dma_start3A_174] : memref<32768x1024xf32, #tpu.memory_space<hbm>> -> memref<32768x1024xf32, #tpu.memory_space<hbm>>
      tpu.enqueue_indirect_dma source(%arg11 : memref<16x1024xf32, #tpu.memory_space<vmem>>) target(%dma_start3A_175 : memref<32768x1024xf32, #tpu.memory_space<hbm>>) offsets(%dma_start3A_172 : memref<16xi32, #tpu.memory_space<vmem>>) semaphore(%arg19 : memref<!tpu.dma_semaphore, #tpu.memory_space<semaphore_mem>>)
      %dma_wait3A_176 = arith.constant 0 : i32
      %dma_wait3A_177 = tpu.memref_slice %arg7[%min3A_133, %dma_wait3A_176] : memref<64x16xi32, #tpu.memory_space<vmem>> -> memref<1x16xi32, #tpu.memory_space<vmem>>
      %dma_wait3A_178 = tpu.memref_squeeze %dma_wait3A_177 : memref<1x16xi32, #tpu.memory_space<vmem>> -> memref<16xi32, #tpu.memory_space<vmem>>
      %dma_wait3A_179 = arith.constant 0 : i32
      %dma_wait3A_180 = arith.constant 0 : i32
      %dma_wait3A_181 = tpu.memref_slice %arg4[%dma_wait3A_179, %dma_wait3A_180] : memref<16384x1024xf32, #tpu.memory_space<hbm>> -> memref<16384x1024xf32, #tpu.memory_space<hbm>>
      tpu.wait_indirect_dma semaphore(%arg16 : memref<!tpu.dma_semaphore, #tpu.memory_space<semaphore_mem>>) src(%dma_wait3A_181 : memref<16384x1024xf32, #tpu.memory_space<hbm>>) dst(%arg12 : memref<16x1024xf32, #tpu.memory_space<vmem>>)
      %dma_start3A_182 = arith.constant 0 : i32
      %dma_start3A_183 = tpu.memref_slice %arg8[%min3A_133, %dma_start3A_182] : memref<64x16xi32, #tpu.memory_space<vmem>> -> memref<1x16xi32, #tpu.memory_space<vmem>>
      %dma_start3A_184 = tpu.memref_squeeze %dma_start3A_183 : memref<1x16xi32, #tpu.memory_space<vmem>> -> memref<16xi32, #tpu.memory_space<vmem>>
      %dma_start3A_185 = arith.constant 0 : i32
      %dma_start3A_186 = arith.constant 0 : i32
      %dma_start3A_187 = tpu.memref_slice %arg5[%dma_start3A_185, %dma_start3A_186] : memref<32768x1024xf32, #tpu.memory_space<hbm>> -> memref<32768x1024xf32, #tpu.memory_space<hbm>>
      tpu.enqueue_indirect_dma source(%arg12 : memref<16x1024xf32, #tpu.memory_space<vmem>>) target(%dma_start3A_187 : memref<32768x1024xf32, #tpu.memory_space<hbm>>) offsets(%dma_start3A_184 : memref<16xi32, #tpu.memory_space<vmem>>) semaphore(%arg20 : memref<!tpu.dma_semaphore, #tpu.memory_space<semaphore_mem>>)
      %dma_wait3A_188 = arith.constant 0 : i32
      %dma_wait3A_189 = tpu.memref_slice %arg7[%min3A_137, %dma_wait3A_188] : memref<64x16xi32, #tpu.memory_space<vmem>> -> memref<1x16xi32, #tpu.memory_space<vmem>>
      %dma_wait3A_190 = tpu.memref_squeeze %dma_wait3A_189 : memref<1x16xi32, #tpu.memory_space<vmem>> -> memref<16xi32, #tpu.memory_space<vmem>>
      %dma_wait3A_191 = arith.constant 0 : i32
      %dma_wait3A_192 = arith.constant 0 : i32
      %dma_wait3A_193 = tpu.memref_slice %arg4[%dma_wait3A_191, %dma_wait3A_192] : memref<16384x1024xf32, #tpu.memory_space<hbm>> -> memref<16384x1024xf32, #tpu.memory_space<hbm>>
      tpu.wait_indirect_dma semaphore(%arg17 : memref<!tpu.dma_semaphore, #tpu.memory_space<semaphore_mem>>) src(%dma_wait3A_193 : memref<16384x1024xf32, #tpu.memory_space<hbm>>) dst(%arg13 : memref<16x1024xf32, #tpu.memory_space<vmem>>)
      %dma_start3A_194 = arith.constant 0 : i32
      %dma_start3A_195 = tpu.memref_slice %arg8[%min3A_137, %dma_start3A_194] : memref<64x16xi32, #tpu.memory_space<vmem>> -> memref<1x16xi32, #tpu.memory_space<vmem>>
      %dma_start3A_196 = tpu.memref_squeeze %dma_start3A_195 : memref<1x16xi32, #tpu.memory_space<vmem>> -> memref<16xi32, #tpu.memory_space<vmem>>
      %dma_start3A_197 = arith.constant 0 : i32
      %dma_start3A_198 = arith.constant 0 : i32
      %dma_start3A_199 = tpu.memref_slice %arg5[%dma_start3A_197, %dma_start3A_198] : memref<32768x1024xf32, #tpu.memory_space<hbm>> -> memref<32768x1024xf32, #tpu.memory_space<hbm>>
      tpu.enqueue_indirect_dma source(%arg13 : memref<16x1024xf32, #tpu.memory_space<vmem>>) target(%dma_start3A_199 : memref<32768x1024xf32, #tpu.memory_space<hbm>>) offsets(%dma_start3A_196 : memref<16xi32, #tpu.memory_space<vmem>>) semaphore(%arg21 : memref<!tpu.dma_semaphore, #tpu.memory_space<semaphore_mem>>)
      %dma_wait3A_200 = arith.constant 0 : i32
      %dma_wait3A_201 = tpu.memref_slice %arg7[%min3A_141, %dma_wait3A_200] : memref<64x16xi32, #tpu.memory_space<vmem>> -> memref<1x16xi32, #tpu.memory_space<vmem>>
      %dma_wait3A_202 = tpu.memref_squeeze %dma_wait3A_201 : memref<1x16xi32, #tpu.memory_space<vmem>> -> memref<16xi32, #tpu.memory_space<vmem>>
      %dma_wait3A_203 = arith.constant 0 : i32
      %dma_wait3A_204 = arith.constant 0 : i32
      %dma_wait3A_205 = tpu.memref_slice %arg4[%dma_wait3A_203, %dma_wait3A_204] : memref<16384x1024xf32, #tpu.memory_space<hbm>> -> memref<16384x1024xf32, #tpu.memory_space<hbm>>
      tpu.wait_indirect_dma semaphore(%arg18 : memref<!tpu.dma_semaphore, #tpu.memory_space<semaphore_mem>>) src(%dma_wait3A_205 : memref<16384x1024xf32, #tpu.memory_space<hbm>>) dst(%arg14 : memref<16x1024xf32, #tpu.memory_space<vmem>>)
      %dma_start3A_206 = arith.constant 0 : i32
      %dma_start3A_207 = tpu.memref_slice %arg8[%min3A_141, %dma_start3A_206] : memref<64x16xi32, #tpu.memory_space<vmem>> -> memref<1x16xi32, #tpu.memory_space<vmem>>
      %dma_start3A_208 = tpu.memref_squeeze %dma_start3A_207 : memref<1x16xi32, #tpu.memory_space<vmem>> -> memref<16xi32, #tpu.memory_space<vmem>>
      %dma_start3A_209 = arith.constant 0 : i32
      %dma_start3A_210 = arith.constant 0 : i32
      %dma_start3A_211 = tpu.memref_slice %arg5[%dma_start3A_209, %dma_start3A_210] : memref<32768x1024xf32, #tpu.memory_space<hbm>> -> memref<32768x1024xf32, #tpu.memory_space<hbm>>
      tpu.enqueue_indirect_dma source(%arg14 : memref<16x1024xf32, #tpu.memory_space<vmem>>) target(%dma_start3A_211 : memref<32768x1024xf32, #tpu.memory_space<hbm>>) offsets(%dma_start3A_208 : memref<16xi32, #tpu.memory_space<vmem>>) semaphore(%arg22 : memref<!tpu.dma_semaphore, #tpu.memory_space<semaphore_mem>>)
    } else {
    }
    %while3A_81 = arith.constant 1 : i32
    %while3A_82 = arith.constant 0 : i32
    %while3A_83 = arith.subi %shift_right_arithmetic3A_78, %while3A_81 : i32
    %while3A_84 = arith.addi %while3A_81, %while3A_83 : i32
    %while3A_85 = arith.constant 1 : i32
    %while3A_86 = arith.divsi %while3A_83, %while3A_85 : i32
    %while3A_87 = arith.muli %while3A_86, %while3A_85 : i32
    %while3A_88 = arith.addi %while3A_81, %while3A_87 : i32
    %while3A_89 = arith.constant 1 : i32
    %while3A_90 = scf.for %while3A_126 = %while3A_81 to %while3A_88 step %while3A_89 iter_args(%while3A_127 = %while3A_82) -> (i32)  : i32 {
      %mul3A_128 = arith.constant 4 : i32
      %mul3A_129 = arith.muli %while3A_126, %mul3A_128 : i32
      %add3A_130 = arith.constant 0 : i32
      %add3A_131 = arith.addi %mul3A_129, %add3A_130 : i32
      %sub3A_132 = arith.constant 1 : i32
      %sub3A_133 = arith.subi %shift_right_arithmetic3A_42, %sub3A_132 : i32
      %min3A_134 = arith.minsi %add3A_131, %sub3A_133 : i32
      %mul3A_135 = arith.constant 4 : i32
      %mul3A_136 = arith.muli %while3A_126, %mul3A_135 : i32
      %add3A_137 = arith.constant 1 : i32
      %add3A_138 = arith.addi %mul3A_136, %add3A_137 : i32
      %sub3A_139 = arith.constant 1 : i32
      %sub3A_140 = arith.subi %shift_right_arithmetic3A_42, %sub3A_139 : i32
      %min3A_141 = arith.minsi %add3A_138, %sub3A_140 : i32
      %mul3A_142 = arith.constant 4 : i32
      %mul3A_143 = arith.muli %while3A_126, %mul3A_142 : i32
      %add3A_144 = arith.constant 2 : i32
      %add3A_145 = arith.addi %mul3A_143, %add3A_144 : i32
      %sub3A_146 = arith.constant 1 : i32
      %sub3A_147 = arith.subi %shift_right_arithmetic3A_42, %sub3A_146 : i32
      %min3A_148 = arith.minsi %add3A_145, %sub3A_147 : i32
      %mul3A_149 = arith.constant 4 : i32
      %mul3A_150 = arith.muli %while3A_126, %mul3A_149 : i32
      %add3A_151 = arith.constant 3 : i32
      %add3A_152 = arith.addi %mul3A_150, %add3A_151 : i32
      %sub3A_153 = arith.constant 1 : i32
      %sub3A_154 = arith.subi %shift_right_arithmetic3A_42, %sub3A_153 : i32
      %min3A_155 = arith.minsi %add3A_152, %sub3A_154 : i32
      %sub3A_156 = arith.constant 1 : i32
      %sub3A_157 = arith.subi %while3A_126, %sub3A_156 : i32
      %mul3A_158 = arith.constant 4 : i32
      %mul3A_159 = arith.muli %sub3A_157, %mul3A_158 : i32
      %add3A_160 = arith.constant 0 : i32
      %add3A_161 = arith.addi %mul3A_159, %add3A_160 : i32
      %sub3A_162 = arith.constant 1 : i32
      %sub3A_163 = arith.subi %shift_right_arithmetic3A_42, %sub3A_162 : i32
      %min3A_164 = arith.minsi %add3A_161, %sub3A_163 : i32
      %sub3A_165 = arith.constant 1 : i32
      %sub3A_166 = arith.subi %while3A_126, %sub3A_165 : i32
      %mul3A_167 = arith.constant 4 : i32
      %mul3A_168 = arith.muli %sub3A_166, %mul3A_167 : i32
      %add3A_169 = arith.constant 1 : i32
      %add3A_170 = arith.addi %mul3A_168, %add3A_169 : i32
      %sub3A_171 = arith.constant 1 : i32
      %sub3A_172 = arith.subi %shift_right_arithmetic3A_42, %sub3A_171 : i32
      %min3A_173 = arith.minsi %add3A_170, %sub3A_172 : i32
      %sub3A_174 = arith.constant 1 : i32
      %sub3A_175 = arith.subi %while3A_126, %sub3A_174 : i32
      %mul3A_176 = arith.constant 4 : i32
      %mul3A_177 = arith.muli %sub3A_175, %mul3A_176 : i32
      %add3A_178 = arith.constant 2 : i32
      %add3A_179 = arith.addi %mul3A_177, %add3A_178 : i32
      %sub3A_180 = arith.constant 1 : i32
      %sub3A_181 = arith.subi %shift_right_arithmetic3A_42, %sub3A_180 : i32
      %min3A_182 = arith.minsi %add3A_179, %sub3A_181 : i32
      %sub3A_183 = arith.constant 1 : i32
      %sub3A_184 = arith.subi %while3A_126, %sub3A_183 : i32
      %mul3A_185 = arith.constant 4 : i32
      %mul3A_186 = arith.muli %sub3A_184, %mul3A_185 : i32
      %add3A_187 = arith.constant 3 : i32
      %add3A_188 = arith.addi %mul3A_186, %add3A_187 : i32
      %sub3A_189 = arith.constant 1 : i32
      %sub3A_190 = arith.subi %shift_right_arithmetic3A_42, %sub3A_189 : i32
      %min3A_191 = arith.minsi %add3A_188, %sub3A_190 : i32
      %dma_wait3A = arith.constant 0 : i32
      %dma_wait3A_192 = tpu.memref_slice %arg8[%min3A_164, %dma_wait3A] : memref<64x16xi32, #tpu.memory_space<vmem>> -> memref<1x16xi32, #tpu.memory_space<vmem>>
      %dma_wait3A_193 = tpu.memref_squeeze %dma_wait3A_192 : memref<1x16xi32, #tpu.memory_space<vmem>> -> memref<16xi32, #tpu.memory_space<vmem>>
      %dma_wait3A_194 = arith.constant 0 : i32
      %dma_wait3A_195 = arith.constant 0 : i32
      %dma_wait3A_196 = tpu.memref_slice %arg5[%dma_wait3A_194, %dma_wait3A_195] : memref<32768x1024xf32, #tpu.memory_space<hbm>> -> memref<32768x1024xf32, #tpu.memory_space<hbm>>
      tpu.wait_indirect_dma semaphore(%arg19 : memref<!tpu.dma_semaphore, #tpu.memory_space<semaphore_mem>>) src(%arg11 : memref<16x1024xf32, #tpu.memory_space<vmem>>) dst(%dma_wait3A_196 : memref<32768x1024xf32, #tpu.memory_space<hbm>>)
      %dma_start3A = arith.constant 0 : i32
      %dma_start3A_197 = tpu.memref_slice %arg7[%min3A_134, %dma_start3A] : memref<64x16xi32, #tpu.memory_space<vmem>> -> memref<1x16xi32, #tpu.memory_space<vmem>>
      %dma_start3A_198 = tpu.memref_squeeze %dma_start3A_197 : memref<1x16xi32, #tpu.memory_space<vmem>> -> memref<16xi32, #tpu.memory_space<vmem>>
      %dma_start3A_199 = arith.constant 0 : i32
      %dma_start3A_200 = arith.constant 0 : i32
      %dma_start3A_201 = tpu.memref_slice %arg4[%dma_start3A_199, %dma_start3A_200] : memref<16384x1024xf32, #tpu.memory_space<hbm>> -> memref<16384x1024xf32, #tpu.memory_space<hbm>>
      tpu.enqueue_indirect_dma source(%dma_start3A_201 : memref<16384x1024xf32, #tpu.memory_space<hbm>>) target(%arg11 : memref<16x1024xf32, #tpu.memory_space<vmem>>) offsets(%dma_start3A_198 : memref<16xi32, #tpu.memory_space<vmem>>) semaphore(%arg15 : memref<!tpu.dma_semaphore, #tpu.memory_space<semaphore_mem>>)
      %dma_wait3A_202 = arith.constant 0 : i32
      %dma_wait3A_203 = tpu.memref_slice %arg8[%min3A_173, %dma_wait3A_202] : memref<64x16xi32, #tpu.memory_space<vmem>> -> memref<1x16xi32, #tpu.memory_space<vmem>>
      %dma_wait3A_204 = tpu.memref_squeeze %dma_wait3A_203 : memref<1x16xi32, #tpu.memory_space<vmem>> -> memref<16xi32, #tpu.memory_space<vmem>>
      %dma_wait3A_205 = arith.constant 0 : i32
      %dma_wait3A_206 = arith.constant 0 : i32
      %dma_wait3A_207 = tpu.memref_slice %arg5[%dma_wait3A_205, %dma_wait3A_206] : memref<32768x1024xf32, #tpu.memory_space<hbm>> -> memref<32768x1024xf32, #tpu.memory_space<hbm>>
      tpu.wait_indirect_dma semaphore(%arg20 : memref<!tpu.dma_semaphore, #tpu.memory_space<semaphore_mem>>) src(%arg12 : memref<16x1024xf32, #tpu.memory_space<vmem>>) dst(%dma_wait3A_207 : memref<32768x1024xf32, #tpu.memory_space<hbm>>)
      %dma_start3A_208 = arith.constant 0 : i32
      %dma_start3A_209 = tpu.memref_slice %arg7[%min3A_141, %dma_start3A_208] : memref<64x16xi32, #tpu.memory_space<vmem>> -> memref<1x16xi32, #tpu.memory_space<vmem>>
      %dma_start3A_210 = tpu.memref_squeeze %dma_start3A_209 : memref<1x16xi32, #tpu.memory_space<vmem>> -> memref<16xi32, #tpu.memory_space<vmem>>
      %dma_start3A_211 = arith.constant 0 : i32
      %dma_start3A_212 = arith.constant 0 : i32
      %dma_start3A_213 = tpu.memref_slice %arg4[%dma_start3A_211, %dma_start3A_212] : memref<16384x1024xf32, #tpu.memory_space<hbm>> -> memref<16384x1024xf32, #tpu.memory_space<hbm>>
      tpu.enqueue_indirect_dma source(%dma_start3A_213 : memref<16384x1024xf32, #tpu.memory_space<hbm>>) target(%arg12 : memref<16x1024xf32, #tpu.memory_space<vmem>>) offsets(%dma_start3A_210 : memref<16xi32, #tpu.memory_space<vmem>>) semaphore(%arg16 : memref<!tpu.dma_semaphore, #tpu.memory_space<semaphore_mem>>)
      %dma_wait3A_214 = arith.constant 0 : i32
      %dma_wait3A_215 = tpu.memref_slice %arg8[%min3A_182, %dma_wait3A_214] : memref<64x16xi32, #tpu.memory_space<vmem>> -> memref<1x16xi32, #tpu.memory_space<vmem>>
      %dma_wait3A_216 = tpu.memref_squeeze %dma_wait3A_215 : memref<1x16xi32, #tpu.memory_space<vmem>> -> memref<16xi32, #tpu.memory_space<vmem>>
      %dma_wait3A_217 = arith.constant 0 : i32
      %dma_wait3A_218 = arith.constant 0 : i32
      %dma_wait3A_219 = tpu.memref_slice %arg5[%dma_wait3A_217, %dma_wait3A_218] : memref<32768x1024xf32, #tpu.memory_space<hbm>> -> memref<32768x1024xf32, #tpu.memory_space<hbm>>
      tpu.wait_indirect_dma semaphore(%arg21 : memref<!tpu.dma_semaphore, #tpu.memory_space<semaphore_mem>>) src(%arg13 : memref<16x1024xf32, #tpu.memory_space<vmem>>) dst(%dma_wait3A_219 : memref<32768x1024xf32, #tpu.memory_space<hbm>>)
      %dma_start3A_220 = arith.constant 0 : i32
      %dma_start3A_221 = tpu.memref_slice %arg7[%min3A_148, %dma_start3A_220] : memref<64x16xi32, #tpu.memory_space<vmem>> -> memref<1x16xi32, #tpu.memory_space<vmem>>
      %dma_start3A_222 = tpu.memref_squeeze %dma_start3A_221 : memref<1x16xi32, #tpu.memory_space<vmem>> -> memref<16xi32, #tpu.memory_space<vmem>>
      %dma_start3A_223 = arith.constant 0 : i32
      %dma_start3A_224 = arith.constant 0 : i32
      %dma_start3A_225 = tpu.memref_slice %arg4[%dma_start3A_223, %dma_start3A_224] : memref<16384x1024xf32, #tpu.memory_space<hbm>> -> memref<16384x1024xf32, #tpu.memory_space<hbm>>
      tpu.enqueue_indirect_dma source(%dma_start3A_225 : memref<16384x1024xf32, #tpu.memory_space<hbm>>) target(%arg13 : memref<16x1024xf32, #tpu.memory_space<vmem>>) offsets(%dma_start3A_222 : memref<16xi32, #tpu.memory_space<vmem>>) semaphore(%arg17 : memref<!tpu.dma_semaphore, #tpu.memory_space<semaphore_mem>>)
      %dma_wait3A_226 = arith.constant 0 : i32
      %dma_wait3A_227 = tpu.memref_slice %arg8[%min3A_191, %dma_wait3A_226] : memref<64x16xi32, #tpu.memory_space<vmem>> -> memref<1x16xi32, #tpu.memory_space<vmem>>
      %dma_wait3A_228 = tpu.memref_squeeze %dma_wait3A_227 : memref<1x16xi32, #tpu.memory_space<vmem>> -> memref<16xi32, #tpu.memory_space<vmem>>
      %dma_wait3A_229 = arith.constant 0 : i32
      %dma_wait3A_230 = arith.constant 0 : i32
      %dma_wait3A_231 = tpu.memref_slice %arg5[%dma_wait3A_229, %dma_wait3A_230] : memref<32768x1024xf32, #tpu.memory_space<hbm>> -> memref<32768x1024xf32, #tpu.memory_space<hbm>>
      tpu.wait_indirect_dma semaphore(%arg22 : memref<!tpu.dma_semaphore, #tpu.memory_space<semaphore_mem>>) src(%arg14 : memref<16x1024xf32, #tpu.memory_space<vmem>>) dst(%dma_wait3A_231 : memref<32768x1024xf32, #tpu.memory_space<hbm>>)
      %dma_start3A_232 = arith.constant 0 : i32
      %dma_start3A_233 = tpu.memref_slice %arg7[%min3A_155, %dma_start3A_232] : memref<64x16xi32, #tpu.memory_space<vmem>> -> memref<1x16xi32, #tpu.memory_space<vmem>>
      %dma_start3A_234 = tpu.memref_squeeze %dma_start3A_233 : memref<1x16xi32, #tpu.memory_space<vmem>> -> memref<16xi32, #tpu.memory_space<vmem>>
      %dma_start3A_235 = arith.constant 0 : i32
      %dma_start3A_236 = arith.constant 0 : i32
      %dma_start3A_237 = tpu.memref_slice %arg4[%dma_start3A_235, %dma_start3A_236] : memref<16384x1024xf32, #tpu.memory_space<hbm>> -> memref<16384x1024xf32, #tpu.memory_space<hbm>>
      tpu.enqueue_indirect_dma source(%dma_start3A_237 : memref<16384x1024xf32, #tpu.memory_space<hbm>>) target(%arg14 : memref<16x1024xf32, #tpu.memory_space<vmem>>) offsets(%dma_start3A_234 : memref<16xi32, #tpu.memory_space<vmem>>) semaphore(%arg18 : memref<!tpu.dma_semaphore, #tpu.memory_space<semaphore_mem>>)
      %dma_wait3A_238 = arith.constant 0 : i32
      %dma_wait3A_239 = tpu.memref_slice %arg7[%min3A_134, %dma_wait3A_238] : memref<64x16xi32, #tpu.memory_space<vmem>> -> memref<1x16xi32, #tpu.memory_space<vmem>>
      %dma_wait3A_240 = tpu.memref_squeeze %dma_wait3A_239 : memref<1x16xi32, #tpu.memory_space<vmem>> -> memref<16xi32, #tpu.memory_space<vmem>>
      %dma_wait3A_241 = arith.constant 0 : i32
      %dma_wait3A_242 = arith.constant 0 : i32
      %dma_wait3A_243 = tpu.memref_slice %arg4[%dma_wait3A_241, %dma_wait3A_242] : memref<16384x1024xf32, #tpu.memory_space<hbm>> -> memref<16384x1024xf32, #tpu.memory_space<hbm>>
      tpu.wait_indirect_dma semaphore(%arg15 : memref<!tpu.dma_semaphore, #tpu.memory_space<semaphore_mem>>) src(%dma_wait3A_243 : memref<16384x1024xf32, #tpu.memory_space<hbm>>) dst(%arg11 : memref<16x1024xf32, #tpu.memory_space<vmem>>)
      %dma_start3A_244 = arith.constant 0 : i32
      %dma_start3A_245 = tpu.memref_slice %arg8[%min3A_134, %dma_start3A_244] : memref<64x16xi32, #tpu.memory_space<vmem>> -> memref<1x16xi32, #tpu.memory_space<vmem>>
      %dma_start3A_246 = tpu.memref_squeeze %dma_start3A_245 : memref<1x16xi32, #tpu.memory_space<vmem>> -> memref<16xi32, #tpu.memory_space<vmem>>
      %dma_start3A_247 = arith.constant 0 : i32
      %dma_start3A_248 = arith.constant 0 : i32
      %dma_start3A_249 = tpu.memref_slice %arg5[%dma_start3A_247, %dma_start3A_248] : memref<32768x1024xf32, #tpu.memory_space<hbm>> -> memref<32768x1024xf32, #tpu.memory_space<hbm>>
      tpu.enqueue_indirect_dma source(%arg11 : memref<16x1024xf32, #tpu.memory_space<vmem>>) target(%dma_start3A_249 : memref<32768x1024xf32, #tpu.memory_space<hbm>>) offsets(%dma_start3A_246 : memref<16xi32, #tpu.memory_space<vmem>>) semaphore(%arg19 : memref<!tpu.dma_semaphore, #tpu.memory_space<semaphore_mem>>)
      %dma_wait3A_250 = arith.constant 0 : i32
      %dma_wait3A_251 = tpu.memref_slice %arg7[%min3A_141, %dma_wait3A_250] : memref<64x16xi32, #tpu.memory_space<vmem>> -> memref<1x16xi32, #tpu.memory_space<vmem>>
      %dma_wait3A_252 = tpu.memref_squeeze %dma_wait3A_251 : memref<1x16xi32, #tpu.memory_space<vmem>> -> memref<16xi32, #tpu.memory_space<vmem>>
      %dma_wait3A_253 = arith.constant 0 : i32
      %dma_wait3A_254 = arith.constant 0 : i32
      %dma_wait3A_255 = tpu.memref_slice %arg4[%dma_wait3A_253, %dma_wait3A_254] : memref<16384x1024xf32, #tpu.memory_space<hbm>> -> memref<16384x1024xf32, #tpu.memory_space<hbm>>
      tpu.wait_indirect_dma semaphore(%arg16 : memref<!tpu.dma_semaphore, #tpu.memory_space<semaphore_mem>>) src(%dma_wait3A_255 : memref<16384x1024xf32, #tpu.memory_space<hbm>>) dst(%arg12 : memref<16x1024xf32, #tpu.memory_space<vmem>>)
      %dma_start3A_256 = arith.constant 0 : i32
      %dma_start3A_257 = tpu.memref_slice %arg8[%min3A_141, %dma_start3A_256] : memref<64x16xi32, #tpu.memory_space<vmem>> -> memref<1x16xi32, #tpu.memory_space<vmem>>
      %dma_start3A_258 = tpu.memref_squeeze %dma_start3A_257 : memref<1x16xi32, #tpu.memory_space<vmem>> -> memref<16xi32, #tpu.memory_space<vmem>>
      %dma_start3A_259 = arith.constant 0 : i32
      %dma_start3A_260 = arith.constant 0 : i32
      %dma_start3A_261 = tpu.memref_slice %arg5[%dma_start3A_259, %dma_start3A_260] : memref<32768x1024xf32, #tpu.memory_space<hbm>> -> memref<32768x1024xf32, #tpu.memory_space<hbm>>
      tpu.enqueue_indirect_dma source(%arg12 : memref<16x1024xf32, #tpu.memory_space<vmem>>) target(%dma_start3A_261 : memref<32768x1024xf32, #tpu.memory_space<hbm>>) offsets(%dma_start3A_258 : memref<16xi32, #tpu.memory_space<vmem>>) semaphore(%arg20 : memref<!tpu.dma_semaphore, #tpu.memory_space<semaphore_mem>>)
      %dma_wait3A_262 = arith.constant 0 : i32
      %dma_wait3A_263 = tpu.memref_slice %arg7[%min3A_148, %dma_wait3A_262] : memref<64x16xi32, #tpu.memory_space<vmem>> -> memref<1x16xi32, #tpu.memory_space<vmem>>
      %dma_wait3A_264 = tpu.memref_squeeze %dma_wait3A_263 : memref<1x16xi32, #tpu.memory_space<vmem>> -> memref<16xi32, #tpu.memory_space<vmem>>
      %dma_wait3A_265 = arith.constant 0 : i32
      %dma_wait3A_266 = arith.constant 0 : i32
      %dma_wait3A_267 = tpu.memref_slice %arg4[%dma_wait3A_265, %dma_wait3A_266] : memref<16384x1024xf32, #tpu.memory_space<hbm>> -> memref<16384x1024xf32, #tpu.memory_space<hbm>>
      tpu.wait_indirect_dma semaphore(%arg17 : memref<!tpu.dma_semaphore, #tpu.memory_space<semaphore_mem>>) src(%dma_wait3A_267 : memref<16384x1024xf32, #tpu.memory_space<hbm>>) dst(%arg13 : memref<16x1024xf32, #tpu.memory_space<vmem>>)
      %dma_start3A_268 = arith.constant 0 : i32
      %dma_start3A_269 = tpu.memref_slice %arg8[%min3A_148, %dma_start3A_268] : memref<64x16xi32, #tpu.memory_space<vmem>> -> memref<1x16xi32, #tpu.memory_space<vmem>>
      %dma_start3A_270 = tpu.memref_squeeze %dma_start3A_269 : memref<1x16xi32, #tpu.memory_space<vmem>> -> memref<16xi32, #tpu.memory_space<vmem>>
      %dma_start3A_271 = arith.constant 0 : i32
      %dma_start3A_272 = arith.constant 0 : i32
      %dma_start3A_273 = tpu.memref_slice %arg5[%dma_start3A_271, %dma_start3A_272] : memref<32768x1024xf32, #tpu.memory_space<hbm>> -> memref<32768x1024xf32, #tpu.memory_space<hbm>>
      tpu.enqueue_indirect_dma source(%arg13 : memref<16x1024xf32, #tpu.memory_space<vmem>>) target(%dma_start3A_273 : memref<32768x1024xf32, #tpu.memory_space<hbm>>) offsets(%dma_start3A_270 : memref<16xi32, #tpu.memory_space<vmem>>) semaphore(%arg21 : memref<!tpu.dma_semaphore, #tpu.memory_space<semaphore_mem>>)
      %dma_wait3A_274 = arith.constant 0 : i32
      %dma_wait3A_275 = tpu.memref_slice %arg7[%min3A_155, %dma_wait3A_274] : memref<64x16xi32, #tpu.memory_space<vmem>> -> memref<1x16xi32, #tpu.memory_space<vmem>>
      %dma_wait3A_276 = tpu.memref_squeeze %dma_wait3A_275 : memref<1x16xi32, #tpu.memory_space<vmem>> -> memref<16xi32, #tpu.memory_space<vmem>>
      %dma_wait3A_277 = arith.constant 0 : i32
      %dma_wait3A_278 = arith.constant 0 : i32
      %dma_wait3A_279 = tpu.memref_slice %arg4[%dma_wait3A_277, %dma_wait3A_278] : memref<16384x1024xf32, #tpu.memory_space<hbm>> -> memref<16384x1024xf32, #tpu.memory_space<hbm>>
      tpu.wait_indirect_dma semaphore(%arg18 : memref<!tpu.dma_semaphore, #tpu.memory_space<semaphore_mem>>) src(%dma_wait3A_279 : memref<16384x1024xf32, #tpu.memory_space<hbm>>) dst(%arg14 : memref<16x1024xf32, #tpu.memory_space<vmem>>)
      %dma_start3A_280 = arith.constant 0 : i32
      %dma_start3A_281 = tpu.memref_slice %arg8[%min3A_155, %dma_start3A_280] : memref<64x16xi32, #tpu.memory_space<vmem>> -> memref<1x16xi32, #tpu.memory_space<vmem>>
      %dma_start3A_282 = tpu.memref_squeeze %dma_start3A_281 : memref<1x16xi32, #tpu.memory_space<vmem>> -> memref<16xi32, #tpu.memory_space<vmem>>
      %dma_start3A_283 = arith.constant 0 : i32
      %dma_start3A_284 = arith.constant 0 : i32
      %dma_start3A_285 = tpu.memref_slice %arg5[%dma_start3A_283, %dma_start3A_284] : memref<32768x1024xf32, #tpu.memory_space<hbm>> -> memref<32768x1024xf32, #tpu.memory_space<hbm>>
      tpu.enqueue_indirect_dma source(%arg14 : memref<16x1024xf32, #tpu.memory_space<vmem>>) target(%dma_start3A_285 : memref<32768x1024xf32, #tpu.memory_space<hbm>>) offsets(%dma_start3A_282 : memref<16xi32, #tpu.memory_space<vmem>>) semaphore(%arg22 : memref<!tpu.dma_semaphore, #tpu.memory_space<semaphore_mem>>)
      %while3A_286 = arith.constant 0 : i32
      scf.yield %while3A_286 : i32
    }
    %while3A_91 = arith.constant 1 : i32
    %while3A_92 = scf.for %while3A_126 = %while3A_88 to %while3A_84 step %while3A_91 iter_args(%while3A_127 = %while3A_90) -> (i32)  : i32 {
      %mul3A_128 = arith.constant 4 : i32
      %mul3A_129 = arith.muli %while3A_126, %mul3A_128 : i32
      %add3A_130 = arith.constant 0 : i32
      %add3A_131 = arith.addi %mul3A_129, %add3A_130 : i32
      %sub3A_132 = arith.constant 1 : i32
      %sub3A_133 = arith.subi %shift_right_arithmetic3A_42, %sub3A_132 : i32
      %min3A_134 = arith.minsi %add3A_131, %sub3A_133 : i32
      %mul3A_135 = arith.constant 4 : i32
      %mul3A_136 = arith.muli %while3A_126, %mul3A_135 : i32
      %add3A_137 = arith.constant 1 : i32
      %add3A_138 = arith.addi %mul3A_136, %add3A_137 : i32
      %sub3A_139 = arith.constant 1 : i32
      %sub3A_140 = arith.subi %shift_right_arithmetic3A_42, %sub3A_139 : i32
      %min3A_141 = arith.minsi %add3A_138, %sub3A_140 : i32
      %mul3A_142 = arith.constant 4 : i32
      %mul3A_143 = arith.muli %while3A_126, %mul3A_142 : i32
      %add3A_144 = arith.constant 2 : i32
      %add3A_145 = arith.addi %mul3A_143, %add3A_144 : i32
      %sub3A_146 = arith.constant 1 : i32
      %sub3A_147 = arith.subi %shift_right_arithmetic3A_42, %sub3A_146 : i32
      %min3A_148 = arith.minsi %add3A_145, %sub3A_147 : i32
      %mul3A_149 = arith.constant 4 : i32
      %mul3A_150 = arith.muli %while3A_126, %mul3A_149 : i32
      %add3A_151 = arith.constant 3 : i32
      %add3A_152 = arith.addi %mul3A_150, %add3A_151 : i32
      %sub3A_153 = arith.constant 1 : i32
      %sub3A_154 = arith.subi %shift_right_arithmetic3A_42, %sub3A_153 : i32
      %min3A_155 = arith.minsi %add3A_152, %sub3A_154 : i32
      %sub3A_156 = arith.constant 1 : i32
      %sub3A_157 = arith.subi %while3A_126, %sub3A_156 : i32
      %mul3A_158 = arith.constant 4 : i32
      %mul3A_159 = arith.muli %sub3A_157, %mul3A_158 : i32
      %add3A_160 = arith.constant 0 : i32
      %add3A_161 = arith.addi %mul3A_159, %add3A_160 : i32
      %sub3A_162 = arith.constant 1 : i32
      %sub3A_163 = arith.subi %shift_right_arithmetic3A_42, %sub3A_162 : i32
      %min3A_164 = arith.minsi %add3A_161, %sub3A_163 : i32
      %sub3A_165 = arith.constant 1 : i32
      %sub3A_166 = arith.subi %while3A_126, %sub3A_165 : i32
      %mul3A_167 = arith.constant 4 : i32
      %mul3A_168 = arith.muli %sub3A_166, %mul3A_167 : i32
      %add3A_169 = arith.constant 1 : i32
      %add3A_170 = arith.addi %mul3A_168, %add3A_169 : i32
      %sub3A_171 = arith.constant 1 : i32
      %sub3A_172 = arith.subi %shift_right_arithmetic3A_42, %sub3A_171 : i32
      %min3A_173 = arith.minsi %add3A_170, %sub3A_172 : i32
      %sub3A_174 = arith.constant 1 : i32
      %sub3A_175 = arith.subi %while3A_126, %sub3A_174 : i32
      %mul3A_176 = arith.constant 4 : i32
      %mul3A_177 = arith.muli %sub3A_175, %mul3A_176 : i32
      %add3A_178 = arith.constant 2 : i32
      %add3A_179 = arith.addi %mul3A_177, %add3A_178 : i32
      %sub3A_180 = arith.constant 1 : i32
      %sub3A_181 = arith.subi %shift_right_arithmetic3A_42, %sub3A_180 : i32
      %min3A_182 = arith.minsi %add3A_179, %sub3A_181 : i32
      %sub3A_183 = arith.constant 1 : i32
      %sub3A_184 = arith.subi %while3A_126, %sub3A_183 : i32
      %mul3A_185 = arith.constant 4 : i32
      %mul3A_186 = arith.muli %sub3A_184, %mul3A_185 : i32
      %add3A_187 = arith.constant 3 : i32
      %add3A_188 = arith.addi %mul3A_186, %add3A_187 : i32
      %sub3A_189 = arith.constant 1 : i32
      %sub3A_190 = arith.subi %shift_right_arithmetic3A_42, %sub3A_189 : i32
      %min3A_191 = arith.minsi %add3A_188, %sub3A_190 : i32
      %dma_wait3A = arith.constant 0 : i32
      %dma_wait3A_192 = tpu.memref_slice %arg8[%min3A_164, %dma_wait3A] : memref<64x16xi32, #tpu.memory_space<vmem>> -> memref<1x16xi32, #tpu.memory_space<vmem>>
      %dma_wait3A_193 = tpu.memref_squeeze %dma_wait3A_192 : memref<1x16xi32, #tpu.memory_space<vmem>> -> memref<16xi32, #tpu.memory_space<vmem>>
      %dma_wait3A_194 = arith.constant 0 : i32
      %dma_wait3A_195 = arith.constant 0 : i32
      %dma_wait3A_196 = tpu.memref_slice %arg5[%dma_wait3A_194, %dma_wait3A_195] : memref<32768x1024xf32, #tpu.memory_space<hbm>> -> memref<32768x1024xf32, #tpu.memory_space<hbm>>
      tpu.wait_indirect_dma semaphore(%arg19 : memref<!tpu.dma_semaphore, #tpu.memory_space<semaphore_mem>>) src(%arg11 : memref<16x1024xf32, #tpu.memory_space<vmem>>) dst(%dma_wait3A_196 : memref<32768x1024xf32, #tpu.memory_space<hbm>>)
      %dma_start3A = arith.constant 0 : i32
      %dma_start3A_197 = tpu.memref_slice %arg7[%min3A_134, %dma_start3A] : memref<64x16xi32, #tpu.memory_space<vmem>> -> memref<1x16xi32, #tpu.memory_space<vmem>>
      %dma_start3A_198 = tpu.memref_squeeze %dma_start3A_197 : memref<1x16xi32, #tpu.memory_space<vmem>> -> memref<16xi32, #tpu.memory_space<vmem>>
      %dma_start3A_199 = arith.constant 0 : i32
      %dma_start3A_200 = arith.constant 0 : i32
      %dma_start3A_201 = tpu.memref_slice %arg4[%dma_start3A_199, %dma_start3A_200] : memref<16384x1024xf32, #tpu.memory_space<hbm>> -> memref<16384x1024xf32, #tpu.memory_space<hbm>>
      tpu.enqueue_indirect_dma source(%dma_start3A_201 : memref<16384x1024xf32, #tpu.memory_space<hbm>>) target(%arg11 : memref<16x1024xf32, #tpu.memory_space<vmem>>) offsets(%dma_start3A_198 : memref<16xi32, #tpu.memory_space<vmem>>) semaphore(%arg15 : memref<!tpu.dma_semaphore, #tpu.memory_space<semaphore_mem>>)
      %dma_wait3A_202 = arith.constant 0 : i32
      %dma_wait3A_203 = tpu.memref_slice %arg8[%min3A_173, %dma_wait3A_202] : memref<64x16xi32, #tpu.memory_space<vmem>> -> memref<1x16xi32, #tpu.memory_space<vmem>>
      %dma_wait3A_204 = tpu.memref_squeeze %dma_wait3A_203 : memref<1x16xi32, #tpu.memory_space<vmem>> -> memref<16xi32, #tpu.memory_space<vmem>>
      %dma_wait3A_205 = arith.constant 0 : i32
      %dma_wait3A_206 = arith.constant 0 : i32
      %dma_wait3A_207 = tpu.memref_slice %arg5[%dma_wait3A_205, %dma_wait3A_206] : memref<32768x1024xf32, #tpu.memory_space<hbm>> -> memref<32768x1024xf32, #tpu.memory_space<hbm>>
      tpu.wait_indirect_dma semaphore(%arg20 : memref<!tpu.dma_semaphore, #tpu.memory_space<semaphore_mem>>) src(%arg12 : memref<16x1024xf32, #tpu.memory_space<vmem>>) dst(%dma_wait3A_207 : memref<32768x1024xf32, #tpu.memory_space<hbm>>)
      %dma_start3A_208 = arith.constant 0 : i32
      %dma_start3A_209 = tpu.memref_slice %arg7[%min3A_141, %dma_start3A_208] : memref<64x16xi32, #tpu.memory_space<vmem>> -> memref<1x16xi32, #tpu.memory_space<vmem>>
      %dma_start3A_210 = tpu.memref_squeeze %dma_start3A_209 : memref<1x16xi32, #tpu.memory_space<vmem>> -> memref<16xi32, #tpu.memory_space<vmem>>
      %dma_start3A_211 = arith.constant 0 : i32
      %dma_start3A_212 = arith.constant 0 : i32
      %dma_start3A_213 = tpu.memref_slice %arg4[%dma_start3A_211, %dma_start3A_212] : memref<16384x1024xf32, #tpu.memory_space<hbm>> -> memref<16384x1024xf32, #tpu.memory_space<hbm>>
      tpu.enqueue_indirect_dma source(%dma_start3A_213 : memref<16384x1024xf32, #tpu.memory_space<hbm>>) target(%arg12 : memref<16x1024xf32, #tpu.memory_space<vmem>>) offsets(%dma_start3A_210 : memref<16xi32, #tpu.memory_space<vmem>>) semaphore(%arg16 : memref<!tpu.dma_semaphore, #tpu.memory_space<semaphore_mem>>)
      %dma_wait3A_214 = arith.constant 0 : i32
      %dma_wait3A_215 = tpu.memref_slice %arg8[%min3A_182, %dma_wait3A_214] : memref<64x16xi32, #tpu.memory_space<vmem>> -> memref<1x16xi32, #tpu.memory_space<vmem>>
      %dma_wait3A_216 = tpu.memref_squeeze %dma_wait3A_215 : memref<1x16xi32, #tpu.memory_space<vmem>> -> memref<16xi32, #tpu.memory_space<vmem>>
      %dma_wait3A_217 = arith.constant 0 : i32
      %dma_wait3A_218 = arith.constant 0 : i32
      %dma_wait3A_219 = tpu.memref_slice %arg5[%dma_wait3A_217, %dma_wait3A_218] : memref<32768x1024xf32, #tpu.memory_space<hbm>> -> memref<32768x1024xf32, #tpu.memory_space<hbm>>
      tpu.wait_indirect_dma semaphore(%arg21 : memref<!tpu.dma_semaphore, #tpu.memory_space<semaphore_mem>>) src(%arg13 : memref<16x1024xf32, #tpu.memory_space<vmem>>) dst(%dma_wait3A_219 : memref<32768x1024xf32, #tpu.memory_space<hbm>>)
      %dma_start3A_220 = arith.constant 0 : i32
      %dma_start3A_221 = tpu.memref_slice %arg7[%min3A_148, %dma_start3A_220] : memref<64x16xi32, #tpu.memory_space<vmem>> -> memref<1x16xi32, #tpu.memory_space<vmem>>
      %dma_start3A_222 = tpu.memref_squeeze %dma_start3A_221 : memref<1x16xi32, #tpu.memory_space<vmem>> -> memref<16xi32, #tpu.memory_space<vmem>>
      %dma_start3A_223 = arith.constant 0 : i32
      %dma_start3A_224 = arith.constant 0 : i32
      %dma_start3A_225 = tpu.memref_slice %arg4[%dma_start3A_223, %dma_start3A_224] : memref<16384x1024xf32, #tpu.memory_space<hbm>> -> memref<16384x1024xf32, #tpu.memory_space<hbm>>
      tpu.enqueue_indirect_dma source(%dma_start3A_225 : memref<16384x1024xf32, #tpu.memory_space<hbm>>) target(%arg13 : memref<16x1024xf32, #tpu.memory_space<vmem>>) offsets(%dma_start3A_222 : memref<16xi32, #tpu.memory_space<vmem>>) semaphore(%arg17 : memref<!tpu.dma_semaphore, #tpu.memory_space<semaphore_mem>>)
      %dma_wait3A_226 = arith.constant 0 : i32
      %dma_wait3A_227 = tpu.memref_slice %arg8[%min3A_191, %dma_wait3A_226] : memref<64x16xi32, #tpu.memory_space<vmem>> -> memref<1x16xi32, #tpu.memory_space<vmem>>
      %dma_wait3A_228 = tpu.memref_squeeze %dma_wait3A_227 : memref<1x16xi32, #tpu.memory_space<vmem>> -> memref<16xi32, #tpu.memory_space<vmem>>
      %dma_wait3A_229 = arith.constant 0 : i32
      %dma_wait3A_230 = arith.constant 0 : i32
      %dma_wait3A_231 = tpu.memref_slice %arg5[%dma_wait3A_229, %dma_wait3A_230] : memref<32768x1024xf32, #tpu.memory_space<hbm>> -> memref<32768x1024xf32, #tpu.memory_space<hbm>>
      tpu.wait_indirect_dma semaphore(%arg22 : memref<!tpu.dma_semaphore, #tpu.memory_space<semaphore_mem>>) src(%arg14 : memref<16x1024xf32, #tpu.memory_space<vmem>>) dst(%dma_wait3A_231 : memref<32768x1024xf32, #tpu.memory_space<hbm>>)
      %dma_start3A_232 = arith.constant 0 : i32
      %dma_start3A_233 = tpu.memref_slice %arg7[%min3A_155, %dma_start3A_232] : memref<64x16xi32, #tpu.memory_space<vmem>> -> memref<1x16xi32, #tpu.memory_space<vmem>>
      %dma_start3A_234 = tpu.memref_squeeze %dma_start3A_233 : memref<1x16xi32, #tpu.memory_space<vmem>> -> memref<16xi32, #tpu.memory_space<vmem>>
      %dma_start3A_235 = arith.constant 0 : i32
      %dma_start3A_236 = arith.constant 0 : i32
      %dma_start3A_237 = tpu.memref_slice %arg4[%dma_start3A_235, %dma_start3A_236] : memref<16384x1024xf32, #tpu.memory_space<hbm>> -> memref<16384x1024xf32, #tpu.memory_space<hbm>>
      tpu.enqueue_indirect_dma source(%dma_start3A_237 : memref<16384x1024xf32, #tpu.memory_space<hbm>>) target(%arg14 : memref<16x1024xf32, #tpu.memory_space<vmem>>) offsets(%dma_start3A_234 : memref<16xi32, #tpu.memory_space<vmem>>) semaphore(%arg18 : memref<!tpu.dma_semaphore, #tpu.memory_space<semaphore_mem>>)
      %dma_wait3A_238 = arith.constant 0 : i32
      %dma_wait3A_239 = tpu.memref_slice %arg7[%min3A_134, %dma_wait3A_238] : memref<64x16xi32, #tpu.memory_space<vmem>> -> memref<1x16xi32, #tpu.memory_space<vmem>>
      %dma_wait3A_240 = tpu.memref_squeeze %dma_wait3A_239 : memref<1x16xi32, #tpu.memory_space<vmem>> -> memref<16xi32, #tpu.memory_space<vmem>>
      %dma_wait3A_241 = arith.constant 0 : i32
      %dma_wait3A_242 = arith.constant 0 : i32
      %dma_wait3A_243 = tpu.memref_slice %arg4[%dma_wait3A_241, %dma_wait3A_242] : memref<16384x1024xf32, #tpu.memory_space<hbm>> -> memref<16384x1024xf32, #tpu.memory_space<hbm>>
      tpu.wait_indirect_dma semaphore(%arg15 : memref<!tpu.dma_semaphore, #tpu.memory_space<semaphore_mem>>) src(%dma_wait3A_243 : memref<16384x1024xf32, #tpu.memory_space<hbm>>) dst(%arg11 : memref<16x1024xf32, #tpu.memory_space<vmem>>)
      %dma_start3A_244 = arith.constant 0 : i32
      %dma_start3A_245 = tpu.memref_slice %arg8[%min3A_134, %dma_start3A_244] : memref<64x16xi32, #tpu.memory_space<vmem>> -> memref<1x16xi32, #tpu.memory_space<vmem>>
      %dma_start3A_246 = tpu.memref_squeeze %dma_start3A_245 : memref<1x16xi32, #tpu.memory_space<vmem>> -> memref<16xi32, #tpu.memory_space<vmem>>
      %dma_start3A_247 = arith.constant 0 : i32
      %dma_start3A_248 = arith.constant 0 : i32
      %dma_start3A_249 = tpu.memref_slice %arg5[%dma_start3A_247, %dma_start3A_248] : memref<32768x1024xf32, #tpu.memory_space<hbm>> -> memref<32768x1024xf32, #tpu.memory_space<hbm>>
      tpu.enqueue_indirect_dma source(%arg11 : memref<16x1024xf32, #tpu.memory_space<vmem>>) target(%dma_start3A_249 : memref<32768x1024xf32, #tpu.memory_space<hbm>>) offsets(%dma_start3A_246 : memref<16xi32, #tpu.memory_space<vmem>>) semaphore(%arg19 : memref<!tpu.dma_semaphore, #tpu.memory_space<semaphore_mem>>)
      %dma_wait3A_250 = arith.constant 0 : i32
      %dma_wait3A_251 = tpu.memref_slice %arg7[%min3A_141, %dma_wait3A_250] : memref<64x16xi32, #tpu.memory_space<vmem>> -> memref<1x16xi32, #tpu.memory_space<vmem>>
      %dma_wait3A_252 = tpu.memref_squeeze %dma_wait3A_251 : memref<1x16xi32, #tpu.memory_space<vmem>> -> memref<16xi32, #tpu.memory_space<vmem>>
      %dma_wait3A_253 = arith.constant 0 : i32
      %dma_wait3A_254 = arith.constant 0 : i32
      %dma_wait3A_255 = tpu.memref_slice %arg4[%dma_wait3A_253, %dma_wait3A_254] : memref<16384x1024xf32, #tpu.memory_space<hbm>> -> memref<16384x1024xf32, #tpu.memory_space<hbm>>
      tpu.wait_indirect_dma semaphore(%arg16 : memref<!tpu.dma_semaphore, #tpu.memory_space<semaphore_mem>>) src(%dma_wait3A_255 : memref<16384x1024xf32, #tpu.memory_space<hbm>>) dst(%arg12 : memref<16x1024xf32, #tpu.memory_space<vmem>>)
      %dma_start3A_256 = arith.constant 0 : i32
      %dma_start3A_257 = tpu.memref_slice %arg8[%min3A_141, %dma_start3A_256] : memref<64x16xi32, #tpu.memory_space<vmem>> -> memref<1x16xi32, #tpu.memory_space<vmem>>
      %dma_start3A_258 = tpu.memref_squeeze %dma_start3A_257 : memref<1x16xi32, #tpu.memory_space<vmem>> -> memref<16xi32, #tpu.memory_space<vmem>>
      %dma_start3A_259 = arith.constant 0 : i32
      %dma_start3A_260 = arith.constant 0 : i32
      %dma_start3A_261 = tpu.memref_slice %arg5[%dma_start3A_259, %dma_start3A_260] : memref<32768x1024xf32, #tpu.memory_space<hbm>> -> memref<32768x1024xf32, #tpu.memory_space<hbm>>
      tpu.enqueue_indirect_dma source(%arg12 : memref<16x1024xf32, #tpu.memory_space<vmem>>) target(%dma_start3A_261 : memref<32768x1024xf32, #tpu.memory_space<hbm>>) offsets(%dma_start3A_258 : memref<16xi32, #tpu.memory_space<vmem>>) semaphore(%arg20 : memref<!tpu.dma_semaphore, #tpu.memory_space<semaphore_mem>>)
      %dma_wait3A_262 = arith.constant 0 : i32
      %dma_wait3A_263 = tpu.memref_slice %arg7[%min3A_148, %dma_wait3A_262] : memref<64x16xi32, #tpu.memory_space<vmem>> -> memref<1x16xi32, #tpu.memory_space<vmem>>
      %dma_wait3A_264 = tpu.memref_squeeze %dma_wait3A_263 : memref<1x16xi32, #tpu.memory_space<vmem>> -> memref<16xi32, #tpu.memory_space<vmem>>
      %dma_wait3A_265 = arith.constant 0 : i32
      %dma_wait3A_266 = arith.constant 0 : i32
      %dma_wait3A_267 = tpu.memref_slice %arg4[%dma_wait3A_265, %dma_wait3A_266] : memref<16384x1024xf32, #tpu.memory_space<hbm>> -> memref<16384x1024xf32, #tpu.memory_space<hbm>>
      tpu.wait_indirect_dma semaphore(%arg17 : memref<!tpu.dma_semaphore, #tpu.memory_space<semaphore_mem>>) src(%dma_wait3A_267 : memref<16384x1024xf32, #tpu.memory_space<hbm>>) dst(%arg13 : memref<16x1024xf32, #tpu.memory_space<vmem>>)
      %dma_start3A_268 = arith.constant 0 : i32
      %dma_start3A_269 = tpu.memref_slice %arg8[%min3A_148, %dma_start3A_268] : memref<64x16xi32, #tpu.memory_space<vmem>> -> memref<1x16xi32, #tpu.memory_space<vmem>>
      %dma_start3A_270 = tpu.memref_squeeze %dma_start3A_269 : memref<1x16xi32, #tpu.memory_space<vmem>> -> memref<16xi32, #tpu.memory_space<vmem>>
      %dma_start3A_271 = arith.constant 0 : i32
      %dma_start3A_272 = arith.constant 0 : i32
      %dma_start3A_273 = tpu.memref_slice %arg5[%dma_start3A_271, %dma_start3A_272] : memref<32768x1024xf32, #tpu.memory_space<hbm>> -> memref<32768x1024xf32, #tpu.memory_space<hbm>>
      tpu.enqueue_indirect_dma source(%arg13 : memref<16x1024xf32, #tpu.memory_space<vmem>>) target(%dma_start3A_273 : memref<32768x1024xf32, #tpu.memory_space<hbm>>) offsets(%dma_start3A_270 : memref<16xi32, #tpu.memory_space<vmem>>) semaphore(%arg21 : memref<!tpu.dma_semaphore, #tpu.memory_space<semaphore_mem>>)
      %dma_wait3A_274 = arith.constant 0 : i32
      %dma_wait3A_275 = tpu.memref_slice %arg7[%min3A_155, %dma_wait3A_274] : memref<64x16xi32, #tpu.memory_space<vmem>> -> memref<1x16xi32, #tpu.memory_space<vmem>>
      %dma_wait3A_276 = tpu.memref_squeeze %dma_wait3A_275 : memref<1x16xi32, #tpu.memory_space<vmem>> -> memref<16xi32, #tpu.memory_space<vmem>>
      %dma_wait3A_277 = arith.constant 0 : i32
      %dma_wait3A_278 = arith.constant 0 : i32
      %dma_wait3A_279 = tpu.memref_slice %arg4[%dma_wait3A_277, %dma_wait3A_278] : memref<16384x1024xf32, #tpu.memory_space<hbm>> -> memref<16384x1024xf32, #tpu.memory_space<hbm>>
      tpu.wait_indirect_dma semaphore(%arg18 : memref<!tpu.dma_semaphore, #tpu.memory_space<semaphore_mem>>) src(%dma_wait3A_279 : memref<16384x1024xf32, #tpu.memory_space<hbm>>) dst(%arg14 : memref<16x1024xf32, #tpu.memory_space<vmem>>)
      %dma_start3A_280 = arith.constant 0 : i32
      %dma_start3A_281 = tpu.memref_slice %arg8[%min3A_155, %dma_start3A_280] : memref<64x16xi32, #tpu.memory_space<vmem>> -> memref<1x16xi32, #tpu.memory_space<vmem>>
      %dma_start3A_282 = tpu.memref_squeeze %dma_start3A_281 : memref<1x16xi32, #tpu.memory_space<vmem>> -> memref<16xi32, #tpu.memory_space<vmem>>
      %dma_start3A_283 = arith.constant 0 : i32
      %dma_start3A_284 = arith.constant 0 : i32
      %dma_start3A_285 = tpu.memref_slice %arg5[%dma_start3A_283, %dma_start3A_284] : memref<32768x1024xf32, #tpu.memory_space<hbm>> -> memref<32768x1024xf32, #tpu.memory_space<hbm>>
      tpu.enqueue_indirect_dma source(%arg14 : memref<16x1024xf32, #tpu.memory_space<vmem>>) target(%dma_start3A_285 : memref<32768x1024xf32, #tpu.memory_space<hbm>>) offsets(%dma_start3A_282 : memref<16xi32, #tpu.memory_space<vmem>>) semaphore(%arg22 : memref<!tpu.dma_semaphore, #tpu.memory_space<semaphore_mem>>)
      %while3A_286 = arith.constant 0 : i32
      scf.yield %while3A_286 : i32
    }
    %gt3A_93 = arith.constant 0 : i32
    %gt3A_94 = arith.cmpi sgt, %shift_right_arithmetic3A_42, %gt3A_93 : i32
    %convert_element_type3A_95 = arith.extui %gt3A_94 : i1 to i32
    %cond3A_96 = arith.constant 0 : i32
    %cond3A_97 = arith.cmpi ne, %convert_element_type3A_95, %cond3A_96 : i32
    scf.if %cond3A_97 {
      %sub3A_126 = arith.constant 1 : i32
      %sub3A_127 = arith.subi %shift_right_arithmetic3A_78, %sub3A_126 : i32
      %mul3A_128 = arith.constant 4 : i32
      %mul3A_129 = arith.muli %sub3A_127, %mul3A_128 : i32
      %add3A_130 = arith.constant 0 : i32
      %add3A_131 = arith.addi %mul3A_129, %add3A_130 : i32
      %sub3A_132 = arith.constant 1 : i32
      %sub3A_133 = arith.subi %shift_right_arithmetic3A_42, %sub3A_132 : i32
      %min3A_134 = arith.minsi %add3A_131, %sub3A_133 : i32
      %dma_wait3A = arith.constant 0 : i32
      %dma_wait3A_135 = tpu.memref_slice %arg8[%min3A_134, %dma_wait3A] : memref<64x16xi32, #tpu.memory_space<vmem>> -> memref<1x16xi32, #tpu.memory_space<vmem>>
      %dma_wait3A_136 = tpu.memref_squeeze %dma_wait3A_135 : memref<1x16xi32, #tpu.memory_space<vmem>> -> memref<16xi32, #tpu.memory_space<vmem>>
      %dma_wait3A_137 = arith.constant 0 : i32
      %dma_wait3A_138 = arith.constant 0 : i32
      %dma_wait3A_139 = tpu.memref_slice %arg5[%dma_wait3A_137, %dma_wait3A_138] : memref<32768x1024xf32, #tpu.memory_space<hbm>> -> memref<32768x1024xf32, #tpu.memory_space<hbm>>
      tpu.wait_indirect_dma semaphore(%arg19 : memref<!tpu.dma_semaphore, #tpu.memory_space<semaphore_mem>>) src(%arg11 : memref<16x1024xf32, #tpu.memory_space<vmem>>) dst(%dma_wait3A_139 : memref<32768x1024xf32, #tpu.memory_space<hbm>>)
      %sub3A_140 = arith.constant 1 : i32
      %sub3A_141 = arith.subi %shift_right_arithmetic3A_78, %sub3A_140 : i32
      %mul3A_142 = arith.constant 4 : i32
      %mul3A_143 = arith.muli %sub3A_141, %mul3A_142 : i32
      %add3A_144 = arith.constant 1 : i32
      %add3A_145 = arith.addi %mul3A_143, %add3A_144 : i32
      %sub3A_146 = arith.constant 1 : i32
      %sub3A_147 = arith.subi %shift_right_arithmetic3A_42, %sub3A_146 : i32
      %min3A_148 = arith.minsi %add3A_145, %sub3A_147 : i32
      %dma_wait3A_149 = arith.constant 0 : i32
      %dma_wait3A_150 = tpu.memref_slice %arg8[%min3A_148, %dma_wait3A_149] : memref<64x16xi32, #tpu.memory_space<vmem>> -> memref<1x16xi32, #tpu.memory_space<vmem>>
      %dma_wait3A_151 = tpu.memref_squeeze %dma_wait3A_150 : memref<1x16xi32, #tpu.memory_space<vmem>> -> memref<16xi32, #tpu.memory_space<vmem>>
      %dma_wait3A_152 = arith.constant 0 : i32
      %dma_wait3A_153 = arith.constant 0 : i32
      %dma_wait3A_154 = tpu.memref_slice %arg5[%dma_wait3A_152, %dma_wait3A_153] : memref<32768x1024xf32, #tpu.memory_space<hbm>> -> memref<32768x1024xf32, #tpu.memory_space<hbm>>
      tpu.wait_indirect_dma semaphore(%arg20 : memref<!tpu.dma_semaphore, #tpu.memory_space<semaphore_mem>>) src(%arg12 : memref<16x1024xf32, #tpu.memory_space<vmem>>) dst(%dma_wait3A_154 : memref<32768x1024xf32, #tpu.memory_space<hbm>>)
      %sub3A_155 = arith.constant 1 : i32
      %sub3A_156 = arith.subi %shift_right_arithmetic3A_78, %sub3A_155 : i32
      %mul3A_157 = arith.constant 4 : i32
      %mul3A_158 = arith.muli %sub3A_156, %mul3A_157 : i32
      %add3A_159 = arith.constant 2 : i32
      %add3A_160 = arith.addi %mul3A_158, %add3A_159 : i32
      %sub3A_161 = arith.constant 1 : i32
      %sub3A_162 = arith.subi %shift_right_arithmetic3A_42, %sub3A_161 : i32
      %min3A_163 = arith.minsi %add3A_160, %sub3A_162 : i32
      %dma_wait3A_164 = arith.constant 0 : i32
      %dma_wait3A_165 = tpu.memref_slice %arg8[%min3A_163, %dma_wait3A_164] : memref<64x16xi32, #tpu.memory_space<vmem>> -> memref<1x16xi32, #tpu.memory_space<vmem>>
      %dma_wait3A_166 = tpu.memref_squeeze %dma_wait3A_165 : memref<1x16xi32, #tpu.memory_space<vmem>> -> memref<16xi32, #tpu.memory_space<vmem>>
      %dma_wait3A_167 = arith.constant 0 : i32
      %dma_wait3A_168 = arith.constant 0 : i32
      %dma_wait3A_169 = tpu.memref_slice %arg5[%dma_wait3A_167, %dma_wait3A_168] : memref<32768x1024xf32, #tpu.memory_space<hbm>> -> memref<32768x1024xf32, #tpu.memory_space<hbm>>
      tpu.wait_indirect_dma semaphore(%arg21 : memref<!tpu.dma_semaphore, #tpu.memory_space<semaphore_mem>>) src(%arg13 : memref<16x1024xf32, #tpu.memory_space<vmem>>) dst(%dma_wait3A_169 : memref<32768x1024xf32, #tpu.memory_space<hbm>>)
      %sub3A_170 = arith.constant 1 : i32
      %sub3A_171 = arith.subi %shift_right_arithmetic3A_78, %sub3A_170 : i32
      %mul3A_172 = arith.constant 4 : i32
      %mul3A_173 = arith.muli %sub3A_171, %mul3A_172 : i32
      %add3A_174 = arith.constant 3 : i32
      %add3A_175 = arith.addi %mul3A_173, %add3A_174 : i32
      %sub3A_176 = arith.constant 1 : i32
      %sub3A_177 = arith.subi %shift_right_arithmetic3A_42, %sub3A_176 : i32
      %min3A_178 = arith.minsi %add3A_175, %sub3A_177 : i32
      %dma_wait3A_179 = arith.constant 0 : i32
      %dma_wait3A_180 = tpu.memref_slice %arg8[%min3A_178, %dma_wait3A_179] : memref<64x16xi32, #tpu.memory_space<vmem>> -> memref<1x16xi32, #tpu.memory_space<vmem>>
      %dma_wait3A_181 = tpu.memref_squeeze %dma_wait3A_180 : memref<1x16xi32, #tpu.memory_space<vmem>> -> memref<16xi32, #tpu.memory_space<vmem>>
      %dma_wait3A_182 = arith.constant 0 : i32
      %dma_wait3A_183 = arith.constant 0 : i32
      %dma_wait3A_184 = tpu.memref_slice %arg5[%dma_wait3A_182, %dma_wait3A_183] : memref<32768x1024xf32, #tpu.memory_space<hbm>> -> memref<32768x1024xf32, #tpu.memory_space<hbm>>
      tpu.wait_indirect_dma semaphore(%arg22 : memref<!tpu.dma_semaphore, #tpu.memory_space<semaphore_mem>>) src(%arg14 : memref<16x1024xf32, #tpu.memory_space<vmem>>) dst(%dma_wait3A_184 : memref<32768x1024xf32, #tpu.memory_space<hbm>>)
    } else {
    }
    %add3A_98 = arith.constant 4 : i32
    %add3A_99 = arith.addi %shift_right_arithmetic3A_46, %add3A_98 : i32
    %sub3A_100 = arith.constant 1 : i32
    %sub3A_101 = arith.subi %add3A_99, %sub3A_100 : i32
    %shift_right_arithmetic3A_102 = arith.constant 2 : i32
    %shift_right_arithmetic3A_103 = arith.shrsi %sub3A_101, %shift_right_arithmetic3A_102 : i32
    %gt3A_104 = arith.constant 0 : i32
    %gt3A_105 = arith.cmpi sgt, %shift_right_arithmetic3A_46, %gt3A_104 : i32
    %convert_element_type3A_106 = arith.extui %gt3A_105 : i1 to i32
    %cond3A_107 = arith.constant 0 : i32
    %cond3A_108 = arith.cmpi ne, %convert_element_type3A_106, %cond3A_107 : i32
    scf.if %cond3A_108 {
      %sub3A_126 = arith.constant 1 : i32
      %sub3A_127 = arith.subi %shift_right_arithmetic3A_46, %sub3A_126 : i32
      %min3A_128 = arith.constant 0 : i32
      %min3A_129 = arith.minsi %min3A_128, %sub3A_127 : i32
      %sub3A_130 = arith.constant 1 : i32
      %sub3A_131 = arith.subi %shift_right_arithmetic3A_46, %sub3A_130 : i32
      %min3A_132 = arith.constant 1 : i32
      %min3A_133 = arith.minsi %min3A_132, %sub3A_131 : i32
      %sub3A_134 = arith.constant 1 : i32
      %sub3A_135 = arith.subi %shift_right_arithmetic3A_46, %sub3A_134 : i32
      %min3A_136 = arith.constant 2 : i32
      %min3A_137 = arith.minsi %min3A_136, %sub3A_135 : i32
      %sub3A_138 = arith.constant 1 : i32
      %sub3A_139 = arith.subi %shift_right_arithmetic3A_46, %sub3A_138 : i32
      %min3A_140 = arith.constant 3 : i32
      %min3A_141 = arith.minsi %min3A_140, %sub3A_139 : i32
      %dma_start3A = arith.constant 0 : i32
      %dma_start3A_142 = tpu.memref_slice %arg9[%min3A_129, %dma_start3A] : memref<64x16xi32, #tpu.memory_space<vmem>> -> memref<1x16xi32, #tpu.memory_space<vmem>>
      %dma_start3A_143 = tpu.memref_squeeze %dma_start3A_142 : memref<1x16xi32, #tpu.memory_space<vmem>> -> memref<16xi32, #tpu.memory_space<vmem>>
      %dma_start3A_144 = arith.constant 0 : i32
      %dma_start3A_145 = arith.constant 0 : i32
      %dma_start3A_146 = tpu.memref_slice %arg3[%dma_start3A_144, %dma_start3A_145] : memref<32768x1024xf32, #tpu.memory_space<hbm>> -> memref<32768x1024xf32, #tpu.memory_space<hbm>>
      tpu.enqueue_indirect_dma source(%dma_start3A_146 : memref<32768x1024xf32, #tpu.memory_space<hbm>>) target(%arg11 : memref<16x1024xf32, #tpu.memory_space<vmem>>) offsets(%dma_start3A_143 : memref<16xi32, #tpu.memory_space<vmem>>) semaphore(%arg15 : memref<!tpu.dma_semaphore, #tpu.memory_space<semaphore_mem>>)
      %dma_start3A_147 = arith.constant 0 : i32
      %dma_start3A_148 = tpu.memref_slice %arg9[%min3A_133, %dma_start3A_147] : memref<64x16xi32, #tpu.memory_space<vmem>> -> memref<1x16xi32, #tpu.memory_space<vmem>>
      %dma_start3A_149 = tpu.memref_squeeze %dma_start3A_148 : memref<1x16xi32, #tpu.memory_space<vmem>> -> memref<16xi32, #tpu.memory_space<vmem>>
      %dma_start3A_150 = arith.constant 0 : i32
      %dma_start3A_151 = arith.constant 0 : i32
      %dma_start3A_152 = tpu.memref_slice %arg3[%dma_start3A_150, %dma_start3A_151] : memref<32768x1024xf32, #tpu.memory_space<hbm>> -> memref<32768x1024xf32, #tpu.memory_space<hbm>>
      tpu.enqueue_indirect_dma source(%dma_start3A_152 : memref<32768x1024xf32, #tpu.memory_space<hbm>>) target(%arg12 : memref<16x1024xf32, #tpu.memory_space<vmem>>) offsets(%dma_start3A_149 : memref<16xi32, #tpu.memory_space<vmem>>) semaphore(%arg16 : memref<!tpu.dma_semaphore, #tpu.memory_space<semaphore_mem>>)
      %dma_start3A_153 = arith.constant 0 : i32
      %dma_start3A_154 = tpu.memref_slice %arg9[%min3A_137, %dma_start3A_153] : memref<64x16xi32, #tpu.memory_space<vmem>> -> memref<1x16xi32, #tpu.memory_space<vmem>>
      %dma_start3A_155 = tpu.memref_squeeze %dma_start3A_154 : memref<1x16xi32, #tpu.memory_space<vmem>> -> memref<16xi32, #tpu.memory_space<vmem>>
      %dma_start3A_156 = arith.constant 0 : i32
      %dma_start3A_157 = arith.constant 0 : i32
      %dma_start3A_158 = tpu.memref_slice %arg3[%dma_start3A_156, %dma_start3A_157] : memref<32768x1024xf32, #tpu.memory_space<hbm>> -> memref<32768x1024xf32, #tpu.memory_space<hbm>>
      tpu.enqueue_indirect_dma source(%dma_start3A_158 : memref<32768x1024xf32, #tpu.memory_space<hbm>>) target(%arg13 : memref<16x1024xf32, #tpu.memory_space<vmem>>) offsets(%dma_start3A_155 : memref<16xi32, #tpu.memory_space<vmem>>) semaphore(%arg17 : memref<!tpu.dma_semaphore, #tpu.memory_space<semaphore_mem>>)
      %dma_start3A_159 = arith.constant 0 : i32
      %dma_start3A_160 = tpu.memref_slice %arg9[%min3A_141, %dma_start3A_159] : memref<64x16xi32, #tpu.memory_space<vmem>> -> memref<1x16xi32, #tpu.memory_space<vmem>>
      %dma_start3A_161 = tpu.memref_squeeze %dma_start3A_160 : memref<1x16xi32, #tpu.memory_space<vmem>> -> memref<16xi32, #tpu.memory_space<vmem>>
      %dma_start3A_162 = arith.constant 0 : i32
      %dma_start3A_163 = arith.constant 0 : i32
      %dma_start3A_164 = tpu.memref_slice %arg3[%dma_start3A_162, %dma_start3A_163] : memref<32768x1024xf32, #tpu.memory_space<hbm>> -> memref<32768x1024xf32, #tpu.memory_space<hbm>>
      tpu.enqueue_indirect_dma source(%dma_start3A_164 : memref<32768x1024xf32, #tpu.memory_space<hbm>>) target(%arg14 : memref<16x1024xf32, #tpu.memory_space<vmem>>) offsets(%dma_start3A_161 : memref<16xi32, #tpu.memory_space<vmem>>) semaphore(%arg18 : memref<!tpu.dma_semaphore, #tpu.memory_space<semaphore_mem>>)
      %dma_wait3A = arith.constant 0 : i32
      %dma_wait3A_165 = tpu.memref_slice %arg9[%min3A_129, %dma_wait3A] : memref<64x16xi32, #tpu.memory_space<vmem>> -> memref<1x16xi32, #tpu.memory_space<vmem>>
      %dma_wait3A_166 = tpu.memref_squeeze %dma_wait3A_165 : memref<1x16xi32, #tpu.memory_space<vmem>> -> memref<16xi32, #tpu.memory_space<vmem>>
      %dma_wait3A_167 = arith.constant 0 : i32
      %dma_wait3A_168 = arith.constant 0 : i32
      %dma_wait3A_169 = tpu.memref_slice %arg3[%dma_wait3A_167, %dma_wait3A_168] : memref<32768x1024xf32, #tpu.memory_space<hbm>> -> memref<32768x1024xf32, #tpu.memory_space<hbm>>
      tpu.wait_indirect_dma semaphore(%arg15 : memref<!tpu.dma_semaphore, #tpu.memory_space<semaphore_mem>>) src(%dma_wait3A_169 : memref<32768x1024xf32, #tpu.memory_space<hbm>>) dst(%arg11 : memref<16x1024xf32, #tpu.memory_space<vmem>>)
      %dma_start3A_170 = arith.constant 0 : i32
      %dma_start3A_171 = tpu.memref_slice %arg10[%min3A_129, %dma_start3A_170] : memref<64x16xi32, #tpu.memory_space<vmem>> -> memref<1x16xi32, #tpu.memory_space<vmem>>
      %dma_start3A_172 = tpu.memref_squeeze %dma_start3A_171 : memref<1x16xi32, #tpu.memory_space<vmem>> -> memref<16xi32, #tpu.memory_space<vmem>>
      %dma_start3A_173 = arith.constant 0 : i32
      %dma_start3A_174 = arith.constant 0 : i32
      %dma_start3A_175 = tpu.memref_slice %arg5[%dma_start3A_173, %dma_start3A_174] : memref<32768x1024xf32, #tpu.memory_space<hbm>> -> memref<32768x1024xf32, #tpu.memory_space<hbm>>
      tpu.enqueue_indirect_dma source(%arg11 : memref<16x1024xf32, #tpu.memory_space<vmem>>) target(%dma_start3A_175 : memref<32768x1024xf32, #tpu.memory_space<hbm>>) offsets(%dma_start3A_172 : memref<16xi32, #tpu.memory_space<vmem>>) semaphore(%arg19 : memref<!tpu.dma_semaphore, #tpu.memory_space<semaphore_mem>>)
      %dma_wait3A_176 = arith.constant 0 : i32
      %dma_wait3A_177 = tpu.memref_slice %arg9[%min3A_133, %dma_wait3A_176] : memref<64x16xi32, #tpu.memory_space<vmem>> -> memref<1x16xi32, #tpu.memory_space<vmem>>
      %dma_wait3A_178 = tpu.memref_squeeze %dma_wait3A_177 : memref<1x16xi32, #tpu.memory_space<vmem>> -> memref<16xi32, #tpu.memory_space<vmem>>
      %dma_wait3A_179 = arith.constant 0 : i32
      %dma_wait3A_180 = arith.constant 0 : i32
      %dma_wait3A_181 = tpu.memref_slice %arg3[%dma_wait3A_179, %dma_wait3A_180] : memref<32768x1024xf32, #tpu.memory_space<hbm>> -> memref<32768x1024xf32, #tpu.memory_space<hbm>>
      tpu.wait_indirect_dma semaphore(%arg16 : memref<!tpu.dma_semaphore, #tpu.memory_space<semaphore_mem>>) src(%dma_wait3A_181 : memref<32768x1024xf32, #tpu.memory_space<hbm>>) dst(%arg12 : memref<16x1024xf32, #tpu.memory_space<vmem>>)
      %dma_start3A_182 = arith.constant 0 : i32
      %dma_start3A_183 = tpu.memref_slice %arg10[%min3A_133, %dma_start3A_182] : memref<64x16xi32, #tpu.memory_space<vmem>> -> memref<1x16xi32, #tpu.memory_space<vmem>>
      %dma_start3A_184 = tpu.memref_squeeze %dma_start3A_183 : memref<1x16xi32, #tpu.memory_space<vmem>> -> memref<16xi32, #tpu.memory_space<vmem>>
      %dma_start3A_185 = arith.constant 0 : i32
      %dma_start3A_186 = arith.constant 0 : i32
      %dma_start3A_187 = tpu.memref_slice %arg5[%dma_start3A_185, %dma_start3A_186] : memref<32768x1024xf32, #tpu.memory_space<hbm>> -> memref<32768x1024xf32, #tpu.memory_space<hbm>>
      tpu.enqueue_indirect_dma source(%arg12 : memref<16x1024xf32, #tpu.memory_space<vmem>>) target(%dma_start3A_187 : memref<32768x1024xf32, #tpu.memory_space<hbm>>) offsets(%dma_start3A_184 : memref<16xi32, #tpu.memory_space<vmem>>) semaphore(%arg20 : memref<!tpu.dma_semaphore, #tpu.memory_space<semaphore_mem>>)
      %dma_wait3A_188 = arith.constant 0 : i32
      %dma_wait3A_189 = tpu.memref_slice %arg9[%min3A_137, %dma_wait3A_188] : memref<64x16xi32, #tpu.memory_space<vmem>> -> memref<1x16xi32, #tpu.memory_space<vmem>>
      %dma_wait3A_190 = tpu.memref_squeeze %dma_wait3A_189 : memref<1x16xi32, #tpu.memory_space<vmem>> -> memref<16xi32, #tpu.memory_space<vmem>>
      %dma_wait3A_191 = arith.constant 0 : i32
      %dma_wait3A_192 = arith.constant 0 : i32
      %dma_wait3A_193 = tpu.memref_slice %arg3[%dma_wait3A_191, %dma_wait3A_192] : memref<32768x1024xf32, #tpu.memory_space<hbm>> -> memref<32768x1024xf32, #tpu.memory_space<hbm>>
      tpu.wait_indirect_dma semaphore(%arg17 : memref<!tpu.dma_semaphore, #tpu.memory_space<semaphore_mem>>) src(%dma_wait3A_193 : memref<32768x1024xf32, #tpu.memory_space<hbm>>) dst(%arg13 : memref<16x1024xf32, #tpu.memory_space<vmem>>)
      %dma_start3A_194 = arith.constant 0 : i32
      %dma_start3A_195 = tpu.memref_slice %arg10[%min3A_137, %dma_start3A_194] : memref<64x16xi32, #tpu.memory_space<vmem>> -> memref<1x16xi32, #tpu.memory_space<vmem>>
      %dma_start3A_196 = tpu.memref_squeeze %dma_start3A_195 : memref<1x16xi32, #tpu.memory_space<vmem>> -> memref<16xi32, #tpu.memory_space<vmem>>
      %dma_start3A_197 = arith.constant 0 : i32
      %dma_start3A_198 = arith.constant 0 : i32
      %dma_start3A_199 = tpu.memref_slice %arg5[%dma_start3A_197, %dma_start3A_198] : memref<32768x1024xf32, #tpu.memory_space<hbm>> -> memref<32768x1024xf32, #tpu.memory_space<hbm>>
      tpu.enqueue_indirect_dma source(%arg13 : memref<16x1024xf32, #tpu.memory_space<vmem>>) target(%dma_start3A_199 : memref<32768x1024xf32, #tpu.memory_space<hbm>>) offsets(%dma_start3A_196 : memref<16xi32, #tpu.memory_space<vmem>>) semaphore(%arg21 : memref<!tpu.dma_semaphore, #tpu.memory_space<semaphore_mem>>)
      %dma_wait3A_200 = arith.constant 0 : i32
      %dma_wait3A_201 = tpu.memref_slice %arg9[%min3A_141, %dma_wait3A_200] : memref<64x16xi32, #tpu.memory_space<vmem>> -> memref<1x16xi32, #tpu.memory_space<vmem>>
      %dma_wait3A_202 = tpu.memref_squeeze %dma_wait3A_201 : memref<1x16xi32, #tpu.memory_space<vmem>> -> memref<16xi32, #tpu.memory_space<vmem>>
      %dma_wait3A_203 = arith.constant 0 : i32
      %dma_wait3A_204 = arith.constant 0 : i32
      %dma_wait3A_205 = tpu.memref_slice %arg3[%dma_wait3A_203, %dma_wait3A_204] : memref<32768x1024xf32, #tpu.memory_space<hbm>> -> memref<32768x1024xf32, #tpu.memory_space<hbm>>
      tpu.wait_indirect_dma semaphore(%arg18 : memref<!tpu.dma_semaphore, #tpu.memory_space<semaphore_mem>>) src(%dma_wait3A_205 : memref<32768x1024xf32, #tpu.memory_space<hbm>>) dst(%arg14 : memref<16x1024xf32, #tpu.memory_space<vmem>>)
      %dma_start3A_206 = arith.constant 0 : i32
      %dma_start3A_207 = tpu.memref_slice %arg10[%min3A_141, %dma_start3A_206] : memref<64x16xi32, #tpu.memory_space<vmem>> -> memref<1x16xi32, #tpu.memory_space<vmem>>
      %dma_start3A_208 = tpu.memref_squeeze %dma_start3A_207 : memref<1x16xi32, #tpu.memory_space<vmem>> -> memref<16xi32, #tpu.memory_space<vmem>>
      %dma_start3A_209 = arith.constant 0 : i32
      %dma_start3A_210 = arith.constant 0 : i32
      %dma_start3A_211 = tpu.memref_slice %arg5[%dma_start3A_209, %dma_start3A_210] : memref<32768x1024xf32, #tpu.memory_space<hbm>> -> memref<32768x1024xf32, #tpu.memory_space<hbm>>
      tpu.enqueue_indirect_dma source(%arg14 : memref<16x1024xf32, #tpu.memory_space<vmem>>) target(%dma_start3A_211 : memref<32768x1024xf32, #tpu.memory_space<hbm>>) offsets(%dma_start3A_208 : memref<16xi32, #tpu.memory_space<vmem>>) semaphore(%arg22 : memref<!tpu.dma_semaphore, #tpu.memory_space<semaphore_mem>>)
    } else {
    }
    %while3A_109 = arith.constant 1 : i32
    %while3A_110 = arith.constant 0 : i32
    %while3A_111 = arith.subi %shift_right_arithmetic3A_103, %while3A_109 : i32
    %while3A_112 = arith.addi %while3A_109, %while3A_111 : i32
    %while3A_113 = arith.constant 1 : i32
    %while3A_114 = arith.divsi %while3A_111, %while3A_113 : i32
    %while3A_115 = arith.muli %while3A_114, %while3A_113 : i32
    %while3A_116 = arith.addi %while3A_109, %while3A_115 : i32
    %while3A_117 = arith.constant 1 : i32
    %while3A_118 = scf.for %while3A_126 = %while3A_109 to %while3A_116 step %while3A_117 iter_args(%while3A_127 = %while3A_110) -> (i32)  : i32 {
      %mul3A_128 = arith.constant 4 : i32
      %mul3A_129 = arith.muli %while3A_126, %mul3A_128 : i32
      %add3A_130 = arith.constant 0 : i32
      %add3A_131 = arith.addi %mul3A_129, %add3A_130 : i32
      %sub3A_132 = arith.constant 1 : i32
      %sub3A_133 = arith.subi %shift_right_arithmetic3A_46, %sub3A_132 : i32
      %min3A_134 = arith.minsi %add3A_131, %sub3A_133 : i32
      %mul3A_135 = arith.constant 4 : i32
      %mul3A_136 = arith.muli %while3A_126, %mul3A_135 : i32
      %add3A_137 = arith.constant 1 : i32
      %add3A_138 = arith.addi %mul3A_136, %add3A_137 : i32
      %sub3A_139 = arith.constant 1 : i32
      %sub3A_140 = arith.subi %shift_right_arithmetic3A_46, %sub3A_139 : i32
      %min3A_141 = arith.minsi %add3A_138, %sub3A_140 : i32
      %mul3A_142 = arith.constant 4 : i32
      %mul3A_143 = arith.muli %while3A_126, %mul3A_142 : i32
      %add3A_144 = arith.constant 2 : i32
      %add3A_145 = arith.addi %mul3A_143, %add3A_144 : i32
      %sub3A_146 = arith.constant 1 : i32
      %sub3A_147 = arith.subi %shift_right_arithmetic3A_46, %sub3A_146 : i32
      %min3A_148 = arith.minsi %add3A_145, %sub3A_147 : i32
      %mul3A_149 = arith.constant 4 : i32
      %mul3A_150 = arith.muli %while3A_126, %mul3A_149 : i32
      %add3A_151 = arith.constant 3 : i32
      %add3A_152 = arith.addi %mul3A_150, %add3A_151 : i32
      %sub3A_153 = arith.constant 1 : i32
      %sub3A_154 = arith.subi %shift_right_arithmetic3A_46, %sub3A_153 : i32
      %min3A_155 = arith.minsi %add3A_152, %sub3A_154 : i32
      %sub3A_156 = arith.constant 1 : i32
      %sub3A_157 = arith.subi %while3A_126, %sub3A_156 : i32
      %mul3A_158 = arith.constant 4 : i32
      %mul3A_159 = arith.muli %sub3A_157, %mul3A_158 : i32
      %add3A_160 = arith.constant 0 : i32
      %add3A_161 = arith.addi %mul3A_159, %add3A_160 : i32
      %sub3A_162 = arith.constant 1 : i32
      %sub3A_163 = arith.subi %shift_right_arithmetic3A_46, %sub3A_162 : i32
      %min3A_164 = arith.minsi %add3A_161, %sub3A_163 : i32
      %sub3A_165 = arith.constant 1 : i32
      %sub3A_166 = arith.subi %while3A_126, %sub3A_165 : i32
      %mul3A_167 = arith.constant 4 : i32
      %mul3A_168 = arith.muli %sub3A_166, %mul3A_167 : i32
      %add3A_169 = arith.constant 1 : i32
      %add3A_170 = arith.addi %mul3A_168, %add3A_169 : i32
      %sub3A_171 = arith.constant 1 : i32
      %sub3A_172 = arith.subi %shift_right_arithmetic3A_46, %sub3A_171 : i32
      %min3A_173 = arith.minsi %add3A_170, %sub3A_172 : i32
      %sub3A_174 = arith.constant 1 : i32
      %sub3A_175 = arith.subi %while3A_126, %sub3A_174 : i32
      %mul3A_176 = arith.constant 4 : i32
      %mul3A_177 = arith.muli %sub3A_175, %mul3A_176 : i32
      %add3A_178 = arith.constant 2 : i32
      %add3A_179 = arith.addi %mul3A_177, %add3A_178 : i32
      %sub3A_180 = arith.constant 1 : i32
      %sub3A_181 = arith.subi %shift_right_arithmetic3A_46, %sub3A_180 : i32
      %min3A_182 = arith.minsi %add3A_179, %sub3A_181 : i32
      %sub3A_183 = arith.constant 1 : i32
      %sub3A_184 = arith.subi %while3A_126, %sub3A_183 : i32
      %mul3A_185 = arith.constant 4 : i32
      %mul3A_186 = arith.muli %sub3A_184, %mul3A_185 : i32
      %add3A_187 = arith.constant 3 : i32
      %add3A_188 = arith.addi %mul3A_186, %add3A_187 : i32
      %sub3A_189 = arith.constant 1 : i32
      %sub3A_190 = arith.subi %shift_right_arithmetic3A_46, %sub3A_189 : i32
      %min3A_191 = arith.minsi %add3A_188, %sub3A_190 : i32
      %dma_wait3A = arith.constant 0 : i32
      %dma_wait3A_192 = tpu.memref_slice %arg10[%min3A_164, %dma_wait3A] : memref<64x16xi32, #tpu.memory_space<vmem>> -> memref<1x16xi32, #tpu.memory_space<vmem>>
      %dma_wait3A_193 = tpu.memref_squeeze %dma_wait3A_192 : memref<1x16xi32, #tpu.memory_space<vmem>> -> memref<16xi32, #tpu.memory_space<vmem>>
      %dma_wait3A_194 = arith.constant 0 : i32
      %dma_wait3A_195 = arith.constant 0 : i32
      %dma_wait3A_196 = tpu.memref_slice %arg5[%dma_wait3A_194, %dma_wait3A_195] : memref<32768x1024xf32, #tpu.memory_space<hbm>> -> memref<32768x1024xf32, #tpu.memory_space<hbm>>
      tpu.wait_indirect_dma semaphore(%arg19 : memref<!tpu.dma_semaphore, #tpu.memory_space<semaphore_mem>>) src(%arg11 : memref<16x1024xf32, #tpu.memory_space<vmem>>) dst(%dma_wait3A_196 : memref<32768x1024xf32, #tpu.memory_space<hbm>>)
      %dma_start3A = arith.constant 0 : i32
      %dma_start3A_197 = tpu.memref_slice %arg9[%min3A_134, %dma_start3A] : memref<64x16xi32, #tpu.memory_space<vmem>> -> memref<1x16xi32, #tpu.memory_space<vmem>>
      %dma_start3A_198 = tpu.memref_squeeze %dma_start3A_197 : memref<1x16xi32, #tpu.memory_space<vmem>> -> memref<16xi32, #tpu.memory_space<vmem>>
      %dma_start3A_199 = arith.constant 0 : i32
      %dma_start3A_200 = arith.constant 0 : i32
      %dma_start3A_201 = tpu.memref_slice %arg3[%dma_start3A_199, %dma_start3A_200] : memref<32768x1024xf32, #tpu.memory_space<hbm>> -> memref<32768x1024xf32, #tpu.memory_space<hbm>>
      tpu.enqueue_indirect_dma source(%dma_start3A_201 : memref<32768x1024xf32, #tpu.memory_space<hbm>>) target(%arg11 : memref<16x1024xf32, #tpu.memory_space<vmem>>) offsets(%dma_start3A_198 : memref<16xi32, #tpu.memory_space<vmem>>) semaphore(%arg15 : memref<!tpu.dma_semaphore, #tpu.memory_space<semaphore_mem>>)
      %dma_wait3A_202 = arith.constant 0 : i32
      %dma_wait3A_203 = tpu.memref_slice %arg10[%min3A_173, %dma_wait3A_202] : memref<64x16xi32, #tpu.memory_space<vmem>> -> memref<1x16xi32, #tpu.memory_space<vmem>>
      %dma_wait3A_204 = tpu.memref_squeeze %dma_wait3A_203 : memref<1x16xi32, #tpu.memory_space<vmem>> -> memref<16xi32, #tpu.memory_space<vmem>>
      %dma_wait3A_205 = arith.constant 0 : i32
      %dma_wait3A_206 = arith.constant 0 : i32
      %dma_wait3A_207 = tpu.memref_slice %arg5[%dma_wait3A_205, %dma_wait3A_206] : memref<32768x1024xf32, #tpu.memory_space<hbm>> -> memref<32768x1024xf32, #tpu.memory_space<hbm>>
      tpu.wait_indirect_dma semaphore(%arg20 : memref<!tpu.dma_semaphore, #tpu.memory_space<semaphore_mem>>) src(%arg12 : memref<16x1024xf32, #tpu.memory_space<vmem>>) dst(%dma_wait3A_207 : memref<32768x1024xf32, #tpu.memory_space<hbm>>)
      %dma_start3A_208 = arith.constant 0 : i32
      %dma_start3A_209 = tpu.memref_slice %arg9[%min3A_141, %dma_start3A_208] : memref<64x16xi32, #tpu.memory_space<vmem>> -> memref<1x16xi32, #tpu.memory_space<vmem>>
      %dma_start3A_210 = tpu.memref_squeeze %dma_start3A_209 : memref<1x16xi32, #tpu.memory_space<vmem>> -> memref<16xi32, #tpu.memory_space<vmem>>
      %dma_start3A_211 = arith.constant 0 : i32
      %dma_start3A_212 = arith.constant 0 : i32
      %dma_start3A_213 = tpu.memref_slice %arg3[%dma_start3A_211, %dma_start3A_212] : memref<32768x1024xf32, #tpu.memory_space<hbm>> -> memref<32768x1024xf32, #tpu.memory_space<hbm>>
      tpu.enqueue_indirect_dma source(%dma_start3A_213 : memref<32768x1024xf32, #tpu.memory_space<hbm>>) target(%arg12 : memref<16x1024xf32, #tpu.memory_space<vmem>>) offsets(%dma_start3A_210 : memref<16xi32, #tpu.memory_space<vmem>>) semaphore(%arg16 : memref<!tpu.dma_semaphore, #tpu.memory_space<semaphore_mem>>)
      %dma_wait3A_214 = arith.constant 0 : i32
      %dma_wait3A_215 = tpu.memref_slice %arg10[%min3A_182, %dma_wait3A_214] : memref<64x16xi32, #tpu.memory_space<vmem>> -> memref<1x16xi32, #tpu.memory_space<vmem>>
      %dma_wait3A_216 = tpu.memref_squeeze %dma_wait3A_215 : memref<1x16xi32, #tpu.memory_space<vmem>> -> memref<16xi32, #tpu.memory_space<vmem>>
      %dma_wait3A_217 = arith.constant 0 : i32
      %dma_wait3A_218 = arith.constant 0 : i32
      %dma_wait3A_219 = tpu.memref_slice %arg5[%dma_wait3A_217, %dma_wait3A_218] : memref<32768x1024xf32, #tpu.memory_space<hbm>> -> memref<32768x1024xf32, #tpu.memory_space<hbm>>
      tpu.wait_indirect_dma semaphore(%arg21 : memref<!tpu.dma_semaphore, #tpu.memory_space<semaphore_mem>>) src(%arg13 : memref<16x1024xf32, #tpu.memory_space<vmem>>) dst(%dma_wait3A_219 : memref<32768x1024xf32, #tpu.memory_space<hbm>>)
      %dma_start3A_220 = arith.constant 0 : i32
      %dma_start3A_221 = tpu.memref_slice %arg9[%min3A_148, %dma_start3A_220] : memref<64x16xi32, #tpu.memory_space<vmem>> -> memref<1x16xi32, #tpu.memory_space<vmem>>
      %dma_start3A_222 = tpu.memref_squeeze %dma_start3A_221 : memref<1x16xi32, #tpu.memory_space<vmem>> -> memref<16xi32, #tpu.memory_space<vmem>>
      %dma_start3A_223 = arith.constant 0 : i32
      %dma_start3A_224 = arith.constant 0 : i32
      %dma_start3A_225 = tpu.memref_slice %arg3[%dma_start3A_223, %dma_start3A_224] : memref<32768x1024xf32, #tpu.memory_space<hbm>> -> memref<32768x1024xf32, #tpu.memory_space<hbm>>
      tpu.enqueue_indirect_dma source(%dma_start3A_225 : memref<32768x1024xf32, #tpu.memory_space<hbm>>) target(%arg13 : memref<16x1024xf32, #tpu.memory_space<vmem>>) offsets(%dma_start3A_222 : memref<16xi32, #tpu.memory_space<vmem>>) semaphore(%arg17 : memref<!tpu.dma_semaphore, #tpu.memory_space<semaphore_mem>>)
      %dma_wait3A_226 = arith.constant 0 : i32
      %dma_wait3A_227 = tpu.memref_slice %arg10[%min3A_191, %dma_wait3A_226] : memref<64x16xi32, #tpu.memory_space<vmem>> -> memref<1x16xi32, #tpu.memory_space<vmem>>
      %dma_wait3A_228 = tpu.memref_squeeze %dma_wait3A_227 : memref<1x16xi32, #tpu.memory_space<vmem>> -> memref<16xi32, #tpu.memory_space<vmem>>
      %dma_wait3A_229 = arith.constant 0 : i32
      %dma_wait3A_230 = arith.constant 0 : i32
      %dma_wait3A_231 = tpu.memref_slice %arg5[%dma_wait3A_229, %dma_wait3A_230] : memref<32768x1024xf32, #tpu.memory_space<hbm>> -> memref<32768x1024xf32, #tpu.memory_space<hbm>>
      tpu.wait_indirect_dma semaphore(%arg22 : memref<!tpu.dma_semaphore, #tpu.memory_space<semaphore_mem>>) src(%arg14 : memref<16x1024xf32, #tpu.memory_space<vmem>>) dst(%dma_wait3A_231 : memref<32768x1024xf32, #tpu.memory_space<hbm>>)
      %dma_start3A_232 = arith.constant 0 : i32
      %dma_start3A_233 = tpu.memref_slice %arg9[%min3A_155, %dma_start3A_232] : memref<64x16xi32, #tpu.memory_space<vmem>> -> memref<1x16xi32, #tpu.memory_space<vmem>>
      %dma_start3A_234 = tpu.memref_squeeze %dma_start3A_233 : memref<1x16xi32, #tpu.memory_space<vmem>> -> memref<16xi32, #tpu.memory_space<vmem>>
      %dma_start3A_235 = arith.constant 0 : i32
      %dma_start3A_236 = arith.constant 0 : i32
      %dma_start3A_237 = tpu.memref_slice %arg3[%dma_start3A_235, %dma_start3A_236] : memref<32768x1024xf32, #tpu.memory_space<hbm>> -> memref<32768x1024xf32, #tpu.memory_space<hbm>>
      tpu.enqueue_indirect_dma source(%dma_start3A_237 : memref<32768x1024xf32, #tpu.memory_space<hbm>>) target(%arg14 : memref<16x1024xf32, #tpu.memory_space<vmem>>) offsets(%dma_start3A_234 : memref<16xi32, #tpu.memory_space<vmem>>) semaphore(%arg18 : memref<!tpu.dma_semaphore, #tpu.memory_space<semaphore_mem>>)
      %dma_wait3A_238 = arith.constant 0 : i32
      %dma_wait3A_239 = tpu.memref_slice %arg9[%min3A_134, %dma_wait3A_238] : memref<64x16xi32, #tpu.memory_space<vmem>> -> memref<1x16xi32, #tpu.memory_space<vmem>>
      %dma_wait3A_240 = tpu.memref_squeeze %dma_wait3A_239 : memref<1x16xi32, #tpu.memory_space<vmem>> -> memref<16xi32, #tpu.memory_space<vmem>>
      %dma_wait3A_241 = arith.constant 0 : i32
      %dma_wait3A_242 = arith.constant 0 : i32
      %dma_wait3A_243 = tpu.memref_slice %arg3[%dma_wait3A_241, %dma_wait3A_242] : memref<32768x1024xf32, #tpu.memory_space<hbm>> -> memref<32768x1024xf32, #tpu.memory_space<hbm>>
      tpu.wait_indirect_dma semaphore(%arg15 : memref<!tpu.dma_semaphore, #tpu.memory_space<semaphore_mem>>) src(%dma_wait3A_243 : memref<32768x1024xf32, #tpu.memory_space<hbm>>) dst(%arg11 : memref<16x1024xf32, #tpu.memory_space<vmem>>)
      %dma_start3A_244 = arith.constant 0 : i32
      %dma_start3A_245 = tpu.memref_slice %arg10[%min3A_134, %dma_start3A_244] : memref<64x16xi32, #tpu.memory_space<vmem>> -> memref<1x16xi32, #tpu.memory_space<vmem>>
      %dma_start3A_246 = tpu.memref_squeeze %dma_start3A_245 : memref<1x16xi32, #tpu.memory_space<vmem>> -> memref<16xi32, #tpu.memory_space<vmem>>
      %dma_start3A_247 = arith.constant 0 : i32
      %dma_start3A_248 = arith.constant 0 : i32
      %dma_start3A_249 = tpu.memref_slice %arg5[%dma_start3A_247, %dma_start3A_248] : memref<32768x1024xf32, #tpu.memory_space<hbm>> -> memref<32768x1024xf32, #tpu.memory_space<hbm>>
      tpu.enqueue_indirect_dma source(%arg11 : memref<16x1024xf32, #tpu.memory_space<vmem>>) target(%dma_start3A_249 : memref<32768x1024xf32, #tpu.memory_space<hbm>>) offsets(%dma_start3A_246 : memref<16xi32, #tpu.memory_space<vmem>>) semaphore(%arg19 : memref<!tpu.dma_semaphore, #tpu.memory_space<semaphore_mem>>)
      %dma_wait3A_250 = arith.constant 0 : i32
      %dma_wait3A_251 = tpu.memref_slice %arg9[%min3A_141, %dma_wait3A_250] : memref<64x16xi32, #tpu.memory_space<vmem>> -> memref<1x16xi32, #tpu.memory_space<vmem>>
      %dma_wait3A_252 = tpu.memref_squeeze %dma_wait3A_251 : memref<1x16xi32, #tpu.memory_space<vmem>> -> memref<16xi32, #tpu.memory_space<vmem>>
      %dma_wait3A_253 = arith.constant 0 : i32
      %dma_wait3A_254 = arith.constant 0 : i32
      %dma_wait3A_255 = tpu.memref_slice %arg3[%dma_wait3A_253, %dma_wait3A_254] : memref<32768x1024xf32, #tpu.memory_space<hbm>> -> memref<32768x1024xf32, #tpu.memory_space<hbm>>
      tpu.wait_indirect_dma semaphore(%arg16 : memref<!tpu.dma_semaphore, #tpu.memory_space<semaphore_mem>>) src(%dma_wait3A_255 : memref<32768x1024xf32, #tpu.memory_space<hbm>>) dst(%arg12 : memref<16x1024xf32, #tpu.memory_space<vmem>>)
      %dma_start3A_256 = arith.constant 0 : i32
      %dma_start3A_257 = tpu.memref_slice %arg10[%min3A_141, %dma_start3A_256] : memref<64x16xi32, #tpu.memory_space<vmem>> -> memref<1x16xi32, #tpu.memory_space<vmem>>
      %dma_start3A_258 = tpu.memref_squeeze %dma_start3A_257 : memref<1x16xi32, #tpu.memory_space<vmem>> -> memref<16xi32, #tpu.memory_space<vmem>>
      %dma_start3A_259 = arith.constant 0 : i32
      %dma_start3A_260 = arith.constant 0 : i32
      %dma_start3A_261 = tpu.memref_slice %arg5[%dma_start3A_259, %dma_start3A_260] : memref<32768x1024xf32, #tpu.memory_space<hbm>> -> memref<32768x1024xf32, #tpu.memory_space<hbm>>
      tpu.enqueue_indirect_dma source(%arg12 : memref<16x1024xf32, #tpu.memory_space<vmem>>) target(%dma_start3A_261 : memref<32768x1024xf32, #tpu.memory_space<hbm>>) offsets(%dma_start3A_258 : memref<16xi32, #tpu.memory_space<vmem>>) semaphore(%arg20 : memref<!tpu.dma_semaphore, #tpu.memory_space<semaphore_mem>>)
      %dma_wait3A_262 = arith.constant 0 : i32
      %dma_wait3A_263 = tpu.memref_slice %arg9[%min3A_148, %dma_wait3A_262] : memref<64x16xi32, #tpu.memory_space<vmem>> -> memref<1x16xi32, #tpu.memory_space<vmem>>
      %dma_wait3A_264 = tpu.memref_squeeze %dma_wait3A_263 : memref<1x16xi32, #tpu.memory_space<vmem>> -> memref<16xi32, #tpu.memory_space<vmem>>
      %dma_wait3A_265 = arith.constant 0 : i32
      %dma_wait3A_266 = arith.constant 0 : i32
      %dma_wait3A_267 = tpu.memref_slice %arg3[%dma_wait3A_265, %dma_wait3A_266] : memref<32768x1024xf32, #tpu.memory_space<hbm>> -> memref<32768x1024xf32, #tpu.memory_space<hbm>>
      tpu.wait_indirect_dma semaphore(%arg17 : memref<!tpu.dma_semaphore, #tpu.memory_space<semaphore_mem>>) src(%dma_wait3A_267 : memref<32768x1024xf32, #tpu.memory_space<hbm>>) dst(%arg13 : memref<16x1024xf32, #tpu.memory_space<vmem>>)
      %dma_start3A_268 = arith.constant 0 : i32
      %dma_start3A_269 = tpu.memref_slice %arg10[%min3A_148, %dma_start3A_268] : memref<64x16xi32, #tpu.memory_space<vmem>> -> memref<1x16xi32, #tpu.memory_space<vmem>>
      %dma_start3A_270 = tpu.memref_squeeze %dma_start3A_269 : memref<1x16xi32, #tpu.memory_space<vmem>> -> memref<16xi32, #tpu.memory_space<vmem>>
      %dma_start3A_271 = arith.constant 0 : i32
      %dma_start3A_272 = arith.constant 0 : i32
      %dma_start3A_273 = tpu.memref_slice %arg5[%dma_start3A_271, %dma_start3A_272] : memref<32768x1024xf32, #tpu.memory_space<hbm>> -> memref<32768x1024xf32, #tpu.memory_space<hbm>>
      tpu.enqueue_indirect_dma source(%arg13 : memref<16x1024xf32, #tpu.memory_space<vmem>>) target(%dma_start3A_273 : memref<32768x1024xf32, #tpu.memory_space<hbm>>) offsets(%dma_start3A_270 : memref<16xi32, #tpu.memory_space<vmem>>) semaphore(%arg21 : memref<!tpu.dma_semaphore, #tpu.memory_space<semaphore_mem>>)
      %dma_wait3A_274 = arith.constant 0 : i32
      %dma_wait3A_275 = tpu.memref_slice %arg9[%min3A_155, %dma_wait3A_274] : memref<64x16xi32, #tpu.memory_space<vmem>> -> memref<1x16xi32, #tpu.memory_space<vmem>>
      %dma_wait3A_276 = tpu.memref_squeeze %dma_wait3A_275 : memref<1x16xi32, #tpu.memory_space<vmem>> -> memref<16xi32, #tpu.memory_space<vmem>>
      %dma_wait3A_277 = arith.constant 0 : i32
      %dma_wait3A_278 = arith.constant 0 : i32
      %dma_wait3A_279 = tpu.memref_slice %arg3[%dma_wait3A_277, %dma_wait3A_278] : memref<32768x1024xf32, #tpu.memory_space<hbm>> -> memref<32768x1024xf32, #tpu.memory_space<hbm>>
      tpu.wait_indirect_dma semaphore(%arg18 : memref<!tpu.dma_semaphore, #tpu.memory_space<semaphore_mem>>) src(%dma_wait3A_279 : memref<32768x1024xf32, #tpu.memory_space<hbm>>) dst(%arg14 : memref<16x1024xf32, #tpu.memory_space<vmem>>)
      %dma_start3A_280 = arith.constant 0 : i32
      %dma_start3A_281 = tpu.memref_slice %arg10[%min3A_155, %dma_start3A_280] : memref<64x16xi32, #tpu.memory_space<vmem>> -> memref<1x16xi32, #tpu.memory_space<vmem>>
      %dma_start3A_282 = tpu.memref_squeeze %dma_start3A_281 : memref<1x16xi32, #tpu.memory_space<vmem>> -> memref<16xi32, #tpu.memory_space<vmem>>
      %dma_start3A_283 = arith.constant 0 : i32
      %dma_start3A_284 = arith.constant 0 : i32
      %dma_start3A_285 = tpu.memref_slice %arg5[%dma_start3A_283, %dma_start3A_284] : memref<32768x1024xf32, #tpu.memory_space<hbm>> -> memref<32768x1024xf32, #tpu.memory_space<hbm>>
      tpu.enqueue_indirect_dma source(%arg14 : memref<16x1024xf32, #tpu.memory_space<vmem>>) target(%dma_start3A_285 : memref<32768x1024xf32, #tpu.memory_space<hbm>>) offsets(%dma_start3A_282 : memref<16xi32, #tpu.memory_space<vmem>>) semaphore(%arg22 : memref<!tpu.dma_semaphore, #tpu.memory_space<semaphore_mem>>)
      %while3A_286 = arith.constant 0 : i32
      scf.yield %while3A_286 : i32
    }
    %while3A_119 = arith.constant 1 : i32
    %while3A_120 = scf.for %while3A_126 = %while3A_116 to %while3A_112 step %while3A_119 iter_args(%while3A_127 = %while3A_118) -> (i32)  : i32 {
      %mul3A_128 = arith.constant 4 : i32
      %mul3A_129 = arith.muli %while3A_126, %mul3A_128 : i32
      %add3A_130 = arith.constant 0 : i32
      %add3A_131 = arith.addi %mul3A_129, %add3A_130 : i32
      %sub3A_132 = arith.constant 1 : i32
      %sub3A_133 = arith.subi %shift_right_arithmetic3A_46, %sub3A_132 : i32
      %min3A_134 = arith.minsi %add3A_131, %sub3A_133 : i32
      %mul3A_135 = arith.constant 4 : i32
      %mul3A_136 = arith.muli %while3A_126, %mul3A_135 : i32
      %add3A_137 = arith.constant 1 : i32
      %add3A_138 = arith.addi %mul3A_136, %add3A_137 : i32
      %sub3A_139 = arith.constant 1 : i32
      %sub3A_140 = arith.subi %shift_right_arithmetic3A_46, %sub3A_139 : i32
      %min3A_141 = arith.minsi %add3A_138, %sub3A_140 : i32
      %mul3A_142 = arith.constant 4 : i32
      %mul3A_143 = arith.muli %while3A_126, %mul3A_142 : i32
      %add3A_144 = arith.constant 2 : i32
      %add3A_145 = arith.addi %mul3A_143, %add3A_144 : i32
      %sub3A_146 = arith.constant 1 : i32
      %sub3A_147 = arith.subi %shift_right_arithmetic3A_46, %sub3A_146 : i32
      %min3A_148 = arith.minsi %add3A_145, %sub3A_147 : i32
      %mul3A_149 = arith.constant 4 : i32
      %mul3A_150 = arith.muli %while3A_126, %mul3A_149 : i32
      %add3A_151 = arith.constant 3 : i32
      %add3A_152 = arith.addi %mul3A_150, %add3A_151 : i32
      %sub3A_153 = arith.constant 1 : i32
      %sub3A_154 = arith.subi %shift_right_arithmetic3A_46, %sub3A_153 : i32
      %min3A_155 = arith.minsi %add3A_152, %sub3A_154 : i32
      %sub3A_156 = arith.constant 1 : i32
      %sub3A_157 = arith.subi %while3A_126, %sub3A_156 : i32
      %mul3A_158 = arith.constant 4 : i32
      %mul3A_159 = arith.muli %sub3A_157, %mul3A_158 : i32
      %add3A_160 = arith.constant 0 : i32
      %add3A_161 = arith.addi %mul3A_159, %add3A_160 : i32
      %sub3A_162 = arith.constant 1 : i32
      %sub3A_163 = arith.subi %shift_right_arithmetic3A_46, %sub3A_162 : i32
      %min3A_164 = arith.minsi %add3A_161, %sub3A_163 : i32
      %sub3A_165 = arith.constant 1 : i32
      %sub3A_166 = arith.subi %while3A_126, %sub3A_165 : i32
      %mul3A_167 = arith.constant 4 : i32
      %mul3A_168 = arith.muli %sub3A_166, %mul3A_167 : i32
      %add3A_169 = arith.constant 1 : i32
      %add3A_170 = arith.addi %mul3A_168, %add3A_169 : i32
      %sub3A_171 = arith.constant 1 : i32
      %sub3A_172 = arith.subi %shift_right_arithmetic3A_46, %sub3A_171 : i32
      %min3A_173 = arith.minsi %add3A_170, %sub3A_172 : i32
      %sub3A_174 = arith.constant 1 : i32
      %sub3A_175 = arith.subi %while3A_126, %sub3A_174 : i32
      %mul3A_176 = arith.constant 4 : i32
      %mul3A_177 = arith.muli %sub3A_175, %mul3A_176 : i32
      %add3A_178 = arith.constant 2 : i32
      %add3A_179 = arith.addi %mul3A_177, %add3A_178 : i32
      %sub3A_180 = arith.constant 1 : i32
      %sub3A_181 = arith.subi %shift_right_arithmetic3A_46, %sub3A_180 : i32
      %min3A_182 = arith.minsi %add3A_179, %sub3A_181 : i32
      %sub3A_183 = arith.constant 1 : i32
      %sub3A_184 = arith.subi %while3A_126, %sub3A_183 : i32
      %mul3A_185 = arith.constant 4 : i32
      %mul3A_186 = arith.muli %sub3A_184, %mul3A_185 : i32
      %add3A_187 = arith.constant 3 : i32
      %add3A_188 = arith.addi %mul3A_186, %add3A_187 : i32
      %sub3A_189 = arith.constant 1 : i32
      %sub3A_190 = arith.subi %shift_right_arithmetic3A_46, %sub3A_189 : i32
      %min3A_191 = arith.minsi %add3A_188, %sub3A_190 : i32
      %dma_wait3A = arith.constant 0 : i32
      %dma_wait3A_192 = tpu.memref_slice %arg10[%min3A_164, %dma_wait3A] : memref<64x16xi32, #tpu.memory_space<vmem>> -> memref<1x16xi32, #tpu.memory_space<vmem>>
      %dma_wait3A_193 = tpu.memref_squeeze %dma_wait3A_192 : memref<1x16xi32, #tpu.memory_space<vmem>> -> memref<16xi32, #tpu.memory_space<vmem>>
      %dma_wait3A_194 = arith.constant 0 : i32
      %dma_wait3A_195 = arith.constant 0 : i32
      %dma_wait3A_196 = tpu.memref_slice %arg5[%dma_wait3A_194, %dma_wait3A_195] : memref<32768x1024xf32, #tpu.memory_space<hbm>> -> memref<32768x1024xf32, #tpu.memory_space<hbm>>
      tpu.wait_indirect_dma semaphore(%arg19 : memref<!tpu.dma_semaphore, #tpu.memory_space<semaphore_mem>>) src(%arg11 : memref<16x1024xf32, #tpu.memory_space<vmem>>) dst(%dma_wait3A_196 : memref<32768x1024xf32, #tpu.memory_space<hbm>>)
      %dma_start3A = arith.constant 0 : i32
      %dma_start3A_197 = tpu.memref_slice %arg9[%min3A_134, %dma_start3A] : memref<64x16xi32, #tpu.memory_space<vmem>> -> memref<1x16xi32, #tpu.memory_space<vmem>>
      %dma_start3A_198 = tpu.memref_squeeze %dma_start3A_197 : memref<1x16xi32, #tpu.memory_space<vmem>> -> memref<16xi32, #tpu.memory_space<vmem>>
      %dma_start3A_199 = arith.constant 0 : i32
      %dma_start3A_200 = arith.constant 0 : i32
      %dma_start3A_201 = tpu.memref_slice %arg3[%dma_start3A_199, %dma_start3A_200] : memref<32768x1024xf32, #tpu.memory_space<hbm>> -> memref<32768x1024xf32, #tpu.memory_space<hbm>>
      tpu.enqueue_indirect_dma source(%dma_start3A_201 : memref<32768x1024xf32, #tpu.memory_space<hbm>>) target(%arg11 : memref<16x1024xf32, #tpu.memory_space<vmem>>) offsets(%dma_start3A_198 : memref<16xi32, #tpu.memory_space<vmem>>) semaphore(%arg15 : memref<!tpu.dma_semaphore, #tpu.memory_space<semaphore_mem>>)
      %dma_wait3A_202 = arith.constant 0 : i32
      %dma_wait3A_203 = tpu.memref_slice %arg10[%min3A_173, %dma_wait3A_202] : memref<64x16xi32, #tpu.memory_space<vmem>> -> memref<1x16xi32, #tpu.memory_space<vmem>>
      %dma_wait3A_204 = tpu.memref_squeeze %dma_wait3A_203 : memref<1x16xi32, #tpu.memory_space<vmem>> -> memref<16xi32, #tpu.memory_space<vmem>>
      %dma_wait3A_205 = arith.constant 0 : i32
      %dma_wait3A_206 = arith.constant 0 : i32
      %dma_wait3A_207 = tpu.memref_slice %arg5[%dma_wait3A_205, %dma_wait3A_206] : memref<32768x1024xf32, #tpu.memory_space<hbm>> -> memref<32768x1024xf32, #tpu.memory_space<hbm>>
      tpu.wait_indirect_dma semaphore(%arg20 : memref<!tpu.dma_semaphore, #tpu.memory_space<semaphore_mem>>) src(%arg12 : memref<16x1024xf32, #tpu.memory_space<vmem>>) dst(%dma_wait3A_207 : memref<32768x1024xf32, #tpu.memory_space<hbm>>)
      %dma_start3A_208 = arith.constant 0 : i32
      %dma_start3A_209 = tpu.memref_slice %arg9[%min3A_141, %dma_start3A_208] : memref<64x16xi32, #tpu.memory_space<vmem>> -> memref<1x16xi32, #tpu.memory_space<vmem>>
      %dma_start3A_210 = tpu.memref_squeeze %dma_start3A_209 : memref<1x16xi32, #tpu.memory_space<vmem>> -> memref<16xi32, #tpu.memory_space<vmem>>
      %dma_start3A_211 = arith.constant 0 : i32
      %dma_start3A_212 = arith.constant 0 : i32
      %dma_start3A_213 = tpu.memref_slice %arg3[%dma_start3A_211, %dma_start3A_212] : memref<32768x1024xf32, #tpu.memory_space<hbm>> -> memref<32768x1024xf32, #tpu.memory_space<hbm>>
      tpu.enqueue_indirect_dma source(%dma_start3A_213 : memref<32768x1024xf32, #tpu.memory_space<hbm>>) target(%arg12 : memref<16x1024xf32, #tpu.memory_space<vmem>>) offsets(%dma_start3A_210 : memref<16xi32, #tpu.memory_space<vmem>>) semaphore(%arg16 : memref<!tpu.dma_semaphore, #tpu.memory_space<semaphore_mem>>)
      %dma_wait3A_214 = arith.constant 0 : i32
      %dma_wait3A_215 = tpu.memref_slice %arg10[%min3A_182, %dma_wait3A_214] : memref<64x16xi32, #tpu.memory_space<vmem>> -> memref<1x16xi32, #tpu.memory_space<vmem>>
      %dma_wait3A_216 = tpu.memref_squeeze %dma_wait3A_215 : memref<1x16xi32, #tpu.memory_space<vmem>> -> memref<16xi32, #tpu.memory_space<vmem>>
      %dma_wait3A_217 = arith.constant 0 : i32
      %dma_wait3A_218 = arith.constant 0 : i32
      %dma_wait3A_219 = tpu.memref_slice %arg5[%dma_wait3A_217, %dma_wait3A_218] : memref<32768x1024xf32, #tpu.memory_space<hbm>> -> memref<32768x1024xf32, #tpu.memory_space<hbm>>
      tpu.wait_indirect_dma semaphore(%arg21 : memref<!tpu.dma_semaphore, #tpu.memory_space<semaphore_mem>>) src(%arg13 : memref<16x1024xf32, #tpu.memory_space<vmem>>) dst(%dma_wait3A_219 : memref<32768x1024xf32, #tpu.memory_space<hbm>>)
      %dma_start3A_220 = arith.constant 0 : i32
      %dma_start3A_221 = tpu.memref_slice %arg9[%min3A_148, %dma_start3A_220] : memref<64x16xi32, #tpu.memory_space<vmem>> -> memref<1x16xi32, #tpu.memory_space<vmem>>
      %dma_start3A_222 = tpu.memref_squeeze %dma_start3A_221 : memref<1x16xi32, #tpu.memory_space<vmem>> -> memref<16xi32, #tpu.memory_space<vmem>>
      %dma_start3A_223 = arith.constant 0 : i32
      %dma_start3A_224 = arith.constant 0 : i32
      %dma_start3A_225 = tpu.memref_slice %arg3[%dma_start3A_223, %dma_start3A_224] : memref<32768x1024xf32, #tpu.memory_space<hbm>> -> memref<32768x1024xf32, #tpu.memory_space<hbm>>
      tpu.enqueue_indirect_dma source(%dma_start3A_225 : memref<32768x1024xf32, #tpu.memory_space<hbm>>) target(%arg13 : memref<16x1024xf32, #tpu.memory_space<vmem>>) offsets(%dma_start3A_222 : memref<16xi32, #tpu.memory_space<vmem>>) semaphore(%arg17 : memref<!tpu.dma_semaphore, #tpu.memory_space<semaphore_mem>>)
      %dma_wait3A_226 = arith.constant 0 : i32
      %dma_wait3A_227 = tpu.memref_slice %arg10[%min3A_191, %dma_wait3A_226] : memref<64x16xi32, #tpu.memory_space<vmem>> -> memref<1x16xi32, #tpu.memory_space<vmem>>
      %dma_wait3A_228 = tpu.memref_squeeze %dma_wait3A_227 : memref<1x16xi32, #tpu.memory_space<vmem>> -> memref<16xi32, #tpu.memory_space<vmem>>
      %dma_wait3A_229 = arith.constant 0 : i32
      %dma_wait3A_230 = arith.constant 0 : i32
      %dma_wait3A_231 = tpu.memref_slice %arg5[%dma_wait3A_229, %dma_wait3A_230] : memref<32768x1024xf32, #tpu.memory_space<hbm>> -> memref<32768x1024xf32, #tpu.memory_space<hbm>>
      tpu.wait_indirect_dma semaphore(%arg22 : memref<!tpu.dma_semaphore, #tpu.memory_space<semaphore_mem>>) src(%arg14 : memref<16x1024xf32, #tpu.memory_space<vmem>>) dst(%dma_wait3A_231 : memref<32768x1024xf32, #tpu.memory_space<hbm>>)
      %dma_start3A_232 = arith.constant 0 : i32
      %dma_start3A_233 = tpu.memref_slice %arg9[%min3A_155, %dma_start3A_232] : memref<64x16xi32, #tpu.memory_space<vmem>> -> memref<1x16xi32, #tpu.memory_space<vmem>>
      %dma_start3A_234 = tpu.memref_squeeze %dma_start3A_233 : memref<1x16xi32, #tpu.memory_space<vmem>> -> memref<16xi32, #tpu.memory_space<vmem>>
      %dma_start3A_235 = arith.constant 0 : i32
      %dma_start3A_236 = arith.constant 0 : i32
      %dma_start3A_237 = tpu.memref_slice %arg3[%dma_start3A_235, %dma_start3A_236] : memref<32768x1024xf32, #tpu.memory_space<hbm>> -> memref<32768x1024xf32, #tpu.memory_space<hbm>>
      tpu.enqueue_indirect_dma source(%dma_start3A_237 : memref<32768x1024xf32, #tpu.memory_space<hbm>>) target(%arg14 : memref<16x1024xf32, #tpu.memory_space<vmem>>) offsets(%dma_start3A_234 : memref<16xi32, #tpu.memory_space<vmem>>) semaphore(%arg18 : memref<!tpu.dma_semaphore, #tpu.memory_space<semaphore_mem>>)
      %dma_wait3A_238 = arith.constant 0 : i32
      %dma_wait3A_239 = tpu.memref_slice %arg9[%min3A_134, %dma_wait3A_238] : memref<64x16xi32, #tpu.memory_space<vmem>> -> memref<1x16xi32, #tpu.memory_space<vmem>>
      %dma_wait3A_240 = tpu.memref_squeeze %dma_wait3A_239 : memref<1x16xi32, #tpu.memory_space<vmem>> -> memref<16xi32, #tpu.memory_space<vmem>>
      %dma_wait3A_241 = arith.constant 0 : i32
      %dma_wait3A_242 = arith.constant 0 : i32
      %dma_wait3A_243 = tpu.memref_slice %arg3[%dma_wait3A_241, %dma_wait3A_242] : memref<32768x1024xf32, #tpu.memory_space<hbm>> -> memref<32768x1024xf32, #tpu.memory_space<hbm>>
      tpu.wait_indirect_dma semaphore(%arg15 : memref<!tpu.dma_semaphore, #tpu.memory_space<semaphore_mem>>) src(%dma_wait3A_243 : memref<32768x1024xf32, #tpu.memory_space<hbm>>) dst(%arg11 : memref<16x1024xf32, #tpu.memory_space<vmem>>)
      %dma_start3A_244 = arith.constant 0 : i32
      %dma_start3A_245 = tpu.memref_slice %arg10[%min3A_134, %dma_start3A_244] : memref<64x16xi32, #tpu.memory_space<vmem>> -> memref<1x16xi32, #tpu.memory_space<vmem>>
      %dma_start3A_246 = tpu.memref_squeeze %dma_start3A_245 : memref<1x16xi32, #tpu.memory_space<vmem>> -> memref<16xi32, #tpu.memory_space<vmem>>
      %dma_start3A_247 = arith.constant 0 : i32
      %dma_start3A_248 = arith.constant 0 : i32
      %dma_start3A_249 = tpu.memref_slice %arg5[%dma_start3A_247, %dma_start3A_248] : memref<32768x1024xf32, #tpu.memory_space<hbm>> -> memref<32768x1024xf32, #tpu.memory_space<hbm>>
      tpu.enqueue_indirect_dma source(%arg11 : memref<16x1024xf32, #tpu.memory_space<vmem>>) target(%dma_start3A_249 : memref<32768x1024xf32, #tpu.memory_space<hbm>>) offsets(%dma_start3A_246 : memref<16xi32, #tpu.memory_space<vmem>>) semaphore(%arg19 : memref<!tpu.dma_semaphore, #tpu.memory_space<semaphore_mem>>)
      %dma_wait3A_250 = arith.constant 0 : i32
      %dma_wait3A_251 = tpu.memref_slice %arg9[%min3A_141, %dma_wait3A_250] : memref<64x16xi32, #tpu.memory_space<vmem>> -> memref<1x16xi32, #tpu.memory_space<vmem>>
      %dma_wait3A_252 = tpu.memref_squeeze %dma_wait3A_251 : memref<1x16xi32, #tpu.memory_space<vmem>> -> memref<16xi32, #tpu.memory_space<vmem>>
      %dma_wait3A_253 = arith.constant 0 : i32
      %dma_wait3A_254 = arith.constant 0 : i32
      %dma_wait3A_255 = tpu.memref_slice %arg3[%dma_wait3A_253, %dma_wait3A_254] : memref<32768x1024xf32, #tpu.memory_space<hbm>> -> memref<32768x1024xf32, #tpu.memory_space<hbm>>
      tpu.wait_indirect_dma semaphore(%arg16 : memref<!tpu.dma_semaphore, #tpu.memory_space<semaphore_mem>>) src(%dma_wait3A_255 : memref<32768x1024xf32, #tpu.memory_space<hbm>>) dst(%arg12 : memref<16x1024xf32, #tpu.memory_space<vmem>>)
      %dma_start3A_256 = arith.constant 0 : i32
      %dma_start3A_257 = tpu.memref_slice %arg10[%min3A_141, %dma_start3A_256] : memref<64x16xi32, #tpu.memory_space<vmem>> -> memref<1x16xi32, #tpu.memory_space<vmem>>
      %dma_start3A_258 = tpu.memref_squeeze %dma_start3A_257 : memref<1x16xi32, #tpu.memory_space<vmem>> -> memref<16xi32, #tpu.memory_space<vmem>>
      %dma_start3A_259 = arith.constant 0 : i32
      %dma_start3A_260 = arith.constant 0 : i32
      %dma_start3A_261 = tpu.memref_slice %arg5[%dma_start3A_259, %dma_start3A_260] : memref<32768x1024xf32, #tpu.memory_space<hbm>> -> memref<32768x1024xf32, #tpu.memory_space<hbm>>
      tpu.enqueue_indirect_dma source(%arg12 : memref<16x1024xf32, #tpu.memory_space<vmem>>) target(%dma_start3A_261 : memref<32768x1024xf32, #tpu.memory_space<hbm>>) offsets(%dma_start3A_258 : memref<16xi32, #tpu.memory_space<vmem>>) semaphore(%arg20 : memref<!tpu.dma_semaphore, #tpu.memory_space<semaphore_mem>>)
      %dma_wait3A_262 = arith.constant 0 : i32
      %dma_wait3A_263 = tpu.memref_slice %arg9[%min3A_148, %dma_wait3A_262] : memref<64x16xi32, #tpu.memory_space<vmem>> -> memref<1x16xi32, #tpu.memory_space<vmem>>
      %dma_wait3A_264 = tpu.memref_squeeze %dma_wait3A_263 : memref<1x16xi32, #tpu.memory_space<vmem>> -> memref<16xi32, #tpu.memory_space<vmem>>
      %dma_wait3A_265 = arith.constant 0 : i32
      %dma_wait3A_266 = arith.constant 0 : i32
      %dma_wait3A_267 = tpu.memref_slice %arg3[%dma_wait3A_265, %dma_wait3A_266] : memref<32768x1024xf32, #tpu.memory_space<hbm>> -> memref<32768x1024xf32, #tpu.memory_space<hbm>>
      tpu.wait_indirect_dma semaphore(%arg17 : memref<!tpu.dma_semaphore, #tpu.memory_space<semaphore_mem>>) src(%dma_wait3A_267 : memref<32768x1024xf32, #tpu.memory_space<hbm>>) dst(%arg13 : memref<16x1024xf32, #tpu.memory_space<vmem>>)
      %dma_start3A_268 = arith.constant 0 : i32
      %dma_start3A_269 = tpu.memref_slice %arg10[%min3A_148, %dma_start3A_268] : memref<64x16xi32, #tpu.memory_space<vmem>> -> memref<1x16xi32, #tpu.memory_space<vmem>>
      %dma_start3A_270 = tpu.memref_squeeze %dma_start3A_269 : memref<1x16xi32, #tpu.memory_space<vmem>> -> memref<16xi32, #tpu.memory_space<vmem>>
      %dma_start3A_271 = arith.constant 0 : i32
      %dma_start3A_272 = arith.constant 0 : i32
      %dma_start3A_273 = tpu.memref_slice %arg5[%dma_start3A_271, %dma_start3A_272] : memref<32768x1024xf32, #tpu.memory_space<hbm>> -> memref<32768x1024xf32, #tpu.memory_space<hbm>>
      tpu.enqueue_indirect_dma source(%arg13 : memref<16x1024xf32, #tpu.memory_space<vmem>>) target(%dma_start3A_273 : memref<32768x1024xf32, #tpu.memory_space<hbm>>) offsets(%dma_start3A_270 : memref<16xi32, #tpu.memory_space<vmem>>) semaphore(%arg21 : memref<!tpu.dma_semaphore, #tpu.memory_space<semaphore_mem>>)
      %dma_wait3A_274 = arith.constant 0 : i32
      %dma_wait3A_275 = tpu.memref_slice %arg9[%min3A_155, %dma_wait3A_274] : memref<64x16xi32, #tpu.memory_space<vmem>> -> memref<1x16xi32, #tpu.memory_space<vmem>>
      %dma_wait3A_276 = tpu.memref_squeeze %dma_wait3A_275 : memref<1x16xi32, #tpu.memory_space<vmem>> -> memref<16xi32, #tpu.memory_space<vmem>>
      %dma_wait3A_277 = arith.constant 0 : i32
      %dma_wait3A_278 = arith.constant 0 : i32
      %dma_wait3A_279 = tpu.memref_slice %arg3[%dma_wait3A_277, %dma_wait3A_278] : memref<32768x1024xf32, #tpu.memory_space<hbm>> -> memref<32768x1024xf32, #tpu.memory_space<hbm>>
      tpu.wait_indirect_dma semaphore(%arg18 : memref<!tpu.dma_semaphore, #tpu.memory_space<semaphore_mem>>) src(%dma_wait3A_279 : memref<32768x1024xf32, #tpu.memory_space<hbm>>) dst(%arg14 : memref<16x1024xf32, #tpu.memory_space<vmem>>)
      %dma_start3A_280 = arith.constant 0 : i32
      %dma_start3A_281 = tpu.memref_slice %arg10[%min3A_155, %dma_start3A_280] : memref<64x16xi32, #tpu.memory_space<vmem>> -> memref<1x16xi32, #tpu.memory_space<vmem>>
      %dma_start3A_282 = tpu.memref_squeeze %dma_start3A_281 : memref<1x16xi32, #tpu.memory_space<vmem>> -> memref<16xi32, #tpu.memory_space<vmem>>
      %dma_start3A_283 = arith.constant 0 : i32
      %dma_start3A_284 = arith.constant 0 : i32
      %dma_start3A_285 = tpu.memref_slice %arg5[%dma_start3A_283, %dma_start3A_284] : memref<32768x1024xf32, #tpu.memory_space<hbm>> -> memref<32768x1024xf32, #tpu.memory_space<hbm>>
      tpu.enqueue_indirect_dma source(%arg14 : memref<16x1024xf32, #tpu.memory_space<vmem>>) target(%dma_start3A_285 : memref<32768x1024xf32, #tpu.memory_space<hbm>>) offsets(%dma_start3A_282 : memref<16xi32, #tpu.memory_space<vmem>>) semaphore(%arg22 : memref<!tpu.dma_semaphore, #tpu.memory_space<semaphore_mem>>)
      %while3A_286 = arith.constant 0 : i32
      scf.yield %while3A_286 : i32
    }
    %gt3A_121 = arith.constant 0 : i32
    %gt3A_122 = arith.cmpi sgt, %shift_right_arithmetic3A_46, %gt3A_121 : i32
    %convert_element_type3A_123 = arith.extui %gt3A_122 : i1 to i32
    %cond3A_124 = arith.constant 0 : i32
    %cond3A_125 = arith.cmpi ne, %convert_element_type3A_123, %cond3A_124 : i32
    scf.if %cond3A_125 {
      %sub3A_126 = arith.constant 1 : i32
      %sub3A_127 = arith.subi %shift_right_arithmetic3A_103, %sub3A_126 : i32
      %mul3A_128 = arith.constant 4 : i32
      %mul3A_129 = arith.muli %sub3A_127, %mul3A_128 : i32
      %add3A_130 = arith.constant 0 : i32
      %add3A_131 = arith.addi %mul3A_129, %add3A_130 : i32
      %sub3A_132 = arith.constant 1 : i32
      %sub3A_133 = arith.subi %shift_right_arithmetic3A_46, %sub3A_132 : i32
      %min3A_134 = arith.minsi %add3A_131, %sub3A_133 : i32
      %dma_wait3A = arith.constant 0 : i32
      %dma_wait3A_135 = tpu.memref_slice %arg10[%min3A_134, %dma_wait3A] : memref<64x16xi32, #tpu.memory_space<vmem>> -> memref<1x16xi32, #tpu.memory_space<vmem>>
      %dma_wait3A_136 = tpu.memref_squeeze %dma_wait3A_135 : memref<1x16xi32, #tpu.memory_space<vmem>> -> memref<16xi32, #tpu.memory_space<vmem>>
      %dma_wait3A_137 = arith.constant 0 : i32
      %dma_wait3A_138 = arith.constant 0 : i32
      %dma_wait3A_139 = tpu.memref_slice %arg5[%dma_wait3A_137, %dma_wait3A_138] : memref<32768x1024xf32, #tpu.memory_space<hbm>> -> memref<32768x1024xf32, #tpu.memory_space<hbm>>
      tpu.wait_indirect_dma semaphore(%arg19 : memref<!tpu.dma_semaphore, #tpu.memory_space<semaphore_mem>>) src(%arg11 : memref<16x1024xf32, #tpu.memory_space<vmem>>) dst(%dma_wait3A_139 : memref<32768x1024xf32, #tpu.memory_space<hbm>>)
      %sub3A_140 = arith.constant 1 : i32
      %sub3A_141 = arith.subi %shift_right_arithmetic3A_103, %sub3A_140 : i32
      %mul3A_142 = arith.constant 4 : i32
      %mul3A_143 = arith.muli %sub3A_141, %mul3A_142 : i32
      %add3A_144 = arith.constant 1 : i32
      %add3A_145 = arith.addi %mul3A_143, %add3A_144 : i32
      %sub3A_146 = arith.constant 1 : i32
      %sub3A_147 = arith.subi %shift_right_arithmetic3A_46, %sub3A_146 : i32
      %min3A_148 = arith.minsi %add3A_145, %sub3A_147 : i32
      %dma_wait3A_149 = arith.constant 0 : i32
      %dma_wait3A_150 = tpu.memref_slice %arg10[%min3A_148, %dma_wait3A_149] : memref<64x16xi32, #tpu.memory_space<vmem>> -> memref<1x16xi32, #tpu.memory_space<vmem>>
      %dma_wait3A_151 = tpu.memref_squeeze %dma_wait3A_150 : memref<1x16xi32, #tpu.memory_space<vmem>> -> memref<16xi32, #tpu.memory_space<vmem>>
      %dma_wait3A_152 = arith.constant 0 : i32
      %dma_wait3A_153 = arith.constant 0 : i32
      %dma_wait3A_154 = tpu.memref_slice %arg5[%dma_wait3A_152, %dma_wait3A_153] : memref<32768x1024xf32, #tpu.memory_space<hbm>> -> memref<32768x1024xf32, #tpu.memory_space<hbm>>
      tpu.wait_indirect_dma semaphore(%arg20 : memref<!tpu.dma_semaphore, #tpu.memory_space<semaphore_mem>>) src(%arg12 : memref<16x1024xf32, #tpu.memory_space<vmem>>) dst(%dma_wait3A_154 : memref<32768x1024xf32, #tpu.memory_space<hbm>>)
      %sub3A_155 = arith.constant 1 : i32
      %sub3A_156 = arith.subi %shift_right_arithmetic3A_103, %sub3A_155 : i32
      %mul3A_157 = arith.constant 4 : i32
      %mul3A_158 = arith.muli %sub3A_156, %mul3A_157 : i32
      %add3A_159 = arith.constant 2 : i32
      %add3A_160 = arith.addi %mul3A_158, %add3A_159 : i32
      %sub3A_161 = arith.constant 1 : i32
      %sub3A_162 = arith.subi %shift_right_arithmetic3A_46, %sub3A_161 : i32
      %min3A_163 = arith.minsi %add3A_160, %sub3A_162 : i32
      %dma_wait3A_164 = arith.constant 0 : i32
      %dma_wait3A_165 = tpu.memref_slice %arg10[%min3A_163, %dma_wait3A_164] : memref<64x16xi32, #tpu.memory_space<vmem>> -> memref<1x16xi32, #tpu.memory_space<vmem>>
      %dma_wait3A_166 = tpu.memref_squeeze %dma_wait3A_165 : memref<1x16xi32, #tpu.memory_space<vmem>> -> memref<16xi32, #tpu.memory_space<vmem>>
      %dma_wait3A_167 = arith.constant 0 : i32
      %dma_wait3A_168 = arith.constant 0 : i32
      %dma_wait3A_169 = tpu.memref_slice %arg5[%dma_wait3A_167, %dma_wait3A_168] : memref<32768x1024xf32, #tpu.memory_space<hbm>> -> memref<32768x1024xf32, #tpu.memory_space<hbm>>
      tpu.wait_indirect_dma semaphore(%arg21 : memref<!tpu.dma_semaphore, #tpu.memory_space<semaphore_mem>>) src(%arg13 : memref<16x1024xf32, #tpu.memory_space<vmem>>) dst(%dma_wait3A_169 : memref<32768x1024xf32, #tpu.memory_space<hbm>>)
      %sub3A_170 = arith.constant 1 : i32
      %sub3A_171 = arith.subi %shift_right_arithmetic3A_103, %sub3A_170 : i32
      %mul3A_172 = arith.constant 4 : i32
      %mul3A_173 = arith.muli %sub3A_171, %mul3A_172 : i32
      %add3A_174 = arith.constant 3 : i32
      %add3A_175 = arith.addi %mul3A_173, %add3A_174 : i32
      %sub3A_176 = arith.constant 1 : i32
      %sub3A_177 = arith.subi %shift_right_arithmetic3A_46, %sub3A_176 : i32
      %min3A_178 = arith.minsi %add3A_175, %sub3A_177 : i32
      %dma_wait3A_179 = arith.constant 0 : i32
      %dma_wait3A_180 = tpu.memref_slice %arg10[%min3A_178, %dma_wait3A_179] : memref<64x16xi32, #tpu.memory_space<vmem>> -> memref<1x16xi32, #tpu.memory_space<vmem>>
      %dma_wait3A_181 = tpu.memref_squeeze %dma_wait3A_180 : memref<1x16xi32, #tpu.memory_space<vmem>> -> memref<16xi32, #tpu.memory_space<vmem>>
      %dma_wait3A_182 = arith.constant 0 : i32
      %dma_wait3A_183 = arith.constant 0 : i32
      %dma_wait3A_184 = tpu.memref_slice %arg5[%dma_wait3A_182, %dma_wait3A_183] : memref<32768x1024xf32, #tpu.memory_space<hbm>> -> memref<32768x1024xf32, #tpu.memory_space<hbm>>
      tpu.wait_indirect_dma semaphore(%arg22 : memref<!tpu.dma_semaphore, #tpu.memory_space<semaphore_mem>>) src(%arg14 : memref<16x1024xf32, #tpu.memory_space<vmem>>) dst(%dma_wait3A_184 : memref<32768x1024xf32, #tpu.memory_space<hbm>>)
    } else {
    }
    return
  }
}

</mosaic_0001>

<sc_bundles>
// kernel: kernel.3.cloned.1.call-start
scs
__scs_entry_jumppad:
0x0: {  	(pc) =	sbr.rel $0x88, $3  }
0x1: {  	(tag) =	ssettag $0x0;
	lr =	simm.s32 $0x1  }
0x2: {  	[smem:$0x3F9E] =	sst lr;
	_ =	strace $0xD0000000  }
0x3: {  	_ = 	snop  }
0x4: {  	_ = 	snop  }
0x5: {  	_ = 	snop  }
0x6: {  	_ = 	snop  }
0x7: {  	_ = 	snop  }
__scs_overlays_trampoline_lowered:
0x8: {  	[smem:$0x3FAD] =	sst s0  }
0x9: {  	[smem:$0x3FAE] =	sst s1  }
0xa: {  	[smem:$0x3FAF] =	sst s2  }
0xb: {  	[smem:$0x3FB0] =	sst s3  }
0xc: {  	[smem:$0x3FB1] =	sst s4  }
0xd: {  	[smem:$0x3FB2] =	sst s5  }
0xe: {  	[smem:$0x3FB3] =	sst s6  }
0xf: {  	[smem:$0x3FB4] =	sst s7  }
0x10: {  	[smem:$0x3FB5] =	sst s8  }
0x11: {  	[smem:$0x3FB6] =	sst s9;
	s0 =	simm.s32 @!p0 $0x0  }
0x12: {  	s1 =	sld [smem:$0x3F9C];
	s0 =	simm.s32 @p0 $0x1  }
0x13: {  	[smem:$0x3FB7] =	sst s0;
	s0 =	simm.s32 @!p1 $0x0  }
0x14: {  	s2 =	sld [smem:$0x3F9B];
	s0 =	simm.s32 @p1 $0x1  }
0x15: {  	[smem:$0x3FB8] =	sst s0;
	s0 =	simm.s32 @!p2 $0x0  }
0x16: {  	s3 =	sld [smem:$0x3FDB];
	s0 =	simm.s32 @p2 $0x1  }
0x17: {  	s4 =	simm.s32 $0x1BF5;
	[smem:$0x3FBA] =	sst s0  }
0x18: {  	s0 =	sld [smem:$0x3F9D];
	_ =	swait.ge [sflag:s4], $0x0  }
0x19: {  	s7 =	sld [smem:$0x3F9E]  }
0x1a: {  	s8 =	sadd.s32 $0xFFFFE003, lr  }
0x1b: {  	s9 =	sadd.s32 $0xFFFFFEF7, lr;
	s5 =	simm.s32 $0xFFFFFFFF;
	p2 =	slt.u32 s8, $0xFFFFF086  }
0x1c: {  	p1 =	slt.u32 s9, $0xF7A;
	s5 =	simm.s32 @!p2 $0x0  }
0x1d: {  	s5 =	simm.s32 @p1 $0x1;
	p0 =	seq.s32 s7, s2  }
0x1e: {  	s7 =	smul.u32 @!p0 $0xF7A, s2;
	p2 =	seq.s32 @!p0 s5, $0x0  }
0x1f: {  	s9 =	smul.u32 $0xF7A, s1;
	s8 =	simm.s32 @!p0 $0x1BF5;
	p2 =	por !p2, p0  }
0x20: {  	[sflag:s8] =	ssyncset.s32 @!p0 $0xFFFFF086;
	s6 =	sadd.s32 @!p0 s3, s7;
	s7 =	simm.s32 @!p0 $0x108  }
0x21: {  	s3 =	sadd.s32 s3, s9;
	s6 =	sadd.s32 @!p0 $0x88, s6;
	s7 =	simm.s32 @p2 $0x1082  }
0x22: {  	[simem:s7], [sflag:s8] =	dma.local @!p0 [hbm:s6], $0xF7A  }
0x23: {  	s9 =	sor.u32 $0xD0000000, s2;
	s6 =	simm.s32 $0x108;
	_ =	swait.ge @!p0 [sflag:s8], $0x0  }
0x24: {  	s3 =	sadd.s32 $0x88, s3;
	s6 =	simm.s32 @!p1 $0x1082;
	[sflag:s4] =	ssyncset.s32 $0xFFFFF086  }
0x25: {  	[simem:s6], [sflag:s4] =	dma.local [hbm:s3], $0xF7A  }
0x26: {  	[smem:$0x3F9E] =	sst s1;
	(tag) =	ssettag s2;
	_ =	strace s9  }
0x27: {  	s1 =	sld [smem:$0x3FAE]  }
0x28: {  	s2 =	sld [smem:$0x3FAF]  }
0x29: {  	s4 =	sld [smem:$0x3FB1]  }
0x2a: {  	p0 =	seq.s32 s5, $0x0;
	s5 =	sld [smem:$0x3FB2]  }
0x2b: {  	s6 =	sld [smem:$0x3FB3]  }
0x2c: {  	s7 =	sld [smem:$0x3FB4]  }
0x2d: {  	s3 =	simm.s32 $0x108;
	s8 =	sld [smem:$0x3FB5]  }
0x2e: {  	s3 =	simm.s32 @!p0 $0x1082;
	s9 =	sld [smem:$0x3FB6]  }
0x2f: {  	lr =	sadd.s32 s0, s3;
	s0 =	sld [smem:$0x3FAD]  }
0x30: {  	s3 =	sld [smem:$0x3FB0]  }
0x31: {  	[smem:$0x3FB9] =	sst s10  }
0x32: {  	s10 =	sld [smem:$0x3FB7];
	_ =	sdelay $0x3  }
0x33: {  	p0 =	seq.s32 s10, $0x1;
	s10 =	sld [smem:$0x3FB9];
	_ =	sdelay $0x3  }
0x34: {  	[smem:$0x3FB9] =	sst s10  }
0x35: {  	s10 =	sld [smem:$0x3FB8];
	_ =	sdelay $0x3  }
0x36: {  	p1 =	seq.s32 s10, $0x1;
	s10 =	sld [smem:$0x3FB9];
	_ =	sdelay $0x3  }
0x37: {  	[smem:$0x3FB9] =	sst s10  }
0x38: {  	s10 =	sld [smem:$0x3FBA]  }
0x39: {  	_ = 	snop;
	(pc) =	sbr.ind lr, $3  }
0x3a: {  	_ = 	snop  }
0x3b: {  	_ = 	snop  }
0x3c: {  	p2 =	seq.s32 s10, $0x1;
	s10 =	sld [smem:$0x3FB9]  }
0x3d: {  	_ =	shalt  }
0x3e: {  	_ =	shalt  }
0x3f: {  	_ =	shalt  }
0x40: {  	_ =	shalt  }
0x41: {  	_ =	shalt  }
0x42: {  	_ =	shalt  }
0x43: {  	_ =	shalt  }
0x44: {  	_ =	shalt  }
0x45: {  	_ =	shalt  }
0x46: {  	_ =	shalt  }
0x47: {  	_ =	shalt  }
0x48: {  	_ =	shalt  }
0x49: {  	_ =	shalt  }
0x4a: {  	_ =	shalt  }
0x4b: {  	_ =	shalt  }
0x4c: {  	_ =	shalt  }
0x4d: {  	_ =	shalt  }
0x4e: {  	_ =	shalt  }
0x4f: {  	_ =	shalt  }
0x50: {  	_ =	shalt  }
0x51: {  	_ =	shalt  }
0x52: {  	_ =	shalt  }
0x53: {  	_ =	shalt  }
0x54: {  	_ =	shalt  }
0x55: {  	_ =	shalt  }
0x56: {  	_ =	shalt  }
0x57: {  	_ =	shalt  }
0x58: {  	_ =	shalt  }
0x59: {  	_ =	shalt  }
0x5a: {  	_ =	shalt  }
0x5b: {  	_ =	shalt  }
0x5c: {  	_ =	shalt  }
0x5d: {  	_ =	shalt  }
0x5e: {  	_ =	shalt  }
0x5f: {  	_ =	shalt  }
0x60: {  	_ =	shalt  }
0x61: {  	_ =	shalt  }
0x62: {  	_ =	shalt  }
0x63: {  	_ =	shalt  }
0x64: {  	_ =	shalt  }
0x65: {  	_ =	shalt  }
0x66: {  	_ =	shalt  }
0x67: {  	_ =	shalt  }
0x68: {  	_ =	shalt  }
0x69: {  	_ =	shalt  }
0x6a: {  	_ =	shalt  }
0x6b: {  	_ =	shalt  }
0x6c: {  	_ =	shalt  }
0x6d: {  	_ =	shalt  }
0x6e: {  	_ =	shalt  }
0x6f: {  	_ =	shalt  }
0x70: {  	_ =	shalt  }
0x71: {  	_ =	shalt  }
0x72: {  	_ =	shalt  }
0x73: {  	_ =	shalt  }
0x74: {  	_ =	shalt  }
0x75: {  	_ =	shalt  }
0x76: {  	_ =	shalt  }
0x77: {  	_ =	shalt  }
0x78: {  	_ =	shalt  }
0x79: {  	_ =	shalt  }
0x7a: {  	_ =	shalt  }
0x7b: {  	_ =	shalt  }
0x7c: {  	_ =	shalt  }
0x7d: {  	_ =	shalt  }
0x7e: {  	_ =	shalt  }
0x7f: {  	_ =	shalt  }
0x80: {  	_ =	shalt  }
0x81: {  	_ =	shalt  }
0x82: {  	_ =	shalt  }
0x83: {  	_ =	shalt  }
0x84: {  	_ =	shalt  }
0x85: {  	_ =	shalt  }
0x86: {  	_ =	shalt  }
0x87: {  	_ =	shalt  }
.Lfunc_end0:
.L_simem_size_0:
called_computation_lowered:
.L_overlay_start_0:
0x88: {  	s2 =	sld [smem:$0x3FD9]  }
0x89: {  	s3 =	sld [smem:$0x3FFE];
	_ =	sdelay $0x1  }
0x8a: {  	s1 =	srdreg.scid  }
0x8b: {  	s0 =	sand.u32 $0x1, s1  }
0x8c: {  	s17 =	sshll.u32 s0, $0xA;
	s2 =	sadd.s32 s3, s2  }
0x8d: {  	s2 =	sadd.s32 s2, s17  }
0x8e: {  	[smem:$0x3FC5] =	sst s2  }
0x8f: {  	_ = 	snop  }
0x90: {  	s2 =	sld [smem:$0x3FC9]  }
0x91: {  	s18 =	sld [smem:$0x3FC7]  }
0x92: {  	s4 =	sld [smem:$0x3FD0];
	(tm) =	ssettm $0x1  }
0x93: {  	s5 =	sld [smem:$0x3FFB];
	_ =	sdelay $0x3  }
0x94: {  	_ =	strace s5  }
0x95: {  	s5 =	sld [smem:$0x3FFC];
	_ =	sdelay $0x3  }
0x96: {  	_ =	strace s5  }
0x97: {  	s5 =	sld [smem:$0x3FFD];
	_ =	sdelay $0x3  }
0x98: {  	_ =	strace s5  }
0x99: {  	_ =	strace $0x8FFFFFFF  }
0x9a: {  	s19 =	sld [smem:$0x3FDB];
	_ =	sdelay $0x1  }
0x9b: {  	s6 =	simm.s32 $_scs_section_size  }
0x9c: {  	s7 =	simm.s32 $_size__tile_overlayer_lowered;
	s8 =	simm.s32 $_tile_overlayer_lowered  }
0x9d: {  	s22 =	simm.s32 $0x1BFF;
	s21 =	sshll.u32 s8, $0x1;
	s5 =	sadd.s32 s6, s19  }
0x9e: {  	s9 =	simm.s32 $0x0;
	s20 =	sshll.u32 s7, $0x1;
	s7 =	sadd.s32 s21, s5  }
0x9f: {  	[timem:s9], [sflag:s22] =	dma.local [hbm:s7], s20  }
0xa0: {  	_ =	swait.ge [sflag:s22], s20  }
0xa1: {  	s6 =	ssub.s32 $0x0, s20;
	[sflag:s22] =	ssyncset.done $0x0  }
0xa2: {  	[sflag:s22] =	ssyncadd.s32 s6;
	_ =	sdelay $0x1  }
0xa3: {  	s23 =	simm.s32 $0x1B8B  }
0xa4: {  	_ =	swait.ge [sflag:s23], $0x1  }
0xa5: {  	[sflag:s23] =	ssyncset.done $0x0  }
0xa6: {  	s25 =	simm.s32 $0x1B8E;
	s24 =	sld [smem:$0x3FFE];
	[sflag:s23] =	ssyncadd.s32 $0xFFFFFFFF  }
0xa7: {  	s26 =	simm.s32 $execute0_lowered;
	[smem:$0x3FD2] =	sst s25  }
0xa8: {  	s7 =	sshll.u32 s26, $0x1;
	_ =	strace $0x80000046;
	[dreg:$0x1] =	wrdreg $0xFFFFFFFF  }
0xa9: {  	s28 =	simm.s32 $_size_execute0_lowered;
	s5 =	sadd.s32 s5, s7;
	[dreg:$0x0] =	wrdreg $0x0  }
0xaa: {  	s7 =	sshll.u32 s28, $0x1;
	[dreg:$0x2] =	wrdreg s5  }
0xab: {  	[dreg:$0x3] =	wrdreg s7  }
0xac: {  	[dreg:$0x4] =	wrdreg $0xC0  }
0xad: {  	_ =	task [dreg:s9], $0x5FFFF  }
0xae: {  	[dreg:$0x1] =	wrdreg $0xFFFFFFFF  }
0xaf: {  	[dreg:$0x0] =	wrdreg $0x60  }
0xb0: {  	[dreg:$0x2] =	wrdreg s24  }
0xb1: {  	[dreg:$0x3] =	wrdreg s2  }
0xb2: {  	[dreg:$0x4] =	wrdreg s18  }
0xb3: {  	[dreg:$0x5] =	wrdreg s4  }
0xb4: {  	[dreg:$0x6] =	wrdreg $0x9  }
0xb5: {  	_ =	task.clear_ibuf [dreg:s9], $0x7FFFF;
	_ =	strace $0x90000046  }
0xb6: {  	s29 =	simm.s32 $0x9;
	_ =	strace $0x80000048  }
0xb7: {  	_ =	swait.ge [sflag:s29], $0x1  }
0xb8: {  	[sflag:s29] =	ssyncadd.s32 $0xFFFFFFFF  }
0xb9: {  	_ =	strace $0x90000048  }
0xba: {  	_ =	sfence  }
0xbb: {  	s30 =	sld [smem:$0x0];
	_ =	sdelay $0x2  }
0xbc: {  	s31 =	sshll.u32 s1, $0xD;
	s1 =	sshrl.u32 s1, $0x2  }
0xbd: {  	s3 =	sand.u32 $0x4000, s31;
	s1 =	sadd.s32 s1, s30  }
0xbe: {  	s0 =	sor.u32 s3, s0;
	s1 =	sshll.u32 s1, $0x11  }
0xbf: {  	s0 =	sor.u32 s1, s0  }
0xc0: {  	s0 =	sadd.s32 $0x8F2B, s0  }
0xc1: {  	[sflag:s0] =	ssyncadd.remote.s32 $0x1  }
0xc2: {  	_ =	sfence.sel $0xFFFF  }
0xc3: {  	[dreg:$0x0] =	wrdreg $0xFFFFFFFF;
	(pc) =	sbr.abs _section_cstart, $3  }
0xc4: {  	[dreg:$0x1] =	wrdreg $0xFFFFFFFF  }
0xc5: {  	_ =	task.clear_ibuf [dreg:s9], $0x2FFFF;
	_ =	strace $0x9FFFFFFF  }
0xc6: {  	(tm) =	ssettm $0x7FFFFFFF  }
0xc7: {  	_ =	shalt  }
tec
execute0_lowered:
.L_overlay_start_1:
0x0: {  	(tag) =	ssettag $0x1  }
0x1: {  	s0 =	rddreg [dreg:$0x0]  }
0x2: {  	s1 =	rddreg [dreg:$0x1]  }
0x3: {  	s2 =	rddreg [dreg:$0x2]  }
0x4: {  	s4 =	srdreg.scid;
	s3 =	rddreg [dreg:$0x3];
	_ =	strace $0x80000047  }
0x5: {  	s17 =	stileid.u32;
	s18 =	simm.s32 $0x0;
	s20 =	simm.s32 $0x8000  }
0x6: {  	s21 =	simm.s32 $0xA000;
	s22 =	simm.s32 $0xC000;
	s23 =	simm.s32 $0xE000  }
0x7: {  	s31 =	simm.s32 $0x12000;
	s4 =	sand.u32 $0x1, s4;
	s0 =	sadd.s32 $0x400, s0  }
0x8: {  	s26 =	sshll.u32 s17, $0x1;
	s7 =	sadd.s32 $0x200, s2;
	s28 =	sadd.s32 $0x300, s2  }
0x9: {  	s9 =	sadd.s32 $0x100, s3;
	s10 =	sadd.s32 $0x200, s3;
	[dreg:$0x5] =	wrdreg s0  }
0xa: {  	s11 =	sadd.s32 $0x300, s3;
	s13 =	sadd.s32 $0x100, s1;
	[dreg:$0xb] =	wrdreg s7  }
0xb: {  	s14 =	sadd.s32 $0x200, s1;
	s12 =	sadd.s32 $0x300, s1;
	[dreg:$0xe] =	wrdreg s28  }
0xc: {  	s15 =	sshll.u32 s17, $0x4;
	s29 =	sshll.u32 s17, $0xB;
	[dreg:$0x9] =	wrdreg s13  }
0xd: {  	s5 =	ssub.s32 $0x2, s4;
	s16 =	sshll.u32 s4, $0x3;
	[dreg:$0xd] =	wrdreg s14  }
0xe: {  	[dreg:$0xf] =	wrdreg s12;
	s6 =	sshrl.u32 s5, $0x1;
	s15 =	sor.u32 s16, s15  }
.Ltmp0:
0xf: {  	s25 =	ssub.s32 s5, s6;
	s5 =	sor.u32 s4, s26;
	(pc) =	sbr.rel .LBB2_1-.Ltmp0, $4  }
0x10: {  	s6 =	sadd.s32 $0x100, s2;
	s4 =	sshll.u32 s4, $0xA;
	s30 =	smax.u32 s15, $0x1  }
0x11: {  	v0 =	vlaneseq.u32;
	s0 =	smax.u32 s25, $0x1;
	[dreg:$0x7] =	wrdreg s30;
	s17 =	sor.u32 s4, s29  }
0x12: {  	vm0 =	vmmov $0xffff;
	v2 =	vshrl.u32 v0, $0x3;
	p0 =	seq.s32 s5, $0x0;
	s4 =	simm.s32 $0x11800;
	[dreg:$0x8] =	wrdreg s6  }
0x13: {  	v1 =	vand.u32 $0x7, v0;
	v3 =	vor.u32 $0x8, v0;
	v2 =	vmul.u32 $0x8, v2;
	s5 =	simm.s32 $0x12800;
	[dreg:$0x6] =	wrdreg s0;
	s0 =	simm.s32 $0x0  }
.LBB2_27:
0x14: {  	s15 =	simm.s32 @!p1 $0x5  }
0x15: {  	_ =	swait.ge @!p1 [sflag:s15], $0x4000  }
0x16: {  	[sflag:s15] =	ssyncset.done @!p1 $0x0  }
0x17: {  	[sflag:s15] =	ssyncadd.s32 @!p1 $0xFFFFC000;
	s15 =	simm.s32 @!p1 $0x6  }
0x18: {  	_ =	swait.ge @!p1 [sflag:s15], $0x4000  }
0x19: {  	[sflag:s15] =	ssyncset.done @!p1 $0x0  }
0x1a: {  	[sflag:s15] =	ssyncadd.s32 @!p1 $0xFFFFC000;
	s15 =	simm.s32 @!p1 $0x7  }
0x1b: {  	_ =	swait.ge @!p1 [sflag:s15], $0x4000  }
0x1c: {  	[sflag:s15] =	ssyncset.done @!p1 $0x0  }
0x1d: {  	[sflag:s15] =	ssyncadd.s32 @!p1 $0xFFFFC000;
	s15 =	simm.s32 @!p1 $0x8  }
0x1e: {  	_ =	swait.ge @!p1 [sflag:s15], $0x4000  }
0x1f: {  	s0 =	rddreg [dreg:$0xa]  }
0x20: {  	s16 =	rddreg [dreg:$0x6];
	s0 =	sadd.s32 $0x1, s0  }
0x21: {  	p2 =	sne.s32 s0, s16  }
.Ltmp1:
0x22: {  	_ = 	snop;
	(pc) =	sbr.rel @!p2 .LBB2_28-.Ltmp1, $4  }
0x23: {  	_ = 	snop  }
0x24: {  	[sflag:s15] =	ssyncset.done @!p1 $0x0  }
0x25: {  	s4 =	simm.s32 $0x11800;
	s6 =	rddreg [dreg:$0x8];
	[sflag:s15] =	ssyncadd.s32 @!p1 $0xFFFFC000  }
0x26: {  	s31 =	simm.s32 $0x12000;
	s5 =	simm.s32 $0x12800;
	s2 =	rddreg [dreg:$0x2]  }
.LBB2_1:
.Ltmp2:
0x27: {  	s15 =	rddreg [dreg:$0x5];
	s30 =	simm.s32 $0x9;
	(pc) =	sbr.rel @p0 .LBB2_7-.Ltmp2, $4  }
0x28: {  	[tilespmem:s18], [sflag:$0x9] =	stream.linear.gather [hbm4b:s15+s18], $0x8000, $0x38;
	v63 =	vld [tilespmem:$0x0]  }
0x29: {  	_ =	swait.ge [sflag:s30], $0x8000  }
0x2a: {  	[sflag:s30] =	ssyncset.done $0x0  }
0x2b: {  	v4 =	vimm.s32 $0x0;
	s15 =	simm.s32 $0x40;
	[sflag:s30] =	ssyncadd.s32 $0xFFFF8000  }
0x2c: {  	s16 =	rddreg [dreg:$0x7]  }
0x2d: {  	p2 =	sne.s32 s16, $0x1  }
.Ltmp3:
0x2e: {  	_ = 	snop;
	(pc) =	sbr.rel @!p2 .LBB2_3-.Ltmp3, $2  }
0x2f: {  	_ =	sdelay $0x2  }
0x30: {  	v5 =	vld [tilespmem:s15+$0xFFFFFFC0];
	p1 =	por $0x0, $0x0;
	s16 =	sadd.s32 $0xFFFFFFFF, s16  }
0x31: {  	v9 =	vld [tilespmem:s15+$0xFFFFFFD0]  }
0x32: {  	v10 =	vld [tilespmem:s15+$0xFFFFFFE0]  }
0x33: {  	v11 =	vld [tilespmem:s15+$0xFFFFFFF0];
	p2 =	sne.s32 s16, $0x1  }
.Ltmp4:
0x34: {  	v6 =	vld [tilespmem:s15+$0x0];
	(pc) =	sbr.rel @!p2 .LBB2_6-.Ltmp4, $4  }
0x35: {  	v7 =	vld [tilespmem:s15+$0x10];
	v5 =	vadd.s32 v4, v5  }
0x36: {  	v8 =	vld [tilespmem:s15+$0x20];
	v5 =	vadd.s32 v9, v5  }
0x37: {  	v9 =	vld [tilespmem:s15+$0x30];
	s15 =	sadd.s32 $0x80, s15;
	v10 =	vadd.s32 v10, v5  }
0x38: {  	s16 =	sadd.s32 $0xFFFFFFFF, s16;
	p1 =	por $0x1, $0x1;
	v5 =	vld [tilespmem:s15+$0xFFFFFFC0];
	v10 =	vadd.s32 v11, v10  }
.LBB2_5:
0x39: {  	p2 =	sne.s32 s16, $0x1;
	v11 =	vld [tilespmem:s15+$0xFFFFFFD0];
	v6 =	vadd.s32 v6, v10  }
0x3a: {  	v10 =	vld [tilespmem:s15+$0xFFFFFFE0];
	v6 =	vadd.s32 v7, v6  }
0x3b: {  	v12 =	vld [tilespmem:s15+$0xFFFFFFF0];
	v7 =	vadd.s32 v8, v6  }
.Ltmp5:
0x3c: {  	v6 =	vld [tilespmem:s15+$0x0];
	v7 =	vadd.s32 v9, v7;
	(pc) =	sbr.rel @p2 .LBB2_5-.Ltmp5, $4  }
0x3d: {  	v5 =	vadd.s32 v7, v5;
	v7 =	vld [tilespmem:s15+$0x10]  }
0x3e: {  	v5 =	vadd.s32 v11, v5;
	v8 =	vld [tilespmem:s15+$0x20]  }
0x3f: {  	v10 =	vadd.s32 v10, v5;
	v9 =	vld [tilespmem:s15+$0x30];
	s15 =	sadd.s32 $0x80, s15  }
0x40: {  	s16 =	sadd.s32 $0xFFFFFFFF, s16;
	v5 =	vld [tilespmem:s15+$0xFFFFFFC0];
	v10 =	vadd.s32 v12, v10  }
.LBB2_6:
0x41: {  	v6 =	vadd.s32 @p1 v6, v10  }
0x42: {  	v60 =	vld [tilespmem:s15+$0xFFFFFFD0];
	v6 =	vadd.s32 @p1 v7, v6  }
0x43: {  	v7 =	vld [tilespmem:s15+$0xFFFFFFE0];
	v6 =	vadd.s32 @p1 v8, v6  }
0x44: {  	v61 =	vld [tilespmem:s15+$0xFFFFFFF0];
	v6 =	vadd.s32 @p1 v9, v6  }
0x45: {  	v62 =	vld [tilespmem:s15+$0x0];
	v4 =	vpsel p1, v6, v4  }
0x46: {  	v4 =	vadd.s32 v4, v5;
	v5 =	vld [tilespmem:s15+$0x10]  }
0x47: {  	v6 =	vld [tilespmem:s15+$0x20];
	v4 =	vadd.s32 v60, v4  }
0x48: {  	v4 =	vadd.s32 v7, v4;
	v7 =	vld [tilespmem:s15+$0x30]  }
0x49: {  	v4 =	vadd.s32 v61, v4  }
0x4a: {  	v4 =	vadd.s32 v62, v4  }
0x4b: {  	v4 =	vadd.s32 v5, v4  }
0x4c: {  	v4 =	vadd.s32 v6, v4  }
0x4d: {  	v4 =	vadd.s32 v7, v4  }
.LBB2_7:
0x4e: {  	s28 =	simm.s32 $0x0;
	s26 =	sadd.s32 $0x0, s17  }
0x4f: {  	s15 =	sand.u32 $0x7F80, s26;
	s16 =	sand.u32 $0x70, s28  }
0x50: {  	s15 =	sor.u32 s16, s15  }
0x51: {  	v7 =	vld [tilespmem:s15+$0x0];
	_ =	sdelay $0x1  }
0x52: {  	(xrf0) =	vadd.scan.msk.s32 $0xffff, v4;
	_ =	sdelay $0x2  }
0x53: {  	(xrf0) =	vadd.scan.msk.s32 $0xffff, v7;
	_ =	sdelay $0x2  }
0x54: {  	v5 =	vmov s28;
	v8 =	vmov s28;
	v4, _, _ =	vpop (xrf0)  }
0x55: {  	v5 =	vadd.s32 $0xFFFFFFFF, v5;
	v6 =	vbroadcast v4, $0xF  }
0x56: {  	v9 =	vbroadcast v5, $0x0  }
0x57: {  	v5 =	vadd.s32 v0, v6;
	v6 =	vshll.u32 v8, $0x3;
	v8, _, _ =	vpop (xrf0)  }
0x58: {  	v9 =	vadd.s32 v8, v9;
	v10 =	vsub.s32 s28, v8;
	(v2sf) =	vpush v8, $0xF  }
0x59: {  	vm1 =	vle.s32 v7, $0x0;
	vm2 =	vgt.s32 v9, $0x0;
	v8 =	vadd.s32 v0, v10  }
0x5a: {  	v6 =	vor.u32 v0, v6;
	v9 =	vnsel vm2, $0x0, v9;
	vm3 =	vgt.s32 v8, $0x0  }
0x5b: {  	vm2 =	vgt.s32 v7, $0x0;
	v7 =	vshll.u32 v9, $0x3;
	v8 =	vnsel vm3, $0x0, v8  }
0x5c: {  	s25 =	simm.s32 $0x10;
	v9 =	vand.u32 $0xF, v9;
	v7 =	vand.u32 $0xFFFFFF80, v7;
	v10 =	vshll.u32 v8, $0x3  }
0x5d: {  	s29 =	simm.s32 $0x0;
	s30 =	simm.s32 $0x0;
	s15 =	simm.s32 $0x20;
	v8 =	vand.u32 $0xF, v8;
	v7 =	vor.u32 v9, v7;
	v9 =	vand.u32 $0xFFFFFF80, v10  }
.LBB2_8:
0x5e: {  	p1 =	sne.s32 s15, $0x3F0;
	v10 =	vadd.s32 s28, v5;
	v8 =	vor.u32 v8, v9;
	s28 =	smov.u32 s25;
	s25 =	smov.u32 s15  }
0x5f: {  	vm3 =	vlt.s32 v10, $0x3FFF  }
0x60: {  	v9 =	vnsel vm3, $0x3FFF, v10  }
0x61: {  	v10 =	vor.u32 s26, v0;
	[tilespmem:v6+s20+$0x0] =	vst.idx.msk $0xffff, v9  }
0x62: {  	s26 =	sadd.s32 s28, s17;
	[tilespmem:v7+s21+$0x0] =	vst.idx.msk vm2, v10  }
0x63: {  	s19 =	sand.u32 $0x70, s28;
	s16 =	sand.u32 $0x7F80, s26;
	[tilespmem:v8+s22+$0x0] =	vst.idx.msk vm1, v10  }
0x64: {  	s16 =	sor.u32 s19, s16;
	[tilespmem:v8+s23+$0x0] =	vst.idx.msk vm1, v10  }
0x65: {  	v7 =	vld [tilespmem:s16+$0x0];
	_ =	sdelay $0x1  }
0x66: {  	s16 =	spop (v2sf)  }
0x67: {  	s29 =	sadd.s32 s29, s16;
	s16 =	ssub.s32 s30, s16  }
0x68: {  	s30 =	sadd.s32 $0x10, s16  }
0x69: {  	(xrf0) =	vadd.scan.msk.s32 $0xffff, v7;
	_ =	sdelay $0x2  }
0x6a: {  	v6 =	vmov s29  }
0x6b: {  	v6 =	vadd.s32 $0xFFFFFFFF, v6  }
0x6c: {  	v8 =	vmov s28;
	v6 =	vbroadcast v6, $0x0  }
0x6d: {  	v8 =	vshll.u32 v8, $0x3;
	v9, _, _ =	vpop (xrf0)  }
0x6e: {  	v10 =	vadd.s32 v9, v6;
	v11 =	vsub.s32 s30, v9;
	(v2sf) =	vpush v9, $0xF  }
.Ltmp6:
0x6f: {  	v6 =	vor.u32 v0, v8;
	vm2 =	vgt.s32 v10, $0x0;
	v8 =	vadd.s32 v0, v11;
	(pc) =	sbr.rel @p1 .LBB2_8-.Ltmp6, $4  }
0x70: {  	vm1 =	vle.s32 v7, $0x0;
	v9 =	vnsel vm2, $0x0, v10;
	vm3 =	vgt.s32 v8, $0x0  }
0x71: {  	vm2 =	vgt.s32 v7, $0x0;
	v7 =	vshll.u32 v9, $0x3;
	v8 =	vnsel vm3, $0x0, v8  }
0x72: {  	v9 =	vand.u32 $0xF, v9;
	v7 =	vand.u32 $0xFFFFFF80, v7;
	v10 =	vshll.u32 v8, $0x3  }
0x73: {  	s15 =	sadd.s32 $0x10, s15;
	v8 =	vand.u32 $0xF, v8;
	v7 =	vor.u32 v9, v7;
	v9 =	vand.u32 $0xFFFFFF80, v10  }
0x74: {  	_ = 	snop  }
0x75: {  	v10 =	vadd.s32 s28, v5;
	v8 =	vor.u32 v8, v9  }
0x76: {  	vm3 =	vlt.s32 v10, $0x3FFF  }
0x77: {  	v56 =	vnsel vm3, $0x3FFF, v10  }
0x78: {  	v57 =	vor.u32 s26, v0;
	[tilespmem:v6+s20+$0x0] =	vst.idx.msk $0xffff, v56  }
0x79: {  	s15 =	sadd.s32 s25, s17;
	[tilespmem:v7+s21+$0x0] =	vst.idx.msk vm2, v57  }
0x7a: {  	s19 =	sand.u32 $0x70, s25;
	s16 =	sand.u32 $0x7F80, s15;
	[tilespmem:v8+s22+$0x0] =	vst.idx.msk vm1, v57  }
0x7b: {  	s16 =	sor.u32 s19, s16;
	[tilespmem:v8+s23+$0x0] =	vst.idx.msk vm1, v57  }
0x7c: {  	v6 =	vld [tilespmem:s16+$0x0];
	_ =	sdelay $0x4  }
0x7d: {  	(xrf0) =	vadd.scan.msk.s32 $0xffff, v6;
	_ =	sdelay $0x5  }
0x7e: {  	v7, _, _ =	vpop (xrf0)  }
0x7f: {  	(v2sf) =	vpush v7, $0xF;
	_ =	sdelay $0x4  }
0x80: {  	s8 =	spop (v2sf)  }
0x81: {  	s12 =	sadd.s32 s29, s8  }
0x82: {  	v58 =	vmov s12  }
0x83: {  	v8 =	vadd.s32 $0xFFFFFFFF, v58  }
0x84: {  	s16 =	ssub.s32 s30, s8;
	v8 =	vbroadcast v8, $0x0  }
0x85: {  	v59 =	vmov s25;
	s13 =	sadd.s32 $0x10, s16  }
0x86: {  	v9 =	vshll.u32 v59, $0x3;
	v8 =	vadd.s32 v7, v8;
	v7 =	vsub.s32 s13, v7  }
0x87: {  	v9 =	vor.u32 v0, v9;
	vm1 =	vgt.s32 v8, $0x0;
	v7 =	vadd.s32 v0, v7  }
0x88: {  	vm2 =	vle.s32 v6, $0x0;
	v8 =	vnsel vm1, $0x0, v8;
	vm1 =	vgt.s32 v7, $0x0  }
0x89: {  	vm3 =	vgt.s32 v6, $0x0;
	v6 =	vshll.u32 v8, $0x3;
	v7 =	vnsel vm1, $0x0, v7  }
0x8a: {  	v8 =	vand.u32 $0xF, v8;
	v6 =	vand.u32 $0xFFFFFF80, v6;
	v60 =	vshll.u32 v7, $0x3;
	s14 =	spop (v2sf)  }
0x8b: {  	v7 =	vand.u32 $0xF, v7;
	v6 =	vor.u32 v8, v6;
	v61 =	vand.u32 $0xFFFFFF80, v60;
	s16 =	sadd.s32 s12, s14  }
0x8c: {  	v5 =	vadd.s32 s25, v5;
	v7 =	vor.u32 v7, v61;
	s29 =	sadd.s32 $0xF, s16  }
0x8d: {  	vm1 =	vlt.s32 v5, $0x3FFF;
	s25 =	sshra.s32 s16, $0x4;
	s24 =	sshra.s32 s29, $0x4  }
0x8e: {  	v5 =	vnsel vm1, $0x3FFF, v5;
	p1 =	sle.s32 s24, s25  }
.Ltmp7:
0x8f: {  	v62 =	vor.u32 s15, v0;
	[tilespmem:v9+s20+$0x0] =	vst.idx.msk $0xffff, v5;
	(pc) =	sbr.rel @p1 .LBB2_13-.Ltmp7, $4  }
0x90: {  	[tilespmem:v6+s21+$0x0] =	vst.idx.msk vm3, v62  }
0x91: {  	[tilespmem:v7+s22+$0x0] =	vst.idx.msk vm2, v62  }
0x92: {  	[tilespmem:v7+s23+$0x0] =	vst.idx.msk vm2, v62;
	s30 =	ssub.s32 s13, s14  }
0x93: {  	v5 =	vld [tilespmem:$0xC000];
	s15 =	sadd.s32 $0x10, s30  }
0x94: {  	(v2sf) =	vpush v4, $0xF;
	_ =	sdelay $0xe  }
0x95: {  	s19 =	spop (v2sf)  }
0x96: {  	s26 =	sshll.u32 s25, $0x4;
	s30 =	ssub.s32 s24, s25;
	p1 =	slt.s32 s19, $0x3FFF  }
0x97: {  	v4 =	vmov s16;
	v6 =	vmov s26;
	v7 =	vor.u32 s26, v0;
	s19 =	simm.s32 @!p1 $0x3FFF;
	p1 =	sne.s32 s30, $0x1  }
.Ltmp8:
0x98: {  	vm1 =	vge.s32 v7, v4;
	v8 =	vshll.u32 v6, $0x3;
	(pc) =	sbr.rel @!p1 .LBB2_12-.Ltmp8, $3  }
0x99: {  	v8 =	vor.u32 v0, v8;
	vm2 =	vmmov vm1  }
0x9a: {  	v7 =	vld.msk [tilespmem:$0xA000 ss:$0x0], $0xffff;
	_ =	sdelay $0x1  }
0x9b: {  	s16 =	sadd.s32 $0xFFFFFFFF, s30;
	s25 =	sadd.s32 $0x10, s26;
	v6 =	vmov s19  }
.LBB2_11:
0x9c: {  	v9 =	vmov s25;
	v10 =	vor.u32 s25, v0;
	p1 =	sne.s32 s16, $0x1  }
.Ltmp9:
0x9d: {  	s16 =	sadd.s32 $0xFFFFFFFF, s16;
	v9 =	vshll.u32 v9, $0x3;
	[tilespmem:v8+s20+$0x0] =	vst.idx.msk vm1, v6;
	vm1 =	vge.s32 v10, v4;
	(pc) =	sbr.rel @p1 .LBB2_11-.Ltmp9, $2  }
0x9e: {  	[tilespmem:v8+s21+$0x0] =	vst.idx.msk vm2, v7;
	v8 =	vor.u32 v0, v9;
	vm2 =	vmmov vm1;
	_ =	sdelay $0x2  }
0x9f: {  	s25 =	sadd.s32 $0x10, s25  }
.LBB2_12:
0xa0: {  	_ =	sdelay $0x4  }
0xa1: {  	[tilespmem:v8+s20+$0x0] =	vst.idx.msk vm1, v6  }
0xa2: {  	[tilespmem:v8+s21+$0x0] =	vst.idx.msk vm2, v7  }
.LBB2_13:
0xa3: {  	s16 =	sadd.s32 $0xF, s15  }
0xa4: {  	s1 =	sshra.s32 s16, $0x4;
	s16 =	sshra.s32 s15, $0x4  }
0xa5: {  	p1 =	sle.s32 s1, s16  }
.Ltmp10:
0xa6: {  	_ = 	snop;
	(pc) =	sbr.rel @p1 .LBB2_17-.Ltmp10, $1  }
0xa7: {  	_ =	sdelay $0x3  }
0xa8: {  	s19 =	sshll.u32 s16, $0x4;
	s30 =	ssub.s32 s1, s16  }
0xa9: {  	v4 =	vmov s15;
	v6 =	vmov s19;
	v7 =	vor.u32 s19, v0;
	p1 =	sne.s32 s30, $0x1  }
.Ltmp11:
0xaa: {  	vm1 =	vge.s32 v7, v4;
	v6 =	vshll.u32 v6, $0x3;
	(pc) =	sbr.rel @!p1 .LBB2_16-.Ltmp11, $2  }
0xab: {  	v6 =	vor.u32 v0, v6;
	vm2 =	vmmov vm1;
	_ =	sdelay $0x2  }
0xac: {  	v5 =	vbroadcast v5, $0x0;
	s15 =	sadd.s32 $0xFFFFFFFF, s30;
	s16 =	sadd.s32 $0x10, s19  }
.LBB2_15:
0xad: {  	v7 =	vmov s16;
	v8 =	vor.u32 s16, v0;
	p1 =	sne.s32 s15, $0x1  }
.Ltmp12:
0xae: {  	s15 =	sadd.s32 $0xFFFFFFFF, s15;
	v7 =	vshll.u32 v7, $0x3;
	[tilespmem:v6+s22+$0x0] =	vst.idx.msk vm1, v5;
	vm1 =	vge.s32 v8, v4;
	(pc) =	sbr.rel @p1 .LBB2_15-.Ltmp12, $2  }
0xaf: {  	[tilespmem:v6+s23+$0x0] =	vst.idx.msk vm2, v5;
	v6 =	vor.u32 v0, v7;
	vm2 =	vmmov vm1;
	_ =	sdelay $0x2  }
0xb0: {  	s16 =	sadd.s32 $0x10, s16  }
.LBB2_16:
0xb1: {  	_ =	sdelay $0x4  }
0xb2: {  	[tilespmem:v6+s22+$0x0] =	vst.idx.msk vm1, v5  }
0xb3: {  	[tilespmem:v6+s23+$0x0] =	vst.idx.msk vm2, v5  }
.LBB2_17:
0xb4: {  	p2 =	slt.s32 s24, $0x1  }
.Ltmp13:
0xb5: {  	_ = 	snop;
	(pc) =	sbr.rel @p2 .LBB2_19-.Ltmp13, $4  }
0xb6: {  	_ = 	snop  }
0xb7: {  	[dreg:$0xc] =	wrdreg s1  }
0xb8: {  	[dreg:$0xa] =	wrdreg s0  }
0xb9: {  	s25 =	sadd.s32 $0xFFFFFFFF, s24;
	s7 =	simm.s32 $0x10000;
	s12 =	rddreg [dreg:$0xb]  }
0xba: {  	v4 =	vld [tilespmem:$0x8000];
	_ =	sdelay $0x4  }
0xbb: {  	v5 =	vshll.u32 v4, $0x3  }
0xbc: {  	v4 =	vand.u32 $0x7, v4;
	v5 =	vand.u32 $0xFFFFFFC0, v5  }
0xbd: {  	v4 =	vor.u32 v4, v5  }
0xbe: {  	v5 =	vperm.xlane v4, v1;
	_ =	sdelay $0x1  }
0xbf: {  	v5 =	vadd.s32 v2, v5;
	_ =	sdelay $0x4  }
0xc0: {  	[tilespmem:s7], [sflag:$0x1] =	stream.indirect_vreg.gather [hbm4b:s2+s18], $0x80, v5, vm0, $0xb8;
	v63 =	vld [tilespmem:$0x0]  }
0xc1: {  	s8 =	simm.s32 $0x10800;
	v4 =	vperm.xlane v4, v3  }
0xc2: {  	[tilespmem:s8], [sflag:$0x1] =	stream.indirect_vreg.gather [hbm4b:s6+s18], $0x80, v5, vm0, $0xb8;
	v63 =	vld [tilespmem:$0x0]  }
0xc3: {  	s28 =	simm.s32 $0x11000;
	v4 =	vadd.s32 v2, v4  }
0xc4: {  	[tilespmem:s28], [sflag:$0x1] =	stream.indirect_vreg.gather [hbm4b:s12+s18], $0x80, v5, vm0, $0xb8;
	v63 =	vld [tilespmem:$0x0]  }
0xc5: {  	s0 =	rddreg [dreg:$0xe]  }
0xc6: {  	[tilespmem:s4], [sflag:$0x1] =	stream.indirect_vreg.gather [hbm4b:s0+s18], $0x80, v5, vm0, $0xb8;
	v63 =	vld [tilespmem:$0x0]  }
0xc7: {  	_ = 	snop  }
0xc8: {  	[tilespmem:s31], [sflag:$0x1] =	stream.indirect_vreg.gather [hbm4b:s2+s18], $0x80, v4, vm0, $0xb8;
	v63 =	vld [tilespmem:$0x0]  }
0xc9: {  	_ = 	snop  }
0xca: {  	[tilespmem:s5], [sflag:$0x1] =	stream.indirect_vreg.gather [hbm4b:s6+s18], $0x80, v4, vm0, $0xb8;
	v63 =	vld [tilespmem:$0x0]  }
0xcb: {  	s1 =	simm.s32 $0x13000;
	p1 =	seq.s32 s25, $0x0;
	s16 =	simm.s32 $0x0  }
0xcc: {  	[tilespmem:s1], [sflag:$0x1] =	stream.indirect_vreg.gather [hbm4b:s12+s18], $0x80, v4, vm0, $0xb8;
	v63 =	vld [tilespmem:$0x0]  }
0xcd: {  	s13 =	simm.s32 $0x13800;
	s16 =	simm.s32 @!p1 $0x80  }
0xce: {  	[tilespmem:s13], [sflag:$0x1] =	stream.indirect_vreg.gather [hbm4b:s0+s18], $0x80, v4, vm0, $0xb8;
	v63 =	vld [tilespmem:$0x0]  }
0xcf: {  	v4 =	vld [tilespmem:s16+$0x8000];
	_ =	sdelay $0x4  }
0xd0: {  	v5 =	vshll.u32 v4, $0x3  }
0xd1: {  	v4 =	vand.u32 $0x7, v4;
	v5 =	vand.u32 $0xFFFFFFC0, v5  }
0xd2: {  	v4 =	vor.u32 v4, v5  }
0xd3: {  	v5 =	vperm.xlane v4, v1;
	_ =	sdelay $0x1  }
0xd4: {  	v5 =	vadd.s32 v2, v5;
	_ =	sdelay $0x3  }
0xd5: {  	s19 =	simm.s32 $0x14000  }
0xd6: {  	[tilespmem:s19], [sflag:$0x2] =	stream.indirect_vreg.gather [hbm4b:s2+s18], $0x80, v5, vm0, $0xb8;
	v63 =	vld [tilespmem:$0x0]  }
0xd7: {  	s29 =	simm.s32 $0x14800;
	v4 =	vperm.xlane v4, v3  }
0xd8: {  	[tilespmem:s29], [sflag:$0x2] =	stream.indirect_vreg.gather [hbm4b:s6+s18], $0x80, v5, vm0, $0xb8;
	v63 =	vld [tilespmem:$0x0]  }
0xd9: {  	s30 =	simm.s32 $0x15000;
	v4 =	vadd.s32 v2, v4  }
0xda: {  	[tilespmem:s30], [sflag:$0x2] =	stream.indirect_vreg.gather [hbm4b:s12+s18], $0x80, v5, vm0, $0xb8;
	v63 =	vld [tilespmem:$0x0]  }
0xdb: {  	s31 =	simm.s32 $0x15800  }
0xdc: {  	[tilespmem:s31], [sflag:$0x2] =	stream.indirect_vreg.gather [hbm4b:s0+s18], $0x80, v5, vm0, $0xb8;
	v63 =	vld [tilespmem:$0x0]  }
0xdd: {  	s14 =	simm.s32 $0x16000  }
0xde: {  	[tilespmem:s14], [sflag:$0x2] =	stream.indirect_vreg.gather [hbm4b:s2+s18], $0x80, v4, vm0, $0xb8;
	v63 =	vld [tilespmem:$0x0]  }
0xdf: {  	s4 =	simm.s32 $0x16800  }
0xe0: {  	[tilespmem:s4], [sflag:$0x2] =	stream.indirect_vreg.gather [hbm4b:s6+s18], $0x80, v4, vm0, $0xb8;
	v63 =	vld [tilespmem:$0x0]  }
0xe1: {  	s15 =	smin.u32 s25, $0x2;
	s5 =	simm.s32 $0x17000  }
0xe2: {  	[tilespmem:s5], [sflag:$0x2] =	stream.indirect_vreg.gather [hbm4b:s12+s18], $0x80, v4, vm0, $0xb8;
	v63 =	vld [tilespmem:$0x0]  }
0xe3: {  	s26 =	sshll.u32 s15, $0x7;
	s1 =	simm.s32 $0x17800  }
0xe4: {  	[tilespmem:s1], [sflag:$0x2] =	stream.indirect_vreg.gather [hbm4b:s0+s18], $0x80, v4, vm0, $0xb8;
	v63 =	vld [tilespmem:$0x0]  }
0xe5: {  	v4 =	vld [tilespmem:s26+$0x8000];
	_ =	sdelay $0x4  }
0xe6: {  	v5 =	vshll.u32 v4, $0x3  }
0xe7: {  	v4 =	vand.u32 $0x7, v4;
	v5 =	vand.u32 $0xFFFFFFC0, v5  }
0xe8: {  	v4 =	vor.u32 v4, v5  }
0xe9: {  	v5 =	vperm.xlane v4, v1;
	_ =	sdelay $0x1  }
0xea: {  	v5 =	vadd.s32 v2, v5;
	_ =	sdelay $0x3  }
0xeb: {  	s15 =	simm.s32 $0x18000  }
0xec: {  	[tilespmem:s15], [sflag:$0x3] =	stream.indirect_vreg.gather [hbm4b:s2+s18], $0x80, v5, vm0, $0xb8;
	v63 =	vld [tilespmem:$0x0]  }
0xed: {  	s13 =	simm.s32 $0x18800;
	v4 =	vperm.xlane v4, v3  }
0xee: {  	[tilespmem:s13], [sflag:$0x3] =	stream.indirect_vreg.gather [hbm4b:s6+s18], $0x80, v5, vm0, $0xb8;
	v63 =	vld [tilespmem:$0x0]  }
0xef: {  	s14 =	simm.s32 $0x19000;
	v4 =	vadd.s32 v2, v4  }
0xf0: {  	[tilespmem:s14], [sflag:$0x3] =	stream.indirect_vreg.gather [hbm4b:s12+s18], $0x80, v5, vm0, $0xb8;
	v63 =	vld [tilespmem:$0x0]  }
0xf1: {  	s15 =	simm.s32 $0x19800  }
0xf2: {  	[tilespmem:s15], [sflag:$0x3] =	stream.indirect_vreg.gather [hbm4b:s0+s18], $0x80, v5, vm0, $0xb8;
	v63 =	vld [tilespmem:$0x0]  }
0xf3: {  	s13 =	simm.s32 $0x1A000  }
0xf4: {  	[tilespmem:s13], [sflag:$0x3] =	stream.indirect_vreg.gather [hbm4b:s2+s18], $0x80, v4, vm0, $0xb8;
	v63 =	vld [tilespmem:$0x0]  }
0xf5: {  	s14 =	simm.s32 $0x1A800  }
0xf6: {  	[tilespmem:s14], [sflag:$0x3] =	stream.indirect_vreg.gather [hbm4b:s6+s18], $0x80, v4, vm0, $0xb8;
	v63 =	vld [tilespmem:$0x0]  }
0xf7: {  	s15 =	simm.s32 $0x1B000;
	s13 =	smin.u32 s25, $0x3  }
0xf8: {  	[tilespmem:s15], [sflag:$0x3] =	stream.indirect_vreg.gather [hbm4b:s12+s18], $0x80, v4, vm0, $0xb8;
	v63 =	vld [tilespmem:$0x0]  }
0xf9: {  	s14 =	simm.s32 $0x1B800;
	s15 =	sshll.u32 s13, $0x7  }
0xfa: {  	[tilespmem:s14], [sflag:$0x3] =	stream.indirect_vreg.gather [hbm4b:s0+s18], $0x80, v4, vm0, $0xb8;
	v63 =	vld [tilespmem:$0x0]  }
0xfb: {  	v4 =	vld [tilespmem:s15+$0x8000];
	_ =	sdelay $0x4  }
0xfc: {  	v5 =	vshll.u32 v4, $0x3  }
0xfd: {  	v4 =	vand.u32 $0x7, v4;
	v5 =	vand.u32 $0xFFFFFFC0, v5  }
0xfe: {  	v4 =	vor.u32 v4, v5  }
0xff: {  	v5 =	vperm.xlane v4, v1;
	_ =	sdelay $0x1  }
0x100: {  	v5 =	vadd.s32 v2, v5;
	_ =	sdelay $0x3  }
0x101: {  	s13 =	simm.s32 $0x1C000  }
0x102: {  	[tilespmem:s13], [sflag:$0x4] =	stream.indirect_vreg.gather [hbm4b:s2+s18], $0x80, v5, vm0, $0xb8;
	v63 =	vld [tilespmem:$0x0]  }
0x103: {  	s14 =	simm.s32 $0x1C800;
	v4 =	vperm.xlane v4, v3  }
0x104: {  	[tilespmem:s14], [sflag:$0x4] =	stream.indirect_vreg.gather [hbm4b:s6+s18], $0x80, v5, vm0, $0xb8;
	v63 =	vld [tilespmem:$0x0]  }
0x105: {  	s8 =	simm.s32 $0x1D000;
	v4 =	vadd.s32 v2, v4  }
0x106: {  	[tilespmem:s8], [sflag:$0x4] =	stream.indirect_vreg.gather [hbm4b:s12+s18], $0x80, v5, vm0, $0xb8;
	v63 =	vld [tilespmem:$0x0]  }
0x107: {  	s8 =	simm.s32 $0x1D800  }
0x108: {  	[tilespmem:s8], [sflag:$0x4] =	stream.indirect_vreg.gather [hbm4b:s0+s18], $0x80, v5, vm0, $0xb8;
	v63 =	vld [tilespmem:$0x0]  }
0x109: {  	s8 =	simm.s32 $0x1E000  }
0x10a: {  	[tilespmem:s8], [sflag:$0x4] =	stream.indirect_vreg.gather [hbm4b:s2+s18], $0x80, v4, vm0, $0xb8;
	v63 =	vld [tilespmem:$0x0]  }
0x10b: {  	s8 =	simm.s32 $0x1E800  }
0x10c: {  	[tilespmem:s8], [sflag:$0x4] =	stream.indirect_vreg.gather [hbm4b:s6+s18], $0x80, v4, vm0, $0xb8;
	v63 =	vld [tilespmem:$0x0]  }
0x10d: {  	s8 =	simm.s32 $0x1F000  }
0x10e: {  	[tilespmem:s8], [sflag:$0x4] =	stream.indirect_vreg.gather [hbm4b:s12+s18], $0x80, v4, vm0, $0xb8;
	v63 =	vld [tilespmem:$0x0]  }
0x10f: {  	s8 =	simm.s32 $0x1F800  }
0x110: {  	[tilespmem:s8], [sflag:$0x4] =	stream.indirect_vreg.gather [hbm4b:s0+s18], $0x80, v4, vm0, $0xb8;
	v63 =	vld [tilespmem:$0x0]  }
0x111: {  	s0 =	simm.s32 $0x1  }
0x112: {  	_ =	swait.ge [sflag:s0], $0x4000  }
0x113: {  	[sflag:s0] =	ssyncset.done $0x0  }
0x114: {  	[sflag:s0] =	ssyncadd.s32 $0xFFFFC000  }
0x115: {  	v4 =	vld [tilespmem:$0xA000];
	_ =	sdelay $0x4  }
0x116: {  	v5 =	vshll.u32 v4, $0x3  }
0x117: {  	v4 =	vand.u32 $0x7, v4;
	v5 =	vand.u32 $0xFFFFFFC0, v5  }
0x118: {  	v4 =	vor.u32 v4, v5  }
0x119: {  	v5 =	vperm.xlane v4, v1;
	_ =	sdelay $0x1  }
0x11a: {  	v5 =	vadd.s32 v2, v5;
	_ =	sdelay $0x4  }
0x11b: {  	[hbm4b:s3+s18] =	stream.indirect_vreg.scatter [tilespmem:s7], [sflag:$0x5], $0x80, v5, vm0, $0xb8;
	v63 =	vld [tilespmem:$0x0]  }
0x11c: {  	v4 =	vperm.xlane v4, v3;
	s7 =	simm.s32 $0x10800  }
0x11d: {  	[hbm4b:s9+s18] =	stream.indirect_vreg.scatter [tilespmem:s7], [sflag:$0x5], $0x80, v5, vm0, $0xb8;
	v63 =	vld [tilespmem:$0x0]  }
0x11e: {  	v4 =	vadd.s32 v2, v4  }
0x11f: {  	[hbm4b:s10+s18] =	stream.indirect_vreg.scatter [tilespmem:s28], [sflag:$0x5], $0x80, v5, vm0, $0xb8;
	v63 =	vld [tilespmem:$0x0]  }
0x120: {  	s28 =	simm.s32 $0x11800  }
0x121: {  	[hbm4b:s11+s18] =	stream.indirect_vreg.scatter [tilespmem:s28], [sflag:$0x5], $0x80, v5, vm0, $0xb8;
	v63 =	vld [tilespmem:$0x0]  }
0x122: {  	s7 =	simm.s32 $0x12000  }
0x123: {  	[hbm4b:s3+s18] =	stream.indirect_vreg.scatter [tilespmem:s7], [sflag:$0x5], $0x80, v4, vm0, $0xb8;
	v63 =	vld [tilespmem:$0x0]  }
0x124: {  	s28 =	simm.s32 $0x12800  }
0x125: {  	[hbm4b:s9+s18] =	stream.indirect_vreg.scatter [tilespmem:s28], [sflag:$0x5], $0x80, v4, vm0, $0xb8;
	v63 =	vld [tilespmem:$0x0]  }
0x126: {  	s7 =	simm.s32 $0x13000  }
0x127: {  	[hbm4b:s10+s18] =	stream.indirect_vreg.scatter [tilespmem:s7], [sflag:$0x5], $0x80, v4, vm0, $0xb8;
	v63 =	vld [tilespmem:$0x0]  }
0x128: {  	s28 =	simm.s32 $0x13800;
	s7 =	simm.s32 $0x2  }
0x129: {  	[hbm4b:s11+s18] =	stream.indirect_vreg.scatter [tilespmem:s28], [sflag:$0x5], $0x80, v4, vm0, $0xb8;
	v63 =	vld [tilespmem:$0x0]  }
0x12a: {  	_ =	swait.ge [sflag:s7], $0x4000  }
0x12b: {  	[sflag:s7] =	ssyncset.done $0x0  }
0x12c: {  	[sflag:s7] =	ssyncadd.s32 $0xFFFFC000  }
0x12d: {  	v4 =	vld [tilespmem:s16+$0xA000];
	_ =	sdelay $0x4  }
0x12e: {  	v5 =	vshll.u32 v4, $0x3  }
0x12f: {  	v4 =	vand.u32 $0x7, v4;
	v5 =	vand.u32 $0xFFFFFFC0, v5  }
0x130: {  	v4 =	vor.u32 v4, v5  }
0x131: {  	v5 =	vperm.xlane v4, v1;
	_ =	sdelay $0x1  }
0x132: {  	v5 =	vadd.s32 v2, v5;
	_ =	sdelay $0x4  }
0x133: {  	[hbm4b:s3+s18] =	stream.indirect_vreg.scatter [tilespmem:s19], [sflag:$0x6], $0x80, v5, vm0, $0xb8;
	v63 =	vld [tilespmem:$0x0]  }
0x134: {  	v4 =	vperm.xlane v4, v3  }
0x135: {  	[hbm4b:s9+s18] =	stream.indirect_vreg.scatter [tilespmem:s29], [sflag:$0x6], $0x80, v5, vm0, $0xb8;
	v63 =	vld [tilespmem:$0x0]  }
0x136: {  	v4 =	vadd.s32 v2, v4  }
0x137: {  	[hbm4b:s10+s18] =	stream.indirect_vreg.scatter [tilespmem:s30], [sflag:$0x6], $0x80, v5, vm0, $0xb8;
	v63 =	vld [tilespmem:$0x0]  }
0x138: {  	_ = 	snop  }
0x139: {  	[hbm4b:s11+s18] =	stream.indirect_vreg.scatter [tilespmem:s31], [sflag:$0x6], $0x80, v5, vm0, $0xb8;
	v63 =	vld [tilespmem:$0x0]  }
0x13a: {  	s19 =	simm.s32 $0x16000  }
0x13b: {  	[hbm4b:s3+s18] =	stream.indirect_vreg.scatter [tilespmem:s19], [sflag:$0x6], $0x80, v4, vm0, $0xb8;
	v63 =	vld [tilespmem:$0x0]  }
0x13c: {  	_ = 	snop  }
0x13d: {  	[hbm4b:s9+s18] =	stream.indirect_vreg.scatter [tilespmem:s4], [sflag:$0x6], $0x80, v4, vm0, $0xb8;
	v63 =	vld [tilespmem:$0x0]  }
0x13e: {  	_ = 	snop  }
0x13f: {  	[hbm4b:s10+s18] =	stream.indirect_vreg.scatter [tilespmem:s5], [sflag:$0x6], $0x80, v4, vm0, $0xb8;
	v63 =	vld [tilespmem:$0x0]  }
0x140: {  	s28 =	simm.s32 $0x3  }
0x141: {  	[hbm4b:s11+s18] =	stream.indirect_vreg.scatter [tilespmem:s1], [sflag:$0x6], $0x80, v4, vm0, $0xb8;
	v63 =	vld [tilespmem:$0x0]  }
0x142: {  	_ =	swait.ge [sflag:s28], $0x4000  }
0x143: {  	[sflag:s28] =	ssyncset.done $0x0  }
0x144: {  	[sflag:s28] =	ssyncadd.s32 $0xFFFFC000  }
0x145: {  	v4 =	vld [tilespmem:s26+$0xA000];
	_ =	sdelay $0x4  }
0x146: {  	v5 =	vshll.u32 v4, $0x3  }
0x147: {  	v4 =	vand.u32 $0x7, v4;
	v5 =	vand.u32 $0xFFFFFFC0, v5  }
0x148: {  	v4 =	vor.u32 v4, v5  }
0x149: {  	v5 =	vperm.xlane v4, v1;
	_ =	sdelay $0x1  }
0x14a: {  	v5 =	vadd.s32 v2, v5;
	_ =	sdelay $0x3  }
0x14b: {  	s29 =	simm.s32 $0x18000  }
0x14c: {  	[hbm4b:s3+s18] =	stream.indirect_vreg.scatter [tilespmem:s29], [sflag:$0x7], $0x80, v5, vm0, $0xb8;
	v63 =	vld [tilespmem:$0x0]  }
0x14d: {  	s30 =	simm.s32 $0x18800;
	v4 =	vperm.xlane v4, v3  }
0x14e: {  	[hbm4b:s9+s18] =	stream.indirect_vreg.scatter [tilespmem:s30], [sflag:$0x7], $0x80, v5, vm0, $0xb8;
	v63 =	vld [tilespmem:$0x0]  }
0x14f: {  	s31 =	simm.s32 $0x19000;
	v4 =	vadd.s32 v2, v4  }
0x150: {  	[hbm4b:s10+s18] =	stream.indirect_vreg.scatter [tilespmem:s31], [sflag:$0x7], $0x80, v5, vm0, $0xb8;
	v63 =	vld [tilespmem:$0x0]  }
0x151: {  	s1 =	simm.s32 $0x19800  }
0x152: {  	[hbm4b:s11+s18] =	stream.indirect_vreg.scatter [tilespmem:s1], [sflag:$0x7], $0x80, v5, vm0, $0xb8;
	v63 =	vld [tilespmem:$0x0]  }
0x153: {  	s4 =	simm.s32 $0x1A000  }
0x154: {  	[hbm4b:s3+s18] =	stream.indirect_vreg.scatter [tilespmem:s4], [sflag:$0x7], $0x80, v4, vm0, $0xb8;
	v63 =	vld [tilespmem:$0x0]  }
0x155: {  	s5 =	simm.s32 $0x1A800  }
0x156: {  	[hbm4b:s9+s18] =	stream.indirect_vreg.scatter [tilespmem:s5], [sflag:$0x7], $0x80, v4, vm0, $0xb8;
	v63 =	vld [tilespmem:$0x0]  }
0x157: {  	s7 =	simm.s32 $0x1B000  }
0x158: {  	[hbm4b:s10+s18] =	stream.indirect_vreg.scatter [tilespmem:s7], [sflag:$0x7], $0x80, v4, vm0, $0xb8;
	v63 =	vld [tilespmem:$0x0]  }
0x159: {  	s16 =	simm.s32 $0x1B800;
	s19 =	simm.s32 $0x4  }
0x15a: {  	[hbm4b:s11+s18] =	stream.indirect_vreg.scatter [tilespmem:s16], [sflag:$0x7], $0x80, v4, vm0, $0xb8;
	v63 =	vld [tilespmem:$0x0]  }
0x15b: {  	_ =	swait.ge [sflag:s19], $0x4000  }
0x15c: {  	[sflag:s19] =	ssyncset.done $0x0  }
0x15d: {  	[sflag:s19] =	ssyncadd.s32 $0xFFFFC000  }
0x15e: {  	v4 =	vld [tilespmem:s15+$0xA000];
	_ =	sdelay $0x4  }
0x15f: {  	v5 =	vshll.u32 v4, $0x3  }
0x160: {  	v4 =	vand.u32 $0x7, v4;
	v5 =	vand.u32 $0xFFFFFFC0, v5  }
0x161: {  	v4 =	vor.u32 v4, v5  }
0x162: {  	v5 =	vperm.xlane v4, v1;
	_ =	sdelay $0x1  }
0x163: {  	v5 =	vadd.s32 v2, v5;
	_ =	sdelay $0x4  }
0x164: {  	[hbm4b:s3+s18] =	stream.indirect_vreg.scatter [tilespmem:s13], [sflag:$0x8], $0x80, v5, vm0, $0xb8;
	v63 =	vld [tilespmem:$0x0]  }
0x165: {  	v4 =	vperm.xlane v4, v3  }
0x166: {  	[hbm4b:s9+s18] =	stream.indirect_vreg.scatter [tilespmem:s14], [sflag:$0x8], $0x80, v5, vm0, $0xb8;
	v63 =	vld [tilespmem:$0x0]  }
0x167: {  	s26 =	simm.s32 $0x1D000;
	v4 =	vadd.s32 v2, v4  }
0x168: {  	[hbm4b:s10+s18] =	stream.indirect_vreg.scatter [tilespmem:s26], [sflag:$0x8], $0x80, v5, vm0, $0xb8;
	v63 =	vld [tilespmem:$0x0]  }
0x169: {  	s28 =	simm.s32 $0x1D800  }
0x16a: {  	[hbm4b:s11+s18] =	stream.indirect_vreg.scatter [tilespmem:s28], [sflag:$0x8], $0x80, v5, vm0, $0xb8;
	v63 =	vld [tilespmem:$0x0]  }
0x16b: {  	s29 =	simm.s32 $0x1E000  }
0x16c: {  	[hbm4b:s3+s18] =	stream.indirect_vreg.scatter [tilespmem:s29], [sflag:$0x8], $0x80, v4, vm0, $0xb8;
	v63 =	vld [tilespmem:$0x0]  }
0x16d: {  	s30 =	simm.s32 $0x1E800  }
0x16e: {  	[hbm4b:s9+s18] =	stream.indirect_vreg.scatter [tilespmem:s30], [sflag:$0x8], $0x80, v4, vm0, $0xb8;
	v63 =	vld [tilespmem:$0x0]  }
0x16f: {  	s31 =	simm.s32 $0x1F000  }
0x170: {  	[hbm4b:s10+s18] =	stream.indirect_vreg.scatter [tilespmem:s31], [sflag:$0x8], $0x80, v4, vm0, $0xb8;
	v63 =	vld [tilespmem:$0x0]  }
0x171: {  	_ = 	snop  }
0x172: {  	[hbm4b:s11+s18] =	stream.indirect_vreg.scatter [tilespmem:s8], [sflag:$0x8], $0x80, v4, vm0, $0xb8;
	v63 =	vld [tilespmem:$0x0]  }
.LBB2_19:
0x173: {  	s15 =	sadd.s32 $0x3, s24  }
0x174: {  	s15 =	sshra.s32 s15, $0x2  }
0x175: {  	p1 =	slt.s32 s15, $0x2  }
.Ltmp14:
0x176: {  	_ = 	snop;
	(pc) =	sbr.rel @p1 .LBB2_22-.Ltmp14, $3  }
0x177: {  	_ =	sdelay $0x1  }
0x178: {  	s13 =	simm.s32 $0x12000;
	s14 =	simm.s32 $0x11800;
	s31 =	simm.s32 $0x11000  }
0x179: {  	s0 =	simm.s32 $0x5;
	s8 =	rddreg [dreg:$0xe];
	s1 =	simm.s32 $0x10000  }
0x17a: {  	s7 =	smov.u32 s12;
	s26 =	sadd.s32 $0xFFFFFFFF, s15;
	s28 =	simm.s32 $0x7  }
.LBB2_21:
0x17b: {  	s15 =	sadd.s32 $0xFFFFFFFD, s28  }
0x17c: {  	s16 =	smov.u32 s25;
	_ =	swait.ge [sflag:s0], $0x4000;
	p1 =	slt.s32 s15, s25  }
0x17d: {  	[sflag:s0] =	ssyncset.done $0x0;
	s16 =	smov.u32 @p1 s15  }
0x17e: {  	[sflag:s0] =	ssyncadd.s32 $0xFFFFC000;
	s29 =	sshll.u32 s16, $0x7  }
0x17f: {  	v4 =	vld [tilespmem:s29+$0x8000];
	_ =	sdelay $0x4  }
0x180: {  	v5 =	vshll.u32 v4, $0x3  }
0x181: {  	v4 =	vand.u32 $0x7, v4;
	v5 =	vand.u32 $0xFFFFFFC0, v5  }
0x182: {  	v4 =	vor.u32 v4, v5  }
0x183: {  	v5 =	vperm.xlane v4, v1;
	_ =	sdelay $0x1  }
0x184: {  	v5 =	vadd.s32 v2, v5;
	_ =	sdelay $0x4  }
0x185: {  	[tilespmem:s1], [sflag:$0x1] =	stream.indirect_vreg.gather [hbm4b:s2+s18], $0x80, v5, vm0, $0xb8;
	v63 =	vld [tilespmem:$0x0]  }
0x186: {  	s12 =	simm.s32 $0x10800;
	v4 =	vperm.xlane v4, v3  }
0x187: {  	[tilespmem:s12], [sflag:$0x1] =	stream.indirect_vreg.gather [hbm4b:s6+s18], $0x80, v5, vm0, $0xb8;
	v63 =	vld [tilespmem:$0x0]  }
0x188: {  	v4 =	vadd.s32 v2, v4  }
0x189: {  	[tilespmem:s31], [sflag:$0x1] =	stream.indirect_vreg.gather [hbm4b:s7+s18], $0x80, v5, vm0, $0xb8;
	v63 =	vld [tilespmem:$0x0]  }
0x18a: {  	_ = 	snop  }
0x18b: {  	[tilespmem:s14], [sflag:$0x1] =	stream.indirect_vreg.gather [hbm4b:s8+s18], $0x80, v5, vm0, $0xb8;
	v63 =	vld [tilespmem:$0x0]  }
0x18c: {  	_ = 	snop  }
0x18d: {  	[tilespmem:s13], [sflag:$0x1] =	stream.indirect_vreg.gather [hbm4b:s2+s18], $0x80, v4, vm0, $0xb8;
	v63 =	vld [tilespmem:$0x0]  }
0x18e: {  	s15 =	simm.s32 $0x12800  }
0x18f: {  	[tilespmem:s15], [sflag:$0x1] =	stream.indirect_vreg.gather [hbm4b:s6+s18], $0x80, v4, vm0, $0xb8;
	v63 =	vld [tilespmem:$0x0]  }
0x190: {  	s30 =	simm.s32 $0x13000  }
0x191: {  	[tilespmem:s30], [sflag:$0x1] =	stream.indirect_vreg.gather [hbm4b:s7+s18], $0x80, v4, vm0, $0xb8;
	v63 =	vld [tilespmem:$0x0]  }
0x192: {  	s0 =	simm.s32 $0x6;
	s16 =	simm.s32 $0x13800;
	s15 =	sadd.s32 $0xFFFFFFFE, s28  }
0x193: {  	[tilespmem:s16], [sflag:$0x1] =	stream.indirect_vreg.gather [hbm4b:s8+s18], $0x80, v4, vm0, $0xb8;
	v63 =	vld [tilespmem:$0x0]  }
0x194: {  	p1 =	slt.s32 s15, s25;
	s16 =	smov.u32 s25;
	_ =	swait.ge [sflag:s0], $0x4000  }
0x195: {  	s16 =	smov.u32 @p1 s15;
	[sflag:s0] =	ssyncset.done $0x0  }
0x196: {  	s30 =	sshll.u32 s16, $0x7;
	[sflag:s0] =	ssyncadd.s32 $0xFFFFC000  }
0x197: {  	v4 =	vld [tilespmem:s30+$0x8000];
	_ =	sdelay $0x4  }
0x198: {  	v5 =	vshll.u32 v4, $0x3  }
0x199: {  	v4 =	vand.u32 $0x7, v4;
	v5 =	vand.u32 $0xFFFFFFC0, v5  }
0x19a: {  	v4 =	vor.u32 v4, v5  }
0x19b: {  	v5 =	vperm.xlane v4, v1;
	_ =	sdelay $0x1  }
0x19c: {  	v5 =	vadd.s32 v2, v5;
	_ =	sdelay $0x3  }
0x19d: {  	s5 =	simm.s32 $0x14000  }
0x19e: {  	[tilespmem:s5], [sflag:$0x2] =	stream.indirect_vreg.gather [hbm4b:s2+s18], $0x80, v5, vm0, $0xb8;
	v63 =	vld [tilespmem:$0x0]  }
0x19f: {  	v4 =	vperm.xlane v4, v3;
	s5 =	simm.s32 $0x14800  }
0x1a0: {  	[tilespmem:s5], [sflag:$0x2] =	stream.indirect_vreg.gather [hbm4b:s6+s18], $0x80, v5, vm0, $0xb8;
	v63 =	vld [tilespmem:$0x0]  }
0x1a1: {  	s1 =	simm.s32 $0x15000;
	v4 =	vadd.s32 v2, v4  }
0x1a2: {  	[tilespmem:s1], [sflag:$0x2] =	stream.indirect_vreg.gather [hbm4b:s7+s18], $0x80, v5, vm0, $0xb8;
	v63 =	vld [tilespmem:$0x0]  }
0x1a3: {  	s1 =	simm.s32 $0x15800  }
0x1a4: {  	[tilespmem:s1], [sflag:$0x2] =	stream.indirect_vreg.gather [hbm4b:s8+s18], $0x80, v5, vm0, $0xb8;
	v63 =	vld [tilespmem:$0x0]  }
0x1a5: {  	s24 =	simm.s32 $0x16000  }
0x1a6: {  	[tilespmem:s24], [sflag:$0x2] =	stream.indirect_vreg.gather [hbm4b:s2+s18], $0x80, v4, vm0, $0xb8;
	v63 =	vld [tilespmem:$0x0]  }
0x1a7: {  	s24 =	simm.s32 $0x16800  }
0x1a8: {  	[tilespmem:s24], [sflag:$0x2] =	stream.indirect_vreg.gather [hbm4b:s6+s18], $0x80, v4, vm0, $0xb8;
	v63 =	vld [tilespmem:$0x0]  }
0x1a9: {  	s4 =	simm.s32 $0x17000  }
0x1aa: {  	[tilespmem:s4], [sflag:$0x2] =	stream.indirect_vreg.gather [hbm4b:s7+s18], $0x80, v4, vm0, $0xb8;
	v63 =	vld [tilespmem:$0x0]  }
0x1ab: {  	s15 =	sadd.s32 $0xFFFFFFFF, s28;
	s0 =	simm.s32 $0x7;
	s4 =	simm.s32 $0x17800  }
0x1ac: {  	[tilespmem:s4], [sflag:$0x2] =	stream.indirect_vreg.gather [hbm4b:s8+s18], $0x80, v4, vm0, $0xb8;
	v63 =	vld [tilespmem:$0x0]  }
0x1ad: {  	p1 =	slt.s32 s15, s25;
	s16 =	smov.u32 s25;
	_ =	swait.ge [sflag:s0], $0x4000  }
0x1ae: {  	s16 =	smov.u32 @p1 s15;
	[sflag:s0] =	ssyncset.done $0x0  }
0x1af: {  	s15 =	sshll.u32 s16, $0x7;
	[sflag:s0] =	ssyncadd.s32 $0xFFFFC000  }
0x1b0: {  	v4 =	vld [tilespmem:s15+$0x8000];
	_ =	sdelay $0x4  }
0x1b1: {  	v5 =	vshll.u32 v4, $0x3  }
0x1b2: {  	v4 =	vand.u32 $0x7, v4;
	v5 =	vand.u32 $0xFFFFFFC0, v5  }
0x1b3: {  	v4 =	vor.u32 v4, v5  }
0x1b4: {  	v5 =	vperm.xlane v4, v1;
	_ =	sdelay $0x1  }
0x1b5: {  	v5 =	vadd.s32 v2, v5;
	_ =	sdelay $0x3  }
0x1b6: {  	s19 =	simm.s32 $0x18000  }
0x1b7: {  	[tilespmem:s19], [sflag:$0x3] =	stream.indirect_vreg.gather [hbm4b:s2+s18], $0x80, v5, vm0, $0xb8;
	v63 =	vld [tilespmem:$0x0]  }
0x1b8: {  	v4 =	vperm.xlane v4, v3;
	s19 =	simm.s32 $0x18800  }
0x1b9: {  	[tilespmem:s19], [sflag:$0x3] =	stream.indirect_vreg.gather [hbm4b:s6+s18], $0x80, v5, vm0, $0xb8;
	v63 =	vld [tilespmem:$0x0]  }
0x1ba: {  	s12 =	simm.s32 $0x19000;
	v4 =	vadd.s32 v2, v4  }
0x1bb: {  	[tilespmem:s12], [sflag:$0x3] =	stream.indirect_vreg.gather [hbm4b:s7+s18], $0x80, v5, vm0, $0xb8;
	v63 =	vld [tilespmem:$0x0]  }
0x1bc: {  	s13 =	simm.s32 $0x19800  }
0x1bd: {  	[tilespmem:s13], [sflag:$0x3] =	stream.indirect_vreg.gather [hbm4b:s8+s18], $0x80, v5, vm0, $0xb8;
	v63 =	vld [tilespmem:$0x0]  }
0x1be: {  	s14 =	simm.s32 $0x1A000  }
0x1bf: {  	[tilespmem:s14], [sflag:$0x3] =	stream.indirect_vreg.gather [hbm4b:s2+s18], $0x80, v4, vm0, $0xb8;
	v63 =	vld [tilespmem:$0x0]  }
0x1c0: {  	s14 =	simm.s32 $0x1A800  }
0x1c1: {  	[tilespmem:s14], [sflag:$0x3] =	stream.indirect_vreg.gather [hbm4b:s6+s18], $0x80, v4, vm0, $0xb8;
	v63 =	vld [tilespmem:$0x0]  }
0x1c2: {  	s31 =	simm.s32 $0x1B000  }
0x1c3: {  	[tilespmem:s31], [sflag:$0x3] =	stream.indirect_vreg.gather [hbm4b:s7+s18], $0x80, v4, vm0, $0xb8;
	v63 =	vld [tilespmem:$0x0]  }
0x1c4: {  	s16 =	simm.s32 $0x1B800;
	s12 =	simm.s32 $0x8  }
0x1c5: {  	[tilespmem:s16], [sflag:$0x3] =	stream.indirect_vreg.gather [hbm4b:s8+s18], $0x80, v4, vm0, $0xb8;
	v63 =	vld [tilespmem:$0x0]  }
0x1c6: {  	p1 =	slt.s32 s28, s25;
	s16 =	smov.u32 s25;
	_ =	swait.ge [sflag:s12], $0x4000  }
0x1c7: {  	s16 =	smov.u32 @p1 s28;
	[sflag:s12] =	ssyncset.done $0x0  }
0x1c8: {  	s16 =	sshll.u32 s16, $0x7;
	[sflag:s12] =	ssyncadd.s32 $0xFFFFC000  }
0x1c9: {  	v4 =	vld [tilespmem:s16+$0x8000];
	_ =	sdelay $0x4  }
0x1ca: {  	v5 =	vshll.u32 v4, $0x3  }
0x1cb: {  	v4 =	vand.u32 $0x7, v4;
	v5 =	vand.u32 $0xFFFFFFC0, v5  }
0x1cc: {  	v4 =	vor.u32 v4, v5  }
0x1cd: {  	v5 =	vperm.xlane v4, v1;
	_ =	sdelay $0x1  }
0x1ce: {  	v5 =	vadd.s32 v2, v5;
	_ =	sdelay $0x3  }
0x1cf: {  	s13 =	simm.s32 $0x1C000  }
0x1d0: {  	[tilespmem:s13], [sflag:$0x4] =	stream.indirect_vreg.gather [hbm4b:s2+s18], $0x80, v5, vm0, $0xb8;
	v63 =	vld [tilespmem:$0x0]  }
0x1d1: {  	s14 =	simm.s32 $0x1C800;
	v4 =	vperm.xlane v4, v3  }
0x1d2: {  	[tilespmem:s14], [sflag:$0x4] =	stream.indirect_vreg.gather [hbm4b:s6+s18], $0x80, v5, vm0, $0xb8;
	v63 =	vld [tilespmem:$0x0]  }
0x1d3: {  	s12 =	simm.s32 $0x1D000;
	v4 =	vadd.s32 v2, v4  }
0x1d4: {  	[tilespmem:s12], [sflag:$0x4] =	stream.indirect_vreg.gather [hbm4b:s7+s18], $0x80, v5, vm0, $0xb8;
	v63 =	vld [tilespmem:$0x0]  }
0x1d5: {  	s13 =	simm.s32 $0x1D800  }
0x1d6: {  	[tilespmem:s13], [sflag:$0x4] =	stream.indirect_vreg.gather [hbm4b:s8+s18], $0x80, v5, vm0, $0xb8;
	v63 =	vld [tilespmem:$0x0]  }
0x1d7: {  	s14 =	simm.s32 $0x1E000  }
0x1d8: {  	[tilespmem:s14], [sflag:$0x4] =	stream.indirect_vreg.gather [hbm4b:s2+s18], $0x80, v4, vm0, $0xb8;
	v63 =	vld [tilespmem:$0x0]  }
0x1d9: {  	s12 =	simm.s32 $0x1E800  }
0x1da: {  	[tilespmem:s12], [sflag:$0x4] =	stream.indirect_vreg.gather [hbm4b:s6+s18], $0x80, v4, vm0, $0xb8;
	v63 =	vld [tilespmem:$0x0]  }
0x1db: {  	s13 =	simm.s32 $0x1F000  }
0x1dc: {  	[tilespmem:s13], [sflag:$0x4] =	stream.indirect_vreg.gather [hbm4b:s7+s18], $0x80, v4, vm0, $0xb8;
	v63 =	vld [tilespmem:$0x0]  }
0x1dd: {  	s14 =	simm.s32 $0x1F800;
	s12 =	simm.s32 $0x1  }
0x1de: {  	[tilespmem:s14], [sflag:$0x4] =	stream.indirect_vreg.gather [hbm4b:s8+s18], $0x80, v4, vm0, $0xb8;
	v63 =	vld [tilespmem:$0x0]  }
0x1df: {  	_ =	swait.ge [sflag:s12], $0x4000  }
0x1e0: {  	[sflag:s12] =	ssyncset.done $0x0  }
0x1e1: {  	[sflag:s12] =	ssyncadd.s32 $0xFFFFC000  }
0x1e2: {  	v4 =	vld [tilespmem:s29+$0xA000];
	_ =	sdelay $0x4  }
0x1e3: {  	v5 =	vshll.u32 v4, $0x3  }
0x1e4: {  	v4 =	vand.u32 $0x7, v4;
	v5 =	vand.u32 $0xFFFFFFC0, v5  }
0x1e5: {  	v4 =	vor.u32 v4, v5  }
0x1e6: {  	v5 =	vperm.xlane v4, v1;
	_ =	sdelay $0x1  }
0x1e7: {  	v5 =	vadd.s32 v2, v5;
	_ =	sdelay $0x3  }
0x1e8: {  	s14 =	simm.s32 $0x10000  }
0x1e9: {  	[hbm4b:s3+s18] =	stream.indirect_vreg.scatter [tilespmem:s14], [sflag:$0x5], $0x80, v5, vm0, $0xb8;
	v63 =	vld [tilespmem:$0x0]  }
0x1ea: {  	s13 =	simm.s32 $0x10800;
	v4 =	vperm.xlane v4, v3  }
0x1eb: {  	[hbm4b:s9+s18] =	stream.indirect_vreg.scatter [tilespmem:s13], [sflag:$0x5], $0x80, v5, vm0, $0xb8;
	v63 =	vld [tilespmem:$0x0]  }
0x1ec: {  	s12 =	simm.s32 $0x11000;
	v4 =	vadd.s32 v2, v4  }
0x1ed: {  	[hbm4b:s10+s18] =	stream.indirect_vreg.scatter [tilespmem:s12], [sflag:$0x5], $0x80, v5, vm0, $0xb8;
	v63 =	vld [tilespmem:$0x0]  }
0x1ee: {  	s13 =	simm.s32 $0x11800  }
0x1ef: {  	[hbm4b:s11+s18] =	stream.indirect_vreg.scatter [tilespmem:s13], [sflag:$0x5], $0x80, v5, vm0, $0xb8;
	v63 =	vld [tilespmem:$0x0]  }
0x1f0: {  	s14 =	simm.s32 $0x12000  }
0x1f1: {  	[hbm4b:s3+s18] =	stream.indirect_vreg.scatter [tilespmem:s14], [sflag:$0x5], $0x80, v4, vm0, $0xb8;
	v63 =	vld [tilespmem:$0x0]  }
0x1f2: {  	s13 =	simm.s32 $0x12800  }
0x1f3: {  	[hbm4b:s9+s18] =	stream.indirect_vreg.scatter [tilespmem:s13], [sflag:$0x5], $0x80, v4, vm0, $0xb8;
	v63 =	vld [tilespmem:$0x0]  }
0x1f4: {  	s29 =	simm.s32 $0x13000  }
0x1f5: {  	[hbm4b:s10+s18] =	stream.indirect_vreg.scatter [tilespmem:s29], [sflag:$0x5], $0x80, v4, vm0, $0xb8;
	v63 =	vld [tilespmem:$0x0]  }
0x1f6: {  	s0 =	simm.s32 $0x13800;
	s12 =	simm.s32 $0x2  }
0x1f7: {  	[hbm4b:s11+s18] =	stream.indirect_vreg.scatter [tilespmem:s0], [sflag:$0x5], $0x80, v4, vm0, $0xb8;
	v63 =	vld [tilespmem:$0x0]  }
0x1f8: {  	_ =	swait.ge [sflag:s12], $0x4000  }
0x1f9: {  	[sflag:s12] =	ssyncset.done $0x0  }
0x1fa: {  	[sflag:s12] =	ssyncadd.s32 $0xFFFFC000  }
0x1fb: {  	v4 =	vld [tilespmem:s30+$0xA000];
	_ =	sdelay $0x4  }
0x1fc: {  	v5 =	vshll.u32 v4, $0x3  }
0x1fd: {  	v4 =	vand.u32 $0x7, v4;
	v5 =	vand.u32 $0xFFFFFFC0, v5  }
0x1fe: {  	v4 =	vor.u32 v4, v5  }
0x1ff: {  	v5 =	vperm.xlane v4, v1;
	_ =	sdelay $0x1  }
0x200: {  	v5 =	vadd.s32 v2, v5;
	_ =	sdelay $0x3  }
0x201: {  	s29 =	simm.s32 $0x14000  }
0x202: {  	[hbm4b:s3+s18] =	stream.indirect_vreg.scatter [tilespmem:s29], [sflag:$0x6], $0x80, v5, vm0, $0xb8;
	v63 =	vld [tilespmem:$0x0]  }
0x203: {  	v4 =	vperm.xlane v4, v3  }
0x204: {  	[hbm4b:s9+s18] =	stream.indirect_vreg.scatter [tilespmem:s5], [sflag:$0x6], $0x80, v5, vm0, $0xb8;
	v63 =	vld [tilespmem:$0x0]  }
0x205: {  	s30 =	simm.s32 $0x15000;
	v4 =	vadd.s32 v2, v4  }
0x206: {  	[hbm4b:s10+s18] =	stream.indirect_vreg.scatter [tilespmem:s30], [sflag:$0x6], $0x80, v5, vm0, $0xb8;
	v63 =	vld [tilespmem:$0x0]  }
0x207: {  	_ = 	snop  }
0x208: {  	[hbm4b:s11+s18] =	stream.indirect_vreg.scatter [tilespmem:s1], [sflag:$0x6], $0x80, v5, vm0, $0xb8;
	v63 =	vld [tilespmem:$0x0]  }
0x209: {  	s12 =	simm.s32 $0x16000  }
0x20a: {  	[hbm4b:s3+s18] =	stream.indirect_vreg.scatter [tilespmem:s12], [sflag:$0x6], $0x80, v4, vm0, $0xb8;
	v63 =	vld [tilespmem:$0x0]  }
0x20b: {  	_ = 	snop  }
0x20c: {  	[hbm4b:s9+s18] =	stream.indirect_vreg.scatter [tilespmem:s24], [sflag:$0x6], $0x80, v4, vm0, $0xb8;
	v63 =	vld [tilespmem:$0x0]  }
0x20d: {  	s30 =	simm.s32 $0x17000  }
0x20e: {  	[hbm4b:s10+s18] =	stream.indirect_vreg.scatter [tilespmem:s30], [sflag:$0x6], $0x80, v4, vm0, $0xb8;
	v63 =	vld [tilespmem:$0x0]  }
0x20f: {  	s29 =	simm.s32 $0x3  }
0x210: {  	[hbm4b:s11+s18] =	stream.indirect_vreg.scatter [tilespmem:s4], [sflag:$0x6], $0x80, v4, vm0, $0xb8;
	v63 =	vld [tilespmem:$0x0]  }
0x211: {  	_ =	swait.ge [sflag:s29], $0x4000  }
0x212: {  	[sflag:s29] =	ssyncset.done $0x0  }
0x213: {  	[sflag:s29] =	ssyncadd.s32 $0xFFFFC000  }
0x214: {  	v4 =	vld [tilespmem:s15+$0xA000];
	_ =	sdelay $0x4  }
0x215: {  	v5 =	vshll.u32 v4, $0x3  }
0x216: {  	v4 =	vand.u32 $0x7, v4;
	v5 =	vand.u32 $0xFFFFFFC0, v5  }
0x217: {  	v4 =	vor.u32 v4, v5  }
0x218: {  	v5 =	vperm.xlane v4, v1;
	_ =	sdelay $0x1  }
0x219: {  	v5 =	vadd.s32 v2, v5;
	_ =	sdelay $0x3  }
0x21a: {  	s5 =	simm.s32 $0x18000  }
0x21b: {  	[hbm4b:s3+s18] =	stream.indirect_vreg.scatter [tilespmem:s5], [sflag:$0x7], $0x80, v5, vm0, $0xb8;
	v63 =	vld [tilespmem:$0x0]  }
0x21c: {  	v4 =	vperm.xlane v4, v3  }
0x21d: {  	[hbm4b:s9+s18] =	stream.indirect_vreg.scatter [tilespmem:s19], [sflag:$0x7], $0x80, v5, vm0, $0xb8;
	v63 =	vld [tilespmem:$0x0]  }
0x21e: {  	s15 =	simm.s32 $0x19000;
	v4 =	vadd.s32 v2, v4  }
0x21f: {  	[hbm4b:s10+s18] =	stream.indirect_vreg.scatter [tilespmem:s15], [sflag:$0x7], $0x80, v5, vm0, $0xb8;
	v63 =	vld [tilespmem:$0x0]  }
0x220: {  	s19 =	simm.s32 $0x19800  }
0x221: {  	[hbm4b:s11+s18] =	stream.indirect_vreg.scatter [tilespmem:s19], [sflag:$0x7], $0x80, v5, vm0, $0xb8;
	v63 =	vld [tilespmem:$0x0]  }
0x222: {  	s24 =	simm.s32 $0x1A000  }
0x223: {  	[hbm4b:s3+s18] =	stream.indirect_vreg.scatter [tilespmem:s24], [sflag:$0x7], $0x80, v4, vm0, $0xb8;
	v63 =	vld [tilespmem:$0x0]  }
0x224: {  	s29 =	simm.s32 $0x1A800  }
0x225: {  	[hbm4b:s9+s18] =	stream.indirect_vreg.scatter [tilespmem:s29], [sflag:$0x7], $0x80, v4, vm0, $0xb8;
	v63 =	vld [tilespmem:$0x0]  }
0x226: {  	s30 =	simm.s32 $0x1B000  }
0x227: {  	[hbm4b:s10+s18] =	stream.indirect_vreg.scatter [tilespmem:s30], [sflag:$0x7], $0x80, v4, vm0, $0xb8;
	v63 =	vld [tilespmem:$0x0]  }
0x228: {  	s12 =	simm.s32 $0x4;
	s4 =	simm.s32 $0x1B800  }
0x229: {  	[hbm4b:s11+s18] =	stream.indirect_vreg.scatter [tilespmem:s4], [sflag:$0x7], $0x80, v4, vm0, $0xb8;
	v63 =	vld [tilespmem:$0x0]  }
0x22a: {  	_ =	swait.ge [sflag:s12], $0x4000  }
0x22b: {  	[sflag:s12] =	ssyncset.done $0x0  }
0x22c: {  	[sflag:s12] =	ssyncadd.s32 $0xFFFFC000  }
0x22d: {  	v4 =	vld [tilespmem:s16+$0xA000];
	_ =	sdelay $0x4  }
0x22e: {  	v5 =	vshll.u32 v4, $0x3  }
0x22f: {  	v4 =	vand.u32 $0x7, v4;
	v5 =	vand.u32 $0xFFFFFFC0, v5  }
0x230: {  	v4 =	vor.u32 v4, v5  }
0x231: {  	v5 =	vperm.xlane v4, v1;
	_ =	sdelay $0x1  }
0x232: {  	v5 =	vadd.s32 v2, v5;
	_ =	sdelay $0x3  }
0x233: {  	s5 =	simm.s32 $0x1C000  }
0x234: {  	[hbm4b:s3+s18] =	stream.indirect_vreg.scatter [tilespmem:s5], [sflag:$0x8], $0x80, v5, vm0, $0xb8;
	v63 =	vld [tilespmem:$0x0]  }
0x235: {  	s12 =	simm.s32 $0x1C800;
	v4 =	vperm.xlane v4, v3  }
0x236: {  	[hbm4b:s9+s18] =	stream.indirect_vreg.scatter [tilespmem:s12], [sflag:$0x8], $0x80, v5, vm0, $0xb8;
	v63 =	vld [tilespmem:$0x0]  }
0x237: {  	s15 =	simm.s32 $0x1D000;
	v4 =	vadd.s32 v2, v4  }
0x238: {  	[hbm4b:s10+s18] =	stream.indirect_vreg.scatter [tilespmem:s15], [sflag:$0x8], $0x80, v5, vm0, $0xb8;
	v63 =	vld [tilespmem:$0x0]  }
0x239: {  	s16 =	simm.s32 $0x1D800  }
0x23a: {  	[hbm4b:s11+s18] =	stream.indirect_vreg.scatter [tilespmem:s16], [sflag:$0x8], $0x80, v5, vm0, $0xb8;
	v63 =	vld [tilespmem:$0x0]  }
0x23b: {  	s19 =	simm.s32 $0x1E000  }
0x23c: {  	[hbm4b:s3+s18] =	stream.indirect_vreg.scatter [tilespmem:s19], [sflag:$0x8], $0x80, v4, vm0, $0xb8;
	v63 =	vld [tilespmem:$0x0]  }
0x23d: {  	s31 =	simm.s32 $0x11000;
	p1 =	sne.s32 s26, $0x1;
	s24 =	simm.s32 $0x1E800  }
0x23e: {  	[hbm4b:s9+s18] =	stream.indirect_vreg.scatter [tilespmem:s24], [sflag:$0x8], $0x80, v4, vm0, $0xb8;
	v63 =	vld [tilespmem:$0x0]  }
.Ltmp15:
0x23f: {  	s28 =	sadd.s32 $0x4, s28;
	s26 =	sadd.s32 $0xFFFFFFFF, s26;
	(pc) =	sbr.rel @p1 .LBB2_21-.Ltmp15, $4  }
0x240: {  	s14 =	simm.s32 $0x11800;
	s13 =	simm.s32 $0x12000;
	s29 =	simm.s32 $0x1F000  }
0x241: {  	[hbm4b:s10+s18] =	stream.indirect_vreg.scatter [tilespmem:s29], [sflag:$0x8], $0x80, v4, vm0, $0xb8;
	v63 =	vld [tilespmem:$0x0]  }
0x242: {  	s0 =	simm.s32 $0x5;
	s1 =	simm.s32 $0x10000;
	s30 =	simm.s32 $0x1F800  }
0x243: {  	[hbm4b:s11+s18] =	stream.indirect_vreg.scatter [tilespmem:s30], [sflag:$0x8], $0x80, v4, vm0, $0xb8;
	v63 =	vld [tilespmem:$0x0]  }
.LBB2_22:
0x244: {  	s15 =	simm.s32 @!p2 $0x5  }
0x245: {  	_ =	swait.ge @!p2 [sflag:s15], $0x4000  }
0x246: {  	[sflag:s15] =	ssyncset.done @!p2 $0x0  }
0x247: {  	[sflag:s15] =	ssyncadd.s32 @!p2 $0xFFFFC000;
	s15 =	simm.s32 @!p2 $0x6  }
0x248: {  	_ =	swait.ge @!p2 [sflag:s15], $0x4000  }
0x249: {  	[sflag:s15] =	ssyncset.done @!p2 $0x0  }
0x24a: {  	[sflag:s15] =	ssyncadd.s32 @!p2 $0xFFFFC000;
	s15 =	simm.s32 @!p2 $0x7  }
0x24b: {  	_ =	swait.ge @!p2 [sflag:s15], $0x4000  }
0x24c: {  	[sflag:s15] =	ssyncset.done @!p2 $0x0  }
0x24d: {  	[sflag:s15] =	ssyncadd.s32 @!p2 $0xFFFFC000;
	s15 =	simm.s32 @!p2 $0x8  }
0x24e: {  	_ =	swait.ge @!p2 [sflag:s15], $0x4000  }
0x24f: {  	s1 =	rddreg [dreg:$0xc]  }
0x250: {  	p1 =	slt.s32 s1, $0x1  }
.Ltmp16:
0x251: {  	_ = 	snop;
	(pc) =	sbr.rel @p1 .LBB2_24-.Ltmp16, $4  }
0x252: {  	_ = 	snop  }
0x253: {  	s13 =	rddreg [dreg:$0x9]  }
0x254: {  	[sflag:s15] =	ssyncset.done @!p2 $0x0;
	s14 =	rddreg [dreg:$0xd]  }
0x255: {  	s12 =	rddreg [dreg:$0xf];
	[sflag:s15] =	ssyncadd.s32 @!p2 $0xFFFFC000;
	s25 =	sadd.s32 $0xFFFFFFFF, s1  }
0x256: {  	v4 =	vld [tilespmem:$0xC000];
	_ =	sdelay $0x4  }
0x257: {  	v5 =	vshll.u32 v4, $0x3  }
0x258: {  	v4 =	vand.u32 $0x7, v4;
	v5 =	vand.u32 $0xFFFFFFC0, v5  }
0x259: {  	v4 =	vor.u32 v4, v5  }
0x25a: {  	v5 =	vperm.xlane v4, v1;
	_ =	sdelay $0x1  }
0x25b: {  	v5 =	vadd.s32 v2, v5;
	_ =	sdelay $0x3  }
0x25c: {  	s2 =	rddreg [dreg:$0x1];
	s7 =	simm.s32 $0x10000  }
0x25d: {  	[tilespmem:s7], [sflag:$0x1] =	stream.indirect_vreg.gather [hbm4b:s2+s18], $0x80, v5, vm0, $0xb8;
	v63 =	vld [tilespmem:$0x0]  }
0x25e: {  	s24 =	simm.s32 $0x10800;
	v4 =	vperm.xlane v4, v3  }
0x25f: {  	[tilespmem:s24], [sflag:$0x1] =	stream.indirect_vreg.gather [hbm4b:s13+s18], $0x80, v5, vm0, $0xb8;
	v63 =	vld [tilespmem:$0x0]  }
0x260: {  	s0 =	simm.s32 $0x11000;
	v4 =	vadd.s32 v2, v4  }
0x261: {  	[tilespmem:s0], [sflag:$0x1] =	stream.indirect_vreg.gather [hbm4b:s14+s18], $0x80, v5, vm0, $0xb8;
	v63 =	vld [tilespmem:$0x0]  }
0x262: {  	s19 =	simm.s32 $0x11800  }
0x263: {  	[tilespmem:s19], [sflag:$0x1] =	stream.indirect_vreg.gather [hbm4b:s12+s18], $0x80, v5, vm0, $0xb8;
	v63 =	vld [tilespmem:$0x0]  }
0x264: {  	s4 =	simm.s32 $0x12000  }
0x265: {  	[tilespmem:s4], [sflag:$0x1] =	stream.indirect_vreg.gather [hbm4b:s2+s18], $0x80, v4, vm0, $0xb8;
	v63 =	vld [tilespmem:$0x0]  }
0x266: {  	s5 =	simm.s32 $0x12800  }
0x267: {  	[tilespmem:s5], [sflag:$0x1] =	stream.indirect_vreg.gather [hbm4b:s13+s18], $0x80, v4, vm0, $0xb8;
	v63 =	vld [tilespmem:$0x0]  }
0x268: {  	p2 =	seq.s32 s25, $0x0;
	s16 =	simm.s32 $0x0;
	s19 =	simm.s32 $0x13000  }
0x269: {  	[tilespmem:s19], [sflag:$0x1] =	stream.indirect_vreg.gather [hbm4b:s14+s18], $0x80, v4, vm0, $0xb8;
	v63 =	vld [tilespmem:$0x0]  }
0x26a: {  	s26 =	simm.s32 $0x13800;
	s16 =	simm.s32 @!p2 $0x80  }
0x26b: {  	[tilespmem:s26], [sflag:$0x1] =	stream.indirect_vreg.gather [hbm4b:s12+s18], $0x80, v4, vm0, $0xb8;
	v63 =	vld [tilespmem:$0x0]  }
0x26c: {  	v4 =	vld [tilespmem:s16+$0xC000];
	_ =	sdelay $0x4  }
0x26d: {  	v5 =	vshll.u32 v4, $0x3  }
0x26e: {  	v4 =	vand.u32 $0x7, v4;
	v5 =	vand.u32 $0xFFFFFFC0, v5  }
0x26f: {  	v4 =	vor.u32 v4, v5  }
0x270: {  	v5 =	vperm.xlane v4, v1;
	_ =	sdelay $0x1  }
0x271: {  	v5 =	vadd.s32 v2, v5;
	_ =	sdelay $0x3  }
0x272: {  	s29 =	simm.s32 $0x14000  }
0x273: {  	[tilespmem:s29], [sflag:$0x2] =	stream.indirect_vreg.gather [hbm4b:s2+s18], $0x80, v5, vm0, $0xb8;
	v63 =	vld [tilespmem:$0x0]  }
0x274: {  	s30 =	simm.s32 $0x14800;
	v4 =	vperm.xlane v4, v3  }
0x275: {  	[tilespmem:s30], [sflag:$0x2] =	stream.indirect_vreg.gather [hbm4b:s13+s18], $0x80, v5, vm0, $0xb8;
	v63 =	vld [tilespmem:$0x0]  }
0x276: {  	s31 =	simm.s32 $0x15000;
	v4 =	vadd.s32 v2, v4  }
0x277: {  	[tilespmem:s31], [sflag:$0x2] =	stream.indirect_vreg.gather [hbm4b:s14+s18], $0x80, v5, vm0, $0xb8;
	v63 =	vld [tilespmem:$0x0]  }
0x278: {  	s28 =	simm.s32 $0x15800  }
0x279: {  	[tilespmem:s28], [sflag:$0x2] =	stream.indirect_vreg.gather [hbm4b:s12+s18], $0x80, v5, vm0, $0xb8;
	v63 =	vld [tilespmem:$0x0]  }
0x27a: {  	s1 =	simm.s32 $0x16000  }
0x27b: {  	[tilespmem:s1], [sflag:$0x2] =	stream.indirect_vreg.gather [hbm4b:s2+s18], $0x80, v4, vm0, $0xb8;
	v63 =	vld [tilespmem:$0x0]  }
0x27c: {  	s6 =	simm.s32 $0x16800  }
0x27d: {  	[tilespmem:s6], [sflag:$0x2] =	stream.indirect_vreg.gather [hbm4b:s13+s18], $0x80, v4, vm0, $0xb8;
	v63 =	vld [tilespmem:$0x0]  }
0x27e: {  	s8 =	simm.s32 $0x17000;
	s15 =	smin.u32 s25, $0x2  }
0x27f: {  	[tilespmem:s8], [sflag:$0x2] =	stream.indirect_vreg.gather [hbm4b:s14+s18], $0x80, v4, vm0, $0xb8;
	v63 =	vld [tilespmem:$0x0]  }
0x280: {  	s26 =	sshll.u32 s15, $0x7;
	s1 =	simm.s32 $0x17800  }
0x281: {  	[tilespmem:s1], [sflag:$0x2] =	stream.indirect_vreg.gather [hbm4b:s12+s18], $0x80, v4, vm0, $0xb8;
	v63 =	vld [tilespmem:$0x0]  }
0x282: {  	v4 =	vld [tilespmem:s26+$0xC000];
	_ =	sdelay $0x4  }
0x283: {  	v5 =	vshll.u32 v4, $0x3  }
0x284: {  	v4 =	vand.u32 $0x7, v4;
	v5 =	vand.u32 $0xFFFFFFC0, v5  }
0x285: {  	v4 =	vor.u32 v4, v5  }
0x286: {  	v5 =	vperm.xlane v4, v1;
	_ =	sdelay $0x1  }
0x287: {  	v5 =	vadd.s32 v2, v5;
	_ =	sdelay $0x3  }
0x288: {  	s15 =	simm.s32 $0x18000  }
0x289: {  	[tilespmem:s15], [sflag:$0x3] =	stream.indirect_vreg.gather [hbm4b:s2+s18], $0x80, v5, vm0, $0xb8;
	v63 =	vld [tilespmem:$0x0]  }
0x28a: {  	s28 =	simm.s32 $0x18800;
	v4 =	vperm.xlane v4, v3  }
0x28b: {  	[tilespmem:s28], [sflag:$0x3] =	stream.indirect_vreg.gather [hbm4b:s13+s18], $0x80, v5, vm0, $0xb8;
	v63 =	vld [tilespmem:$0x0]  }
0x28c: {  	s6 =	simm.s32 $0x19000;
	v4 =	vadd.s32 v2, v4  }
0x28d: {  	[tilespmem:s6], [sflag:$0x3] =	stream.indirect_vreg.gather [hbm4b:s14+s18], $0x80, v5, vm0, $0xb8;
	v63 =	vld [tilespmem:$0x0]  }
0x28e: {  	s8 =	simm.s32 $0x19800  }
0x28f: {  	[tilespmem:s8], [sflag:$0x3] =	stream.indirect_vreg.gather [hbm4b:s12+s18], $0x80, v5, vm0, $0xb8;
	v63 =	vld [tilespmem:$0x0]  }
0x290: {  	s15 =	simm.s32 $0x1A000  }
0x291: {  	[tilespmem:s15], [sflag:$0x3] =	stream.indirect_vreg.gather [hbm4b:s2+s18], $0x80, v4, vm0, $0xb8;
	v63 =	vld [tilespmem:$0x0]  }
0x292: {  	s28 =	simm.s32 $0x1A800  }
0x293: {  	[tilespmem:s28], [sflag:$0x3] =	stream.indirect_vreg.gather [hbm4b:s13+s18], $0x80, v4, vm0, $0xb8;
	v63 =	vld [tilespmem:$0x0]  }
0x294: {  	s6 =	simm.s32 $0x1B000;
	s8 =	smin.u32 s25, $0x3  }
0x295: {  	[tilespmem:s6], [sflag:$0x3] =	stream.indirect_vreg.gather [hbm4b:s14+s18], $0x80, v4, vm0, $0xb8;
	v63 =	vld [tilespmem:$0x0]  }
0x296: {  	s15 =	sshll.u32 s8, $0x7;
	s28 =	simm.s32 $0x1B800  }
0x297: {  	[tilespmem:s28], [sflag:$0x3] =	stream.indirect_vreg.gather [hbm4b:s12+s18], $0x80, v4, vm0, $0xb8;
	v63 =	vld [tilespmem:$0x0]  }
0x298: {  	v4 =	vld [tilespmem:s15+$0xC000];
	_ =	sdelay $0x4  }
0x299: {  	v5 =	vshll.u32 v4, $0x3  }
0x29a: {  	v4 =	vand.u32 $0x7, v4;
	v5 =	vand.u32 $0xFFFFFFC0, v5  }
0x29b: {  	v4 =	vor.u32 v4, v5  }
0x29c: {  	v5 =	vperm.xlane v4, v1;
	_ =	sdelay $0x1  }
0x29d: {  	v5 =	vadd.s32 v2, v5;
	_ =	sdelay $0x3  }
0x29e: {  	s6 =	simm.s32 $0x1C000  }
0x29f: {  	[tilespmem:s6], [sflag:$0x4] =	stream.indirect_vreg.gather [hbm4b:s2+s18], $0x80, v5, vm0, $0xb8;
	v63 =	vld [tilespmem:$0x0]  }
0x2a0: {  	s8 =	simm.s32 $0x1C800;
	v4 =	vperm.xlane v4, v3  }
0x2a1: {  	[tilespmem:s8], [sflag:$0x4] =	stream.indirect_vreg.gather [hbm4b:s13+s18], $0x80, v5, vm0, $0xb8;
	v63 =	vld [tilespmem:$0x0]  }
0x2a2: {  	s28 =	simm.s32 $0x1D000;
	v4 =	vadd.s32 v2, v4  }
0x2a3: {  	[tilespmem:s28], [sflag:$0x4] =	stream.indirect_vreg.gather [hbm4b:s14+s18], $0x80, v5, vm0, $0xb8;
	v63 =	vld [tilespmem:$0x0]  }
0x2a4: {  	s6 =	simm.s32 $0x1D800  }
0x2a5: {  	[tilespmem:s6], [sflag:$0x4] =	stream.indirect_vreg.gather [hbm4b:s12+s18], $0x80, v5, vm0, $0xb8;
	v63 =	vld [tilespmem:$0x0]  }
0x2a6: {  	s8 =	simm.s32 $0x1E000  }
0x2a7: {  	[tilespmem:s8], [sflag:$0x4] =	stream.indirect_vreg.gather [hbm4b:s2+s18], $0x80, v4, vm0, $0xb8;
	v63 =	vld [tilespmem:$0x0]  }
0x2a8: {  	s2 =	simm.s32 $0x1E800  }
0x2a9: {  	[tilespmem:s2], [sflag:$0x4] =	stream.indirect_vreg.gather [hbm4b:s13+s18], $0x80, v4, vm0, $0xb8;
	v63 =	vld [tilespmem:$0x0]  }
0x2aa: {  	s28 =	simm.s32 $0x1F000  }
0x2ab: {  	[tilespmem:s28], [sflag:$0x4] =	stream.indirect_vreg.gather [hbm4b:s14+s18], $0x80, v4, vm0, $0xb8;
	v63 =	vld [tilespmem:$0x0]  }
0x2ac: {  	s6 =	simm.s32 $0x1F800;
	s8 =	simm.s32 $0x1  }
0x2ad: {  	[tilespmem:s6], [sflag:$0x4] =	stream.indirect_vreg.gather [hbm4b:s12+s18], $0x80, v4, vm0, $0xb8;
	v63 =	vld [tilespmem:$0x0]  }
0x2ae: {  	_ =	swait.ge [sflag:s8], $0x4000  }
0x2af: {  	[sflag:s8] =	ssyncset.done $0x0  }
0x2b0: {  	[sflag:s8] =	ssyncadd.s32 $0xFFFFC000  }
0x2b1: {  	v4 =	vld [tilespmem:$0xE000];
	_ =	sdelay $0x4  }
0x2b2: {  	v5 =	vshll.u32 v4, $0x3  }
0x2b3: {  	v4 =	vand.u32 $0x7, v4;
	v5 =	vand.u32 $0xFFFFFFC0, v5  }
0x2b4: {  	v4 =	vor.u32 v4, v5  }
0x2b5: {  	v5 =	vperm.xlane v4, v1;
	_ =	sdelay $0x1  }
0x2b6: {  	v5 =	vadd.s32 v2, v5;
	_ =	sdelay $0x4  }
0x2b7: {  	[hbm4b:s3+s18] =	stream.indirect_vreg.scatter [tilespmem:s7], [sflag:$0x5], $0x80, v5, vm0, $0xb8;
	v63 =	vld [tilespmem:$0x0]  }
0x2b8: {  	v4 =	vperm.xlane v4, v3  }
0x2b9: {  	[hbm4b:s9+s18] =	stream.indirect_vreg.scatter [tilespmem:s24], [sflag:$0x5], $0x80, v5, vm0, $0xb8;
	v63 =	vld [tilespmem:$0x0]  }
0x2ba: {  	v4 =	vadd.s32 v2, v4;
	s24 =	simm.s32 $0x11000  }
0x2bb: {  	[hbm4b:s10+s18] =	stream.indirect_vreg.scatter [tilespmem:s24], [sflag:$0x5], $0x80, v5, vm0, $0xb8;
	v63 =	vld [tilespmem:$0x0]  }
0x2bc: {  	s28 =	simm.s32 $0x11800  }
0x2bd: {  	[hbm4b:s11+s18] =	stream.indirect_vreg.scatter [tilespmem:s28], [sflag:$0x5], $0x80, v5, vm0, $0xb8;
	v63 =	vld [tilespmem:$0x0]  }
0x2be: {  	_ = 	snop  }
0x2bf: {  	[hbm4b:s3+s18] =	stream.indirect_vreg.scatter [tilespmem:s4], [sflag:$0x5], $0x80, v4, vm0, $0xb8;
	v63 =	vld [tilespmem:$0x0]  }
0x2c0: {  	_ = 	snop  }
0x2c1: {  	[hbm4b:s9+s18] =	stream.indirect_vreg.scatter [tilespmem:s5], [sflag:$0x5], $0x80, v4, vm0, $0xb8;
	v63 =	vld [tilespmem:$0x0]  }
0x2c2: {  	_ = 	snop  }
0x2c3: {  	[hbm4b:s10+s18] =	stream.indirect_vreg.scatter [tilespmem:s19], [sflag:$0x5], $0x80, v4, vm0, $0xb8;
	v63 =	vld [tilespmem:$0x0]  }
0x2c4: {  	s6 =	simm.s32 $0x13800;
	s7 =	simm.s32 $0x2  }
0x2c5: {  	[hbm4b:s11+s18] =	stream.indirect_vreg.scatter [tilespmem:s6], [sflag:$0x5], $0x80, v4, vm0, $0xb8;
	v63 =	vld [tilespmem:$0x0]  }
0x2c6: {  	_ =	swait.ge [sflag:s7], $0x4000  }
0x2c7: {  	[sflag:s7] =	ssyncset.done $0x0  }
0x2c8: {  	[sflag:s7] =	ssyncadd.s32 $0xFFFFC000  }
0x2c9: {  	v4 =	vld [tilespmem:s16+$0xE000];
	_ =	sdelay $0x4  }
0x2ca: {  	v5 =	vshll.u32 v4, $0x3  }
0x2cb: {  	v4 =	vand.u32 $0x7, v4;
	v5 =	vand.u32 $0xFFFFFFC0, v5  }
0x2cc: {  	v4 =	vor.u32 v4, v5  }
0x2cd: {  	v5 =	vperm.xlane v4, v1;
	_ =	sdelay $0x1  }
0x2ce: {  	v5 =	vadd.s32 v2, v5;
	_ =	sdelay $0x4  }
0x2cf: {  	[hbm4b:s3+s18] =	stream.indirect_vreg.scatter [tilespmem:s29], [sflag:$0x6], $0x80, v5, vm0, $0xb8;
	v63 =	vld [tilespmem:$0x0]  }
0x2d0: {  	v4 =	vperm.xlane v4, v3  }
0x2d1: {  	[hbm4b:s9+s18] =	stream.indirect_vreg.scatter [tilespmem:s30], [sflag:$0x6], $0x80, v5, vm0, $0xb8;
	v63 =	vld [tilespmem:$0x0]  }
0x2d2: {  	v4 =	vadd.s32 v2, v4  }
0x2d3: {  	[hbm4b:s10+s18] =	stream.indirect_vreg.scatter [tilespmem:s31], [sflag:$0x6], $0x80, v5, vm0, $0xb8;
	v63 =	vld [tilespmem:$0x0]  }
0x2d4: {  	s8 =	simm.s32 $0x15800  }
0x2d5: {  	[hbm4b:s11+s18] =	stream.indirect_vreg.scatter [tilespmem:s8], [sflag:$0x6], $0x80, v5, vm0, $0xb8;
	v63 =	vld [tilespmem:$0x0]  }
0x2d6: {  	s16 =	simm.s32 $0x16000  }
0x2d7: {  	[hbm4b:s3+s18] =	stream.indirect_vreg.scatter [tilespmem:s16], [sflag:$0x6], $0x80, v4, vm0, $0xb8;
	v63 =	vld [tilespmem:$0x0]  }
0x2d8: {  	s19 =	simm.s32 $0x16800  }
0x2d9: {  	[hbm4b:s9+s18] =	stream.indirect_vreg.scatter [tilespmem:s19], [sflag:$0x6], $0x80, v4, vm0, $0xb8;
	v63 =	vld [tilespmem:$0x0]  }
0x2da: {  	s24 =	simm.s32 $0x17000  }
0x2db: {  	[hbm4b:s10+s18] =	stream.indirect_vreg.scatter [tilespmem:s24], [sflag:$0x6], $0x80, v4, vm0, $0xb8;
	v63 =	vld [tilespmem:$0x0]  }
0x2dc: {  	s28 =	simm.s32 $0x3  }
0x2dd: {  	[hbm4b:s11+s18] =	stream.indirect_vreg.scatter [tilespmem:s1], [sflag:$0x6], $0x80, v4, vm0, $0xb8;
	v63 =	vld [tilespmem:$0x0]  }
0x2de: {  	s1 =	rddreg [dreg:$0xc];
	_ =	swait.ge [sflag:s28], $0x4000  }
0x2df: {  	[sflag:s28] =	ssyncset.done $0x0  }
0x2e0: {  	[sflag:s28] =	ssyncadd.s32 $0xFFFFC000  }
0x2e1: {  	v4 =	vld [tilespmem:s26+$0xE000];
	_ =	sdelay $0x4  }
0x2e2: {  	v5 =	vshll.u32 v4, $0x3  }
0x2e3: {  	v4 =	vand.u32 $0x7, v4;
	v5 =	vand.u32 $0xFFFFFFC0, v5  }
0x2e4: {  	v4 =	vor.u32 v4, v5  }
0x2e5: {  	v5 =	vperm.xlane v4, v1;
	_ =	sdelay $0x1  }
0x2e6: {  	v5 =	vadd.s32 v2, v5;
	_ =	sdelay $0x3  }
0x2e7: {  	s29 =	simm.s32 $0x18000  }
0x2e8: {  	[hbm4b:s3+s18] =	stream.indirect_vreg.scatter [tilespmem:s29], [sflag:$0x7], $0x80, v5, vm0, $0xb8;
	v63 =	vld [tilespmem:$0x0]  }
0x2e9: {  	s30 =	simm.s32 $0x18800;
	v4 =	vperm.xlane v4, v3  }
0x2ea: {  	[hbm4b:s9+s18] =	stream.indirect_vreg.scatter [tilespmem:s30], [sflag:$0x7], $0x80, v5, vm0, $0xb8;
	v63 =	vld [tilespmem:$0x0]  }
0x2eb: {  	s31 =	simm.s32 $0x19000;
	v4 =	vadd.s32 v2, v4  }
0x2ec: {  	[hbm4b:s10+s18] =	stream.indirect_vreg.scatter [tilespmem:s31], [sflag:$0x7], $0x80, v5, vm0, $0xb8;
	v63 =	vld [tilespmem:$0x0]  }
0x2ed: {  	s4 =	simm.s32 $0x19800  }
0x2ee: {  	[hbm4b:s11+s18] =	stream.indirect_vreg.scatter [tilespmem:s4], [sflag:$0x7], $0x80, v5, vm0, $0xb8;
	v63 =	vld [tilespmem:$0x0]  }
0x2ef: {  	s5 =	simm.s32 $0x1A000  }
0x2f0: {  	[hbm4b:s3+s18] =	stream.indirect_vreg.scatter [tilespmem:s5], [sflag:$0x7], $0x80, v4, vm0, $0xb8;
	v63 =	vld [tilespmem:$0x0]  }
0x2f1: {  	s6 =	simm.s32 $0x1A800  }
0x2f2: {  	[hbm4b:s9+s18] =	stream.indirect_vreg.scatter [tilespmem:s6], [sflag:$0x7], $0x80, v4, vm0, $0xb8;
	v63 =	vld [tilespmem:$0x0]  }
0x2f3: {  	s7 =	simm.s32 $0x1B000  }
0x2f4: {  	[hbm4b:s10+s18] =	stream.indirect_vreg.scatter [tilespmem:s7], [sflag:$0x7], $0x80, v4, vm0, $0xb8;
	v63 =	vld [tilespmem:$0x0]  }
0x2f5: {  	s8 =	simm.s32 $0x1B800;
	s16 =	simm.s32 $0x4  }
0x2f6: {  	[hbm4b:s11+s18] =	stream.indirect_vreg.scatter [tilespmem:s8], [sflag:$0x7], $0x80, v4, vm0, $0xb8;
	v63 =	vld [tilespmem:$0x0]  }
0x2f7: {  	_ =	swait.ge [sflag:s16], $0x4000  }
0x2f8: {  	[sflag:s16] =	ssyncset.done $0x0  }
0x2f9: {  	[sflag:s16] =	ssyncadd.s32 $0xFFFFC000  }
0x2fa: {  	v4 =	vld [tilespmem:s15+$0xE000];
	_ =	sdelay $0x4  }
0x2fb: {  	v5 =	vshll.u32 v4, $0x3  }
0x2fc: {  	v4 =	vand.u32 $0x7, v4;
	v5 =	vand.u32 $0xFFFFFFC0, v5  }
0x2fd: {  	v4 =	vor.u32 v4, v5  }
0x2fe: {  	v5 =	vperm.xlane v4, v1;
	_ =	sdelay $0x1  }
0x2ff: {  	v5 =	vadd.s32 v2, v5;
	_ =	sdelay $0x3  }
0x300: {  	s19 =	simm.s32 $0x1C000  }
0x301: {  	[hbm4b:s3+s18] =	stream.indirect_vreg.scatter [tilespmem:s19], [sflag:$0x8], $0x80, v5, vm0, $0xb8;
	v63 =	vld [tilespmem:$0x0]  }
0x302: {  	s24 =	simm.s32 $0x1C800;
	v4 =	vperm.xlane v4, v3  }
0x303: {  	[hbm4b:s9+s18] =	stream.indirect_vreg.scatter [tilespmem:s24], [sflag:$0x8], $0x80, v5, vm0, $0xb8;
	v63 =	vld [tilespmem:$0x0]  }
0x304: {  	s26 =	simm.s32 $0x1D000;
	v4 =	vadd.s32 v2, v4  }
0x305: {  	[hbm4b:s10+s18] =	stream.indirect_vreg.scatter [tilespmem:s26], [sflag:$0x8], $0x80, v5, vm0, $0xb8;
	v63 =	vld [tilespmem:$0x0]  }
0x306: {  	s28 =	simm.s32 $0x1D800  }
0x307: {  	[hbm4b:s11+s18] =	stream.indirect_vreg.scatter [tilespmem:s28], [sflag:$0x8], $0x80, v5, vm0, $0xb8;
	v63 =	vld [tilespmem:$0x0]  }
0x308: {  	s29 =	simm.s32 $0x1E000  }
0x309: {  	[hbm4b:s3+s18] =	stream.indirect_vreg.scatter [tilespmem:s29], [sflag:$0x8], $0x80, v4, vm0, $0xb8;
	v63 =	vld [tilespmem:$0x0]  }
0x30a: {  	_ = 	snop  }
0x30b: {  	[hbm4b:s9+s18] =	stream.indirect_vreg.scatter [tilespmem:s2], [sflag:$0x8], $0x80, v4, vm0, $0xb8;
	v63 =	vld [tilespmem:$0x0]  }
0x30c: {  	s30 =	simm.s32 $0x1F000  }
0x30d: {  	[hbm4b:s10+s18] =	stream.indirect_vreg.scatter [tilespmem:s30], [sflag:$0x8], $0x80, v4, vm0, $0xb8;
	v63 =	vld [tilespmem:$0x0]  }
0x30e: {  	s31 =	simm.s32 $0x1F800  }
0x30f: {  	[hbm4b:s11+s18] =	stream.indirect_vreg.scatter [tilespmem:s31], [sflag:$0x8], $0x80, v4, vm0, $0xb8;
	v63 =	vld [tilespmem:$0x0]  }
.LBB2_24:
0x310: {  	s15 =	sadd.s32 $0x3, s1  }
0x311: {  	s15 =	sshra.s32 s15, $0x2  }
0x312: {  	p2 =	slt.s32 s15, $0x2  }
.Ltmp17:
0x313: {  	_ = 	snop;
	(pc) =	sbr.rel @p2 .LBB2_27-.Ltmp17, $2  }
0x314: {  	_ =	sdelay $0x2  }
0x315: {  	s2 =	rddreg [dreg:$0x1];
	s0 =	simm.s32 $0x5  }
0x316: {  	s26 =	sadd.s32 $0xFFFFFFFF, s15;
	s28 =	simm.s32 $0x7  }
.LBB2_26:
0x317: {  	s15 =	sadd.s32 $0xFFFFFFFD, s28  }
0x318: {  	s16 =	smov.u32 s25;
	_ =	swait.ge [sflag:s0], $0x4000;
	p2 =	slt.s32 s15, s25  }
0x319: {  	[sflag:s0] =	ssyncset.done $0x0;
	s16 =	smov.u32 @p2 s15  }
0x31a: {  	[sflag:s0] =	ssyncadd.s32 $0xFFFFC000;
	s29 =	sshll.u32 s16, $0x7  }
0x31b: {  	v4 =	vld [tilespmem:s29+$0xC000];
	_ =	sdelay $0x4  }
0x31c: {  	v5 =	vshll.u32 v4, $0x3  }
0x31d: {  	v4 =	vand.u32 $0x7, v4;
	v5 =	vand.u32 $0xFFFFFFC0, v5  }
0x31e: {  	v4 =	vor.u32 v4, v5  }
0x31f: {  	v5 =	vperm.xlane v4, v1;
	_ =	sdelay $0x1  }
0x320: {  	v5 =	vadd.s32 v2, v5;
	_ =	sdelay $0x3  }
0x321: {  	s6 =	simm.s32 $0x10000  }
0x322: {  	[tilespmem:s6], [sflag:$0x1] =	stream.indirect_vreg.gather [hbm4b:s2+s18], $0x80, v5, vm0, $0xb8;
	v63 =	vld [tilespmem:$0x0]  }
0x323: {  	s15 =	simm.s32 $0x10800;
	v4 =	vperm.xlane v4, v3  }
0x324: {  	[tilespmem:s15], [sflag:$0x1] =	stream.indirect_vreg.gather [hbm4b:s13+s18], $0x80, v5, vm0, $0xb8;
	v63 =	vld [tilespmem:$0x0]  }
0x325: {  	s30 =	simm.s32 $0x11000;
	v4 =	vadd.s32 v2, v4  }
0x326: {  	[tilespmem:s30], [sflag:$0x1] =	stream.indirect_vreg.gather [hbm4b:s14+s18], $0x80, v5, vm0, $0xb8;
	v63 =	vld [tilespmem:$0x0]  }
0x327: {  	s7 =	simm.s32 $0x11800  }
0x328: {  	[tilespmem:s7], [sflag:$0x1] =	stream.indirect_vreg.gather [hbm4b:s12+s18], $0x80, v5, vm0, $0xb8;
	v63 =	vld [tilespmem:$0x0]  }
0x329: {  	s8 =	simm.s32 $0x12000  }
0x32a: {  	[tilespmem:s8], [sflag:$0x1] =	stream.indirect_vreg.gather [hbm4b:s2+s18], $0x80, v4, vm0, $0xb8;
	v63 =	vld [tilespmem:$0x0]  }
0x32b: {  	s4 =	simm.s32 $0x12800  }
0x32c: {  	[tilespmem:s4], [sflag:$0x1] =	stream.indirect_vreg.gather [hbm4b:s13+s18], $0x80, v4, vm0, $0xb8;
	v63 =	vld [tilespmem:$0x0]  }
0x32d: {  	s5 =	simm.s32 $0x13000  }
0x32e: {  	[tilespmem:s5], [sflag:$0x1] =	stream.indirect_vreg.gather [hbm4b:s14+s18], $0x80, v4, vm0, $0xb8;
	v63 =	vld [tilespmem:$0x0]  }
0x32f: {  	s15 =	sadd.s32 $0xFFFFFFFE, s28;
	s30 =	simm.s32 $0x6;
	s8 =	simm.s32 $0x13800  }
0x330: {  	[tilespmem:s8], [sflag:$0x1] =	stream.indirect_vreg.gather [hbm4b:s12+s18], $0x80, v4, vm0, $0xb8;
	v63 =	vld [tilespmem:$0x0]  }
0x331: {  	s16 =	smov.u32 s25;
	p2 =	slt.s32 s15, s25;
	_ =	swait.ge [sflag:s30], $0x4000  }
0x332: {  	s16 =	smov.u32 @p2 s15;
	[sflag:s30] =	ssyncset.done $0x0  }
0x333: {  	[sflag:s30] =	ssyncadd.s32 $0xFFFFC000;
	s30 =	sshll.u32 s16, $0x7  }
0x334: {  	v4 =	vld [tilespmem:s30+$0xC000];
	_ =	sdelay $0x4  }
0x335: {  	v5 =	vshll.u32 v4, $0x3  }
0x336: {  	v4 =	vand.u32 $0x7, v4;
	v5 =	vand.u32 $0xFFFFFFC0, v5  }
0x337: {  	v4 =	vor.u32 v4, v5  }
0x338: {  	v5 =	vperm.xlane v4, v1;
	_ =	sdelay $0x1  }
0x339: {  	v5 =	vadd.s32 v2, v5;
	_ =	sdelay $0x3  }
0x33a: {  	s19 =	simm.s32 $0x14000  }
0x33b: {  	[tilespmem:s19], [sflag:$0x2] =	stream.indirect_vreg.gather [hbm4b:s2+s18], $0x80, v5, vm0, $0xb8;
	v63 =	vld [tilespmem:$0x0]  }
0x33c: {  	v4 =	vperm.xlane v4, v3;
	s19 =	simm.s32 $0x14800  }
0x33d: {  	[tilespmem:s19], [sflag:$0x2] =	stream.indirect_vreg.gather [hbm4b:s13+s18], $0x80, v5, vm0, $0xb8;
	v63 =	vld [tilespmem:$0x0]  }
0x33e: {  	s5 =	simm.s32 $0x15000;
	v4 =	vadd.s32 v2, v4  }
0x33f: {  	[tilespmem:s5], [sflag:$0x2] =	stream.indirect_vreg.gather [hbm4b:s14+s18], $0x80, v5, vm0, $0xb8;
	v63 =	vld [tilespmem:$0x0]  }
0x340: {  	s1 =	simm.s32 $0x15800  }
0x341: {  	[tilespmem:s1], [sflag:$0x2] =	stream.indirect_vreg.gather [hbm4b:s12+s18], $0x80, v5, vm0, $0xb8;
	v63 =	vld [tilespmem:$0x0]  }
0x342: {  	s24 =	simm.s32 $0x16000  }
0x343: {  	[tilespmem:s24], [sflag:$0x2] =	stream.indirect_vreg.gather [hbm4b:s2+s18], $0x80, v4, vm0, $0xb8;
	v63 =	vld [tilespmem:$0x0]  }
0x344: {  	s24 =	simm.s32 $0x16800  }
0x345: {  	[tilespmem:s24], [sflag:$0x2] =	stream.indirect_vreg.gather [hbm4b:s13+s18], $0x80, v4, vm0, $0xb8;
	v63 =	vld [tilespmem:$0x0]  }
0x346: {  	s31 =	simm.s32 $0x17000  }
0x347: {  	[tilespmem:s31], [sflag:$0x2] =	stream.indirect_vreg.gather [hbm4b:s14+s18], $0x80, v4, vm0, $0xb8;
	v63 =	vld [tilespmem:$0x0]  }
0x348: {  	s15 =	sadd.s32 $0xFFFFFFFF, s28;
	s7 =	simm.s32 $0x7;
	s31 =	simm.s32 $0x17800  }
0x349: {  	[tilespmem:s31], [sflag:$0x2] =	stream.indirect_vreg.gather [hbm4b:s12+s18], $0x80, v4, vm0, $0xb8;
	v63 =	vld [tilespmem:$0x0]  }
0x34a: {  	p2 =	slt.s32 s15, s25;
	s16 =	smov.u32 s25;
	_ =	swait.ge [sflag:s7], $0x4000  }
0x34b: {  	s16 =	smov.u32 @p2 s15;
	[sflag:s7] =	ssyncset.done $0x0  }
0x34c: {  	s15 =	sshll.u32 s16, $0x7;
	[sflag:s7] =	ssyncadd.s32 $0xFFFFC000  }
0x34d: {  	v4 =	vld [tilespmem:s15+$0xC000];
	_ =	sdelay $0x4  }
0x34e: {  	v5 =	vshll.u32 v4, $0x3  }
0x34f: {  	v4 =	vand.u32 $0x7, v4;
	v5 =	vand.u32 $0xFFFFFFC0, v5  }
0x350: {  	v4 =	vor.u32 v4, v5  }
0x351: {  	v5 =	vperm.xlane v4, v1;
	_ =	sdelay $0x1  }
0x352: {  	v5 =	vadd.s32 v2, v5;
	_ =	sdelay $0x3  }
0x353: {  	s0 =	simm.s32 $0x18000  }
0x354: {  	[tilespmem:s0], [sflag:$0x3] =	stream.indirect_vreg.gather [hbm4b:s2+s18], $0x80, v5, vm0, $0xb8;
	v63 =	vld [tilespmem:$0x0]  }
0x355: {  	s16 =	simm.s32 $0x18800;
	v4 =	vperm.xlane v4, v3  }
0x356: {  	[tilespmem:s16], [sflag:$0x3] =	stream.indirect_vreg.gather [hbm4b:s13+s18], $0x80, v5, vm0, $0xb8;
	v63 =	vld [tilespmem:$0x0]  }
0x357: {  	s5 =	simm.s32 $0x19000;
	v4 =	vadd.s32 v2, v4  }
0x358: {  	[tilespmem:s5], [sflag:$0x3] =	stream.indirect_vreg.gather [hbm4b:s14+s18], $0x80, v5, vm0, $0xb8;
	v63 =	vld [tilespmem:$0x0]  }
0x359: {  	s1 =	simm.s32 $0x19800  }
0x35a: {  	[tilespmem:s1], [sflag:$0x3] =	stream.indirect_vreg.gather [hbm4b:s12+s18], $0x80, v5, vm0, $0xb8;
	v63 =	vld [tilespmem:$0x0]  }
0x35b: {  	s4 =	simm.s32 $0x1A000  }
0x35c: {  	[tilespmem:s4], [sflag:$0x3] =	stream.indirect_vreg.gather [hbm4b:s2+s18], $0x80, v4, vm0, $0xb8;
	v63 =	vld [tilespmem:$0x0]  }
0x35d: {  	s7 =	simm.s32 $0x1A800  }
0x35e: {  	[tilespmem:s7], [sflag:$0x3] =	stream.indirect_vreg.gather [hbm4b:s13+s18], $0x80, v4, vm0, $0xb8;
	v63 =	vld [tilespmem:$0x0]  }
0x35f: {  	s16 =	simm.s32 $0x1B000  }
0x360: {  	[tilespmem:s16], [sflag:$0x3] =	stream.indirect_vreg.gather [hbm4b:s14+s18], $0x80, v4, vm0, $0xb8;
	v63 =	vld [tilespmem:$0x0]  }
0x361: {  	s1 =	simm.s32 $0x1B800;
	s4 =	simm.s32 $0x8  }
0x362: {  	[tilespmem:s1], [sflag:$0x3] =	stream.indirect_vreg.gather [hbm4b:s12+s18], $0x80, v4, vm0, $0xb8;
	v63 =	vld [tilespmem:$0x0]  }
0x363: {  	p2 =	slt.s32 s28, s25;
	s16 =	smov.u32 s25;
	_ =	swait.ge [sflag:s4], $0x4000  }
0x364: {  	s16 =	smov.u32 @p2 s28;
	[sflag:s4] =	ssyncset.done $0x0  }
0x365: {  	s16 =	sshll.u32 s16, $0x7;
	[sflag:s4] =	ssyncadd.s32 $0xFFFFC000  }
0x366: {  	v4 =	vld [tilespmem:s16+$0xC000];
	_ =	sdelay $0x4  }
0x367: {  	v5 =	vshll.u32 v4, $0x3  }
0x368: {  	v4 =	vand.u32 $0x7, v4;
	v5 =	vand.u32 $0xFFFFFFC0, v5  }
0x369: {  	v4 =	vor.u32 v4, v5  }
0x36a: {  	v5 =	vperm.xlane v4, v1;
	_ =	sdelay $0x1  }
0x36b: {  	v5 =	vadd.s32 v2, v5;
	_ =	sdelay $0x3  }
0x36c: {  	s7 =	simm.s32 $0x1C000  }
0x36d: {  	[tilespmem:s7], [sflag:$0x4] =	stream.indirect_vreg.gather [hbm4b:s2+s18], $0x80, v5, vm0, $0xb8;
	v63 =	vld [tilespmem:$0x0]  }
0x36e: {  	s1 =	simm.s32 $0x1C800;
	v4 =	vperm.xlane v4, v3  }
0x36f: {  	[tilespmem:s1], [sflag:$0x4] =	stream.indirect_vreg.gather [hbm4b:s13+s18], $0x80, v5, vm0, $0xb8;
	v63 =	vld [tilespmem:$0x0]  }
0x370: {  	s4 =	simm.s32 $0x1D000;
	v4 =	vadd.s32 v2, v4  }
0x371: {  	[tilespmem:s4], [sflag:$0x4] =	stream.indirect_vreg.gather [hbm4b:s14+s18], $0x80, v5, vm0, $0xb8;
	v63 =	vld [tilespmem:$0x0]  }
0x372: {  	s7 =	simm.s32 $0x1D800  }
0x373: {  	[tilespmem:s7], [sflag:$0x4] =	stream.indirect_vreg.gather [hbm4b:s12+s18], $0x80, v5, vm0, $0xb8;
	v63 =	vld [tilespmem:$0x0]  }
0x374: {  	s1 =	simm.s32 $0x1E000  }
0x375: {  	[tilespmem:s1], [sflag:$0x4] =	stream.indirect_vreg.gather [hbm4b:s2+s18], $0x80, v4, vm0, $0xb8;
	v63 =	vld [tilespmem:$0x0]  }
0x376: {  	s4 =	simm.s32 $0x1E800  }
0x377: {  	[tilespmem:s4], [sflag:$0x4] =	stream.indirect_vreg.gather [hbm4b:s13+s18], $0x80, v4, vm0, $0xb8;
	v63 =	vld [tilespmem:$0x0]  }
0x378: {  	s7 =	simm.s32 $0x1F000  }
0x379: {  	[tilespmem:s7], [sflag:$0x4] =	stream.indirect_vreg.gather [hbm4b:s14+s18], $0x80, v4, vm0, $0xb8;
	v63 =	vld [tilespmem:$0x0]  }
0x37a: {  	s1 =	simm.s32 $0x1F800;
	s4 =	simm.s32 $0x1  }
0x37b: {  	[tilespmem:s1], [sflag:$0x4] =	stream.indirect_vreg.gather [hbm4b:s12+s18], $0x80, v4, vm0, $0xb8;
	v63 =	vld [tilespmem:$0x0]  }
0x37c: {  	_ =	swait.ge [sflag:s4], $0x4000  }
0x37d: {  	[sflag:s4] =	ssyncset.done $0x0  }
0x37e: {  	[sflag:s4] =	ssyncadd.s32 $0xFFFFC000  }
0x37f: {  	v4 =	vld [tilespmem:s29+$0xE000];
	_ =	sdelay $0x4  }
0x380: {  	v5 =	vshll.u32 v4, $0x3  }
0x381: {  	v4 =	vand.u32 $0x7, v4;
	v5 =	vand.u32 $0xFFFFFFC0, v5  }
0x382: {  	v4 =	vor.u32 v4, v5  }
0x383: {  	v5 =	vperm.xlane v4, v1;
	_ =	sdelay $0x1  }
0x384: {  	v5 =	vadd.s32 v2, v5;
	_ =	sdelay $0x4  }
0x385: {  	[hbm4b:s3+s18] =	stream.indirect_vreg.scatter [tilespmem:s6], [sflag:$0x5], $0x80, v5, vm0, $0xb8;
	v63 =	vld [tilespmem:$0x0]  }
0x386: {  	s7 =	simm.s32 $0x10800;
	v4 =	vperm.xlane v4, v3  }
0x387: {  	[hbm4b:s9+s18] =	stream.indirect_vreg.scatter [tilespmem:s7], [sflag:$0x5], $0x80, v5, vm0, $0xb8;
	v63 =	vld [tilespmem:$0x0]  }
0x388: {  	s0 =	simm.s32 $0x11000;
	v4 =	vadd.s32 v2, v4  }
0x389: {  	[hbm4b:s10+s18] =	stream.indirect_vreg.scatter [tilespmem:s0], [sflag:$0x5], $0x80, v5, vm0, $0xb8;
	v63 =	vld [tilespmem:$0x0]  }
0x38a: {  	s1 =	simm.s32 $0x11800  }
0x38b: {  	[hbm4b:s11+s18] =	stream.indirect_vreg.scatter [tilespmem:s1], [sflag:$0x5], $0x80, v5, vm0, $0xb8;
	v63 =	vld [tilespmem:$0x0]  }
0x38c: {  	s4 =	simm.s32 $0x12000  }
0x38d: {  	[hbm4b:s3+s18] =	stream.indirect_vreg.scatter [tilespmem:s4], [sflag:$0x5], $0x80, v4, vm0, $0xb8;
	v63 =	vld [tilespmem:$0x0]  }
0x38e: {  	s6 =	simm.s32 $0x12800  }
0x38f: {  	[hbm4b:s9+s18] =	stream.indirect_vreg.scatter [tilespmem:s6], [sflag:$0x5], $0x80, v4, vm0, $0xb8;
	v63 =	vld [tilespmem:$0x0]  }
0x390: {  	s7 =	simm.s32 $0x13000  }
0x391: {  	[hbm4b:s10+s18] =	stream.indirect_vreg.scatter [tilespmem:s7], [sflag:$0x5], $0x80, v4, vm0, $0xb8;
	v63 =	vld [tilespmem:$0x0]  }
0x392: {  	s1 =	simm.s32 $0x2  }
0x393: {  	[hbm4b:s11+s18] =	stream.indirect_vreg.scatter [tilespmem:s8], [sflag:$0x5], $0x80, v4, vm0, $0xb8;
	v63 =	vld [tilespmem:$0x0]  }
0x394: {  	_ =	swait.ge [sflag:s1], $0x4000  }
0x395: {  	[sflag:s1] =	ssyncset.done $0x0  }
0x396: {  	[sflag:s1] =	ssyncadd.s32 $0xFFFFC000  }
0x397: {  	v4 =	vld [tilespmem:s30+$0xE000];
	_ =	sdelay $0x4  }
0x398: {  	v5 =	vshll.u32 v4, $0x3  }
0x399: {  	v4 =	vand.u32 $0x7, v4;
	v5 =	vand.u32 $0xFFFFFFC0, v5  }
0x39a: {  	v4 =	vor.u32 v4, v5  }
0x39b: {  	v5 =	vperm.xlane v4, v1;
	_ =	sdelay $0x1  }
0x39c: {  	v5 =	vadd.s32 v2, v5;
	_ =	sdelay $0x3  }
0x39d: {  	s29 =	simm.s32 $0x14000  }
0x39e: {  	[hbm4b:s3+s18] =	stream.indirect_vreg.scatter [tilespmem:s29], [sflag:$0x6], $0x80, v5, vm0, $0xb8;
	v63 =	vld [tilespmem:$0x0]  }
0x39f: {  	v4 =	vperm.xlane v4, v3  }
0x3a0: {  	[hbm4b:s9+s18] =	stream.indirect_vreg.scatter [tilespmem:s19], [sflag:$0x6], $0x80, v5, vm0, $0xb8;
	v63 =	vld [tilespmem:$0x0]  }
0x3a1: {  	s6 =	simm.s32 $0x15000;
	v4 =	vadd.s32 v2, v4  }
0x3a2: {  	[hbm4b:s10+s18] =	stream.indirect_vreg.scatter [tilespmem:s6], [sflag:$0x6], $0x80, v5, vm0, $0xb8;
	v63 =	vld [tilespmem:$0x0]  }
0x3a3: {  	s4 =	simm.s32 $0x15800  }
0x3a4: {  	[hbm4b:s11+s18] =	stream.indirect_vreg.scatter [tilespmem:s4], [sflag:$0x6], $0x80, v5, vm0, $0xb8;
	v63 =	vld [tilespmem:$0x0]  }
0x3a5: {  	s7 =	simm.s32 $0x16000  }
0x3a6: {  	[hbm4b:s3+s18] =	stream.indirect_vreg.scatter [tilespmem:s7], [sflag:$0x6], $0x80, v4, vm0, $0xb8;
	v63 =	vld [tilespmem:$0x0]  }
0x3a7: {  	_ = 	snop  }
0x3a8: {  	[hbm4b:s9+s18] =	stream.indirect_vreg.scatter [tilespmem:s24], [sflag:$0x6], $0x80, v4, vm0, $0xb8;
	v63 =	vld [tilespmem:$0x0]  }
0x3a9: {  	s8 =	simm.s32 $0x17000  }
0x3aa: {  	[hbm4b:s10+s18] =	stream.indirect_vreg.scatter [tilespmem:s8], [sflag:$0x6], $0x80, v4, vm0, $0xb8;
	v63 =	vld [tilespmem:$0x0]  }
0x3ab: {  	s19 =	simm.s32 $0x3  }
0x3ac: {  	[hbm4b:s11+s18] =	stream.indirect_vreg.scatter [tilespmem:s31], [sflag:$0x6], $0x80, v4, vm0, $0xb8;
	v63 =	vld [tilespmem:$0x0]  }
0x3ad: {  	_ =	swait.ge [sflag:s19], $0x4000  }
0x3ae: {  	[sflag:s19] =	ssyncset.done $0x0  }
0x3af: {  	[sflag:s19] =	ssyncadd.s32 $0xFFFFC000  }
0x3b0: {  	v4 =	vld [tilespmem:s15+$0xE000];
	_ =	sdelay $0x4  }
0x3b1: {  	v5 =	vshll.u32 v4, $0x3  }
0x3b2: {  	v4 =	vand.u32 $0x7, v4;
	v5 =	vand.u32 $0xFFFFFFC0, v5  }
0x3b3: {  	v4 =	vor.u32 v4, v5  }
0x3b4: {  	v5 =	vperm.xlane v4, v1;
	_ =	sdelay $0x1  }
0x3b5: {  	v5 =	vadd.s32 v2, v5;
	_ =	sdelay $0x3  }
0x3b6: {  	s24 =	simm.s32 $0x18000  }
0x3b7: {  	[hbm4b:s3+s18] =	stream.indirect_vreg.scatter [tilespmem:s24], [sflag:$0x7], $0x80, v5, vm0, $0xb8;
	v63 =	vld [tilespmem:$0x0]  }
0x3b8: {  	s30 =	simm.s32 $0x18800;
	v4 =	vperm.xlane v4, v3  }
0x3b9: {  	[hbm4b:s9+s18] =	stream.indirect_vreg.scatter [tilespmem:s30], [sflag:$0x7], $0x80, v5, vm0, $0xb8;
	v63 =	vld [tilespmem:$0x0]  }
0x3ba: {  	v4 =	vadd.s32 v2, v4  }
0x3bb: {  	[hbm4b:s10+s18] =	stream.indirect_vreg.scatter [tilespmem:s5], [sflag:$0x7], $0x80, v5, vm0, $0xb8;
	v63 =	vld [tilespmem:$0x0]  }
0x3bc: {  	s31 =	simm.s32 $0x19800  }
0x3bd: {  	[hbm4b:s11+s18] =	stream.indirect_vreg.scatter [tilespmem:s31], [sflag:$0x7], $0x80, v5, vm0, $0xb8;
	v63 =	vld [tilespmem:$0x0]  }
0x3be: {  	s4 =	simm.s32 $0x1A000  }
0x3bf: {  	[hbm4b:s3+s18] =	stream.indirect_vreg.scatter [tilespmem:s4], [sflag:$0x7], $0x80, v4, vm0, $0xb8;
	v63 =	vld [tilespmem:$0x0]  }
0x3c0: {  	s5 =	simm.s32 $0x1A800  }
0x3c1: {  	[hbm4b:s9+s18] =	stream.indirect_vreg.scatter [tilespmem:s5], [sflag:$0x7], $0x80, v4, vm0, $0xb8;
	v63 =	vld [tilespmem:$0x0]  }
0x3c2: {  	s6 =	simm.s32 $0x1B000  }
0x3c3: {  	[hbm4b:s10+s18] =	stream.indirect_vreg.scatter [tilespmem:s6], [sflag:$0x7], $0x80, v4, vm0, $0xb8;
	v63 =	vld [tilespmem:$0x0]  }
0x3c4: {  	s29 =	simm.s32 $0x4;
	s7 =	simm.s32 $0x1B800  }
0x3c5: {  	[hbm4b:s11+s18] =	stream.indirect_vreg.scatter [tilespmem:s7], [sflag:$0x7], $0x80, v4, vm0, $0xb8;
	v63 =	vld [tilespmem:$0x0]  }
0x3c6: {  	_ =	swait.ge [sflag:s29], $0x4000  }
0x3c7: {  	[sflag:s29] =	ssyncset.done $0x0  }
0x3c8: {  	[sflag:s29] =	ssyncadd.s32 $0xFFFFC000  }
0x3c9: {  	v4 =	vld [tilespmem:s16+$0xE000];
	_ =	sdelay $0x4  }
0x3ca: {  	v5 =	vshll.u32 v4, $0x3  }
0x3cb: {  	v4 =	vand.u32 $0x7, v4;
	v5 =	vand.u32 $0xFFFFFFC0, v5  }
0x3cc: {  	v4 =	vor.u32 v4, v5  }
0x3cd: {  	v5 =	vperm.xlane v4, v1;
	_ =	sdelay $0x1  }
0x3ce: {  	v5 =	vadd.s32 v2, v5;
	_ =	sdelay $0x3  }
0x3cf: {  	s8 =	simm.s32 $0x1C000  }
0x3d0: {  	[hbm4b:s3+s18] =	stream.indirect_vreg.scatter [tilespmem:s8], [sflag:$0x8], $0x80, v5, vm0, $0xb8;
	v63 =	vld [tilespmem:$0x0]  }
0x3d1: {  	s15 =	simm.s32 $0x1C800;
	v4 =	vperm.xlane v4, v3  }
0x3d2: {  	[hbm4b:s9+s18] =	stream.indirect_vreg.scatter [tilespmem:s15], [sflag:$0x8], $0x80, v5, vm0, $0xb8;
	v63 =	vld [tilespmem:$0x0]  }
0x3d3: {  	s16 =	simm.s32 $0x1D000;
	v4 =	vadd.s32 v2, v4  }
0x3d4: {  	[hbm4b:s10+s18] =	stream.indirect_vreg.scatter [tilespmem:s16], [sflag:$0x8], $0x80, v5, vm0, $0xb8;
	v63 =	vld [tilespmem:$0x0]  }
0x3d5: {  	s19 =	simm.s32 $0x1D800  }
0x3d6: {  	[hbm4b:s11+s18] =	stream.indirect_vreg.scatter [tilespmem:s19], [sflag:$0x8], $0x80, v5, vm0, $0xb8;
	v63 =	vld [tilespmem:$0x0]  }
0x3d7: {  	s24 =	simm.s32 $0x1E000  }
0x3d8: {  	[hbm4b:s3+s18] =	stream.indirect_vreg.scatter [tilespmem:s24], [sflag:$0x8], $0x80, v4, vm0, $0xb8;
	v63 =	vld [tilespmem:$0x0]  }
0x3d9: {  	p2 =	sne.s32 s26, $0x1;
	s29 =	simm.s32 $0x1E800  }
0x3da: {  	[hbm4b:s9+s18] =	stream.indirect_vreg.scatter [tilespmem:s29], [sflag:$0x8], $0x80, v4, vm0, $0xb8;
	v63 =	vld [tilespmem:$0x0]  }
.Ltmp18:
0x3db: {  	_ = 	snop;
	(pc) =	sbr.rel @p2 .LBB2_26-.Ltmp18, $4  }
0x3dc: {  	s28 =	sadd.s32 $0x4, s28;
	s30 =	simm.s32 $0x1F000  }
0x3dd: {  	[hbm4b:s10+s18] =	stream.indirect_vreg.scatter [tilespmem:s30], [sflag:$0x8], $0x80, v4, vm0, $0xb8;
	v63 =	vld [tilespmem:$0x0]  }
0x3de: {  	s26 =	sadd.s32 $0xFFFFFFFF, s26;
	s0 =	simm.s32 $0x5;
	s31 =	simm.s32 $0x1F800  }
0x3df: {  	[hbm4b:s11+s18] =	stream.indirect_vreg.scatter [tilespmem:s31], [sflag:$0x8], $0x80, v4, vm0, $0xb8;
	v63 =	vld [tilespmem:$0x0]  }
.Ltmp19:
0x3e0: {  	_ = 	snop;
	(pc) =	sbr.rel .LBB2_27-.Ltmp19, $1  }
0x3e1: {  	_ =	sdelay $0x3  }
.LBB2_3:
.Ltmp20:
0x3e2: {  	(pc) =	sbr.rel .LBB2_6-.Ltmp20, $2  }
0x3e3: {  	_ =	sdelay $0x2  }
0x3e4: {  	_ = 	snop  }
.LBB2_28:
0x3e5: {  	_ =	sfence.sel $0x180000  }
0x3e6: {  	[bflag:$0x0] =	sbarrier.arrive $0xFFFF  }
0x3e7: {  	_ =	strace $0x90000047  }
0x3e8: {  	s0 =	stileid.u32;
	[bflag:$0x2] =	sbarrier.arrive $0xFFFF  }
0x3e9: {  	p0 =	sne.s32 s0, $0x0;
	s0 =	rddreg [dreg:$0x4]  }
0x3ea: {  	s0 =	sadd.s32 @!p0 $0x100000, s0  }
0x3eb: {  	[sflag:s0] =	ssyncadd.tile.s32 @!p0 $0x1;
	_ =	shalt  }
.Lfunc_end2:
_tile_overlayer_lowered:
.L_overlay_start_2:
0x3ec: {  	(tag) =	ssettag $0x2  }
0x3ed: {  	s0 =	rddreg [dreg:$0x0];
	s2 =	stileid.u32  }
0x3ee: {  	s1 =	rddreg [dreg:$0x1];
	p0 =	sne.s32 s2, $0x0  }
0x3ef: {  	s3 =	rddreg [dreg:$0x2];
	[bflag:$0x3] =	sbarrier.arrive $0xFFFF;
	s2 =	simm.s32 @!p0 $0x1C09  }
0x3f0: {  	[timem:s3], [sflag:s2] =	dma.local @!p0 [hbm:s0], s1  }
0x3f1: {  	s0 =	simm.s32 @!p0 $0x9  }
0x3f2: {  	_ =	swait.ge @!p0 [sflag:s0], s1  }
0x3f3: {  	s1 =	ssub.s32 @!p0 $0x0, s1;
	[sflag:s0] =	ssyncset.done @!p0 $0x0  }
0x3f4: {  	[sflag:s0] =	ssyncadd.s32 @!p0 s1  }
0x3f5: {  	[bflag:$0x3] =	sbarrier.arrive $0xFFFF  }
0x3f6: {  	_ =	shalt  }

</sc_bundles>
